<compile_context>
chip_gen: v7x
topology: tpu7x:2x2x1
jax: 0.10.2.dev20260603
libtpu: 0.0.44.dev20260713+nightly
codegen_flags: <defaults>
</compile_context>

<pallas_src>
import jax
import jax.numpy as jnp
from jax import lax
from jax.experimental import pallas as pl
from jax.experimental.pallas import tpu as pltpu
from jax.experimental.pallas import tpu_sc as plsc

_B = 1024
_S = 200
_D = 64
_NC = 2
_NS = 16
_NW = _NC * _NS
_UPW = _B // _NW
_L = 16
_VPR = _D // _L


_SP = 256


def _xpose_body(xt_ref, out_ref):
    t = xt_ref[...].T
    out_ref[...] = jnp.pad(t, ((0, 0), (0, _SP - _S)))


def _xpose_call(x_t):
    return pl.pallas_call(
        _xpose_body,
        out_shape=jax.ShapeDtypeStruct((_B, _SP), jnp.int32),
        grid=(_B // 128,),
        in_specs=[pl.BlockSpec((_S, 128), lambda j: (0, j))],
        out_specs=pl.BlockSpec((128, _SP), lambda j: (j, 0)),
    )(x_t)


def _emb_body(x_hbm, tab_hbm, pe_hbm, out_hbm,
              xbuf, pe_v, gb0, gb1,
              gsem0, gsem1, ssem0, ssem1):
    wid = lax.axis_index("s") * _NC + lax.axis_index("c")
    b_lo = wid * _UPW

    pltpu.sync_copy(pe_hbm, pe_v)
    pltpu.sync_copy(x_hbm.at[pl.ds(b_lo, _UPW)], xbuf)

    gb = (gb0, gb1)
    gsems = (gsem0, gsem1)
    ssems = (ssem0, ssem1)

    def fire(u, k):
        pltpu.make_async_copy(
            tab_hbm.at[xbuf.at[u, pl.ds(0, _S)]], gb[k], gsems[k]).start()

    def wait_gather(k):
        pltpu.make_async_copy(
            tab_hbm.at[xbuf.at[0, pl.ds(0, _S)]], gb[k], gsems[k]).wait()

    def add_pe(u, k):
        g_ = gb[k]

        def r_body(r, carry):
            for j in range(_VPR):
                sl = pl.ds(j * _L, _L)
                g_[r, sl] = g_[r, sl] + pe_v[r, sl]
            return carry

        lax.fori_loop(0, _S, r_body, 0, unroll=4)

    def store_cp(u, k):
        return pltpu.make_async_copy(
            gb[k], out_hbm.at[b_lo + u], ssems[k])

    fire(0, 0)
    wait_gather(0)
    fire(1, 1)
    add_pe(0, 0)
    store_cp(0, 0).start()
    wait_gather(1)
    store_cp(0, 0).wait()
    fire(2, 0)
    add_pe(1, 1)
    store_cp(1, 1).start()

    def pair_body(p, carry):
        for k in range(2):
            u = 2 * p + k
            wait_gather(k)
            store_cp(u - 1, 1 - k).wait()
            fire(u + 1, 1 - k)
            add_pe(u, k)
            store_cp(u, k).start()
        return carry

    lax.fori_loop(1, _UPW // 2 - 1, pair_body, 0)

    wait_gather(0)
    store_cp(_UPW - 3, 1).wait()
    fire(_UPW - 1, 1)
    add_pe(_UPW - 2, 0)
    store_cp(_UPW - 2, 0).start()
    wait_gather(1)
    store_cp(_UPW - 2, 0).wait()
    add_pe(_UPW - 1, 1)
    store_cp(_UPW - 1, 1).start()
    store_cp(_UPW - 1, 1).wait()


def _emb_call(x_flat, table, pe):
    mesh = plsc.VectorSubcoreMesh(
        core_axis_name="c", subcore_axis_name="s",
        num_cores=_NC, num_subcores=_NS)
    return pl.kernel(
        _emb_body,
        out_type=jax.ShapeDtypeStruct((_B, _S, _D), jnp.float32),
        mesh=mesh,
        compiler_params=pltpu.CompilerParams(use_tc_tiling_on_sc=False),
        scratch_types=[
            pltpu.VMEM((_UPW, _SP), jnp.int32),
            pltpu.VMEM((_S, _D), jnp.float32),
            pltpu.VMEM((_S, _D), jnp.float32),
            pltpu.VMEM((_S, _D), jnp.float32),
            pltpu.SemaphoreType.DMA,
            pltpu.SemaphoreType.DMA,
            pltpu.SemaphoreType.DMA,
            pltpu.SemaphoreType.DMA,
        ],
    )(x_flat, table, pe)


def kernel(x, table, pe):
    xp = _xpose_call(x.T.astype(jnp.int32))
    pe_s = pe[: x.shape[1]]
    return _emb_call(xp, table, pe_s)

# --- scband reference (transcript-rebuilt; emitter-appended) ---
"""Pipeline reference for scband-input-embedding-25211458027766 (READ-ONLY COPY).

The authoritative reference and input builder live on the scoring server;
editing this copy changes nothing except your own understanding.
"""

import jax, jax.numpy as jnp
import numpy as np

VOCAB = 1000000
D_MODEL = 64
MAX_LEN = 200
BATCH = 1024
SEQ = 200


def _make_pe(max_len, d_model):
    pos = np.arange(max_len, dtype=np.float32)[:, None]
    div = np.exp(np.arange(0, d_model, 2, dtype=np.float32) * (-np.log(10000.0) / d_model))
    pe = np.zeros((max_len, d_model), dtype=np.float32)
    pe[:, 0::2] = np.sin(pos * div)
    pe[:, 1::2] = np.cos(pos * div)
    return jnp.asarray(pe)


def setup_inputs(seed: int = 0):
    key = jax.random.key(seed)
    k1, k2 = jax.random.split(key)
    x = jax.random.randint(k1, (BATCH, SEQ), 0, VOCAB, dtype=jnp.int32)
    table = jax.random.normal(k2, (VOCAB, D_MODEL), dtype=jnp.float32)
    pe = _make_pe(MAX_LEN, D_MODEL)
    return {"x": x, "table": table, "pe": pe}


def reference(x, table, pe):
    # tok_emb = Embedding(x): gather rows of the table
    tok_emb = jnp.take(table, x, axis=0)  # (B, S, D)
    # pos_emb = PositionalEncoding(x): sinusoidal, sliced to seq length
    pos_emb = pe[: x.shape[1]][None, :, :]  # (1, S, D)
    # dropout is identity in eval mode
    return tok_emb + pos_emb

if __name__ == "__main__":
    import jax
    _d = setup_inputs()
    print(jax.jit(kernel)(*tuple(_d.values())))

</pallas_src>

<mosaic_0001>
#map = affine_map<(d0, d1) -> (0, 0)>
#map1 = affine_map<(d0, d1) -> (0, 0, 0)>
module attributes {stable_mosaic.version = 14 : i64} {
  func.func @_emb_body(%arg0: i32, %arg1: i32, %arg2: memref<1024x256xi32, #tpu.memory_space<hbm>>, %arg3: memref<1000000x64xf32, #tpu.memory_space<hbm>>, %arg4: memref<200x64xf32, #tpu.memory_space<hbm>>, %arg5: memref<1024x200x64xf32, #tpu.memory_space<hbm>>, %arg6: memref<32x256xi32, #tpu.memory_space<vmem>>, %arg7: memref<200x64xf32, #tpu.memory_space<vmem>>, %arg8: memref<200x64xf32, #tpu.memory_space<vmem>>, %arg9: memref<200x64xf32, #tpu.memory_space<vmem>>, %arg10: memref<!tpu.dma_semaphore, #tpu.memory_space<semaphore_mem>>, %arg11: memref<!tpu.dma_semaphore, #tpu.memory_space<semaphore_mem>>, %arg12: memref<!tpu.dma_semaphore, #tpu.memory_space<semaphore_mem>>, %arg13: memref<!tpu.dma_semaphore, #tpu.memory_space<semaphore_mem>>) attributes {dimension_semantics = [#tpu.dimension_semantics<core_parallel>, #tpu.dimension_semantics<subcore_parallel>], iteration_bounds = array<i64: 2, 16>, scalar_prefetch = 0 : i64, scratch_operands = 8 : i64, tpu.core_type = #tpu.core_type<sc_vector_subcore>, window_params = [{transform_indices = #map}, {transform_indices = #map}, {transform_indices = #map}, {transform_indices = #map1}]} {
    %mul3A = arith.constant 2 : i32
    %mul3A_0 = arith.muli %arg1, %mul3A : i32
    %add3A = arith.addi %mul3A_0, %arg0 : i32
    %mul3A_1 = arith.constant 32 : i32
    %mul3A_2 = arith.muli %add3A, %mul3A_1 : i32
    "tpu.region"() ({
      %run_scoped3A = tpu.sem_alloc : memref<!tpu.dma_semaphore, #tpu.memory_space<semaphore_mem>>
      tpu.enqueue_dma source(%arg4 : memref<200x64xf32, #tpu.memory_space<hbm>>) target(%arg7 : memref<200x64xf32, #tpu.memory_space<vmem>>) target_semaphore(%run_scoped3A : memref<!tpu.dma_semaphore, #tpu.memory_space<semaphore_mem>>)
      tpu.wait_dma2 semaphore(%run_scoped3A : memref<!tpu.dma_semaphore, #tpu.memory_space<semaphore_mem>>) src(%arg4 : memref<200x64xf32, #tpu.memory_space<hbm>>) dst(%arg7 : memref<200x64xf32, #tpu.memory_space<vmem>>)
      tpu.yield
    }) : () -> ()
    "tpu.region"() ({
      %run_scoped3A = tpu.sem_alloc : memref<!tpu.dma_semaphore, #tpu.memory_space<semaphore_mem>>
      %dma_start3A_166 = arith.constant 0 : i32
      %dma_start3A_167 = tpu.memref_slice %arg2[%mul3A_2, %dma_start3A_166] : memref<1024x256xi32, #tpu.memory_space<hbm>> -> memref<32x256xi32, #tpu.memory_space<hbm>>
      %dma_start3A_168 = arith.constant 0 : i32
      %dma_start3A_169 = tpu.memref_slice %arg2[%mul3A_2, %dma_start3A_168] : memref<1024x256xi32, #tpu.memory_space<hbm>> -> memref<32x256xi32, #tpu.memory_space<hbm>>
      tpu.enqueue_dma source(%dma_start3A_169 : memref<32x256xi32, #tpu.memory_space<hbm>>) target(%arg6 : memref<32x256xi32, #tpu.memory_space<vmem>>) target_semaphore(%run_scoped3A : memref<!tpu.dma_semaphore, #tpu.memory_space<semaphore_mem>>)
      %dma_wait3A_170 = arith.constant 0 : i32
      %dma_wait3A_171 = tpu.memref_slice %arg2[%mul3A_2, %dma_wait3A_170] : memref<1024x256xi32, #tpu.memory_space<hbm>> -> memref<32x256xi32, #tpu.memory_space<hbm>>
      %dma_wait3A_172 = arith.constant 0 : i32
      %dma_wait3A_173 = tpu.memref_slice %arg2[%mul3A_2, %dma_wait3A_172] : memref<1024x256xi32, #tpu.memory_space<hbm>> -> memref<32x256xi32, #tpu.memory_space<hbm>>
      tpu.wait_dma2 semaphore(%run_scoped3A : memref<!tpu.dma_semaphore, #tpu.memory_space<semaphore_mem>>) src(%dma_wait3A_173 : memref<32x256xi32, #tpu.memory_space<hbm>>) dst(%arg6 : memref<32x256xi32, #tpu.memory_space<vmem>>)
      tpu.yield
    }) : () -> ()
    %dma_start3A = arith.constant 0 : i32
    %dma_start3A_3 = arith.constant 0 : i32
    %dma_start3A_4 = tpu.memref_slice %arg6[%dma_start3A, %dma_start3A_3] : memref<32x256xi32, #tpu.memory_space<vmem>> -> memref<1x200xi32, #tpu.memory_space<vmem>>
    %dma_start3A_5 = tpu.memref_squeeze %dma_start3A_4 : memref<1x200xi32, #tpu.memory_space<vmem>> -> memref<200xi32, #tpu.memory_space<vmem>>
    %dma_start3A_6 = arith.constant 0 : i32
    %dma_start3A_7 = arith.constant 0 : i32
    %dma_start3A_8 = tpu.memref_slice %arg3[%dma_start3A_6, %dma_start3A_7] : memref<1000000x64xf32, #tpu.memory_space<hbm>> -> memref<1000000x64xf32, #tpu.memory_space<hbm>>
    tpu.enqueue_indirect_dma source(%dma_start3A_8 : memref<1000000x64xf32, #tpu.memory_space<hbm>>) target(%arg8 : memref<200x64xf32, #tpu.memory_space<vmem>>) offsets(%dma_start3A_5 : memref<200xi32, #tpu.memory_space<vmem>>) semaphore(%arg10 : memref<!tpu.dma_semaphore, #tpu.memory_space<semaphore_mem>>)
    %dma_wait3A = arith.constant 0 : i32
    %dma_wait3A_9 = arith.constant 0 : i32
    %dma_wait3A_10 = tpu.memref_slice %arg6[%dma_wait3A, %dma_wait3A_9] : memref<32x256xi32, #tpu.memory_space<vmem>> -> memref<1x200xi32, #tpu.memory_space<vmem>>
    %dma_wait3A_11 = tpu.memref_squeeze %dma_wait3A_10 : memref<1x200xi32, #tpu.memory_space<vmem>> -> memref<200xi32, #tpu.memory_space<vmem>>
    %dma_wait3A_12 = arith.constant 0 : i32
    %dma_wait3A_13 = arith.constant 0 : i32
    %dma_wait3A_14 = tpu.memref_slice %arg3[%dma_wait3A_12, %dma_wait3A_13] : memref<1000000x64xf32, #tpu.memory_space<hbm>> -> memref<1000000x64xf32, #tpu.memory_space<hbm>>
    tpu.wait_indirect_dma semaphore(%arg10 : memref<!tpu.dma_semaphore, #tpu.memory_space<semaphore_mem>>) src(%dma_wait3A_14 : memref<1000000x64xf32, #tpu.memory_space<hbm>>) dst(%arg8 : memref<200x64xf32, #tpu.memory_space<vmem>>)
    %dma_start3A_15 = arith.constant 1 : i32
    %dma_start3A_16 = arith.constant 0 : i32
    %dma_start3A_17 = tpu.memref_slice %arg6[%dma_start3A_15, %dma_start3A_16] : memref<32x256xi32, #tpu.memory_space<vmem>> -> memref<1x200xi32, #tpu.memory_space<vmem>>
    %dma_start3A_18 = tpu.memref_squeeze %dma_start3A_17 : memref<1x200xi32, #tpu.memory_space<vmem>> -> memref<200xi32, #tpu.memory_space<vmem>>
    %dma_start3A_19 = arith.constant 0 : i32
    %dma_start3A_20 = arith.constant 0 : i32
    %dma_start3A_21 = tpu.memref_slice %arg3[%dma_start3A_19, %dma_start3A_20] : memref<1000000x64xf32, #tpu.memory_space<hbm>> -> memref<1000000x64xf32, #tpu.memory_space<hbm>>
    tpu.enqueue_indirect_dma source(%dma_start3A_21 : memref<1000000x64xf32, #tpu.memory_space<hbm>>) target(%arg9 : memref<200x64xf32, #tpu.memory_space<vmem>>) offsets(%dma_start3A_18 : memref<200xi32, #tpu.memory_space<vmem>>) semaphore(%arg11 : memref<!tpu.dma_semaphore, #tpu.memory_space<semaphore_mem>>)
    %scan3A = arith.constant 0 : i32
    %scan3A_22 = arith.constant 0 : i32
    %scan3A_23 = arith.constant 200 : i32
    %scan3A_24 = arith.addi %scan3A_22, %scan3A_23 : i32
    %scan3A_25 = arith.constant 4 : i32
    scf.for %scan3A_166 = %scan3A_22 to %scan3A_24 step %scan3A_25  : i32 {
      %get3A = arith.index_cast %scan3A_166 : i32 to index
      %get3A_167 = arith.constant 0 : index
      %get3A_168 = tpu.vector_load %arg8[%get3A, %get3A_167] {strides = array<i32>} : memref<200x64xf32, #tpu.memory_space<vmem>>, vector<1x16xf32>,
      %get3A_169 = vector.shape_cast %get3A_168 : vector<1x16xf32> to vector<16xf32>
      %get3A_170 = arith.index_cast %scan3A_166 : i32 to index
      %get3A_171 = arith.constant 0 : index
      %get3A_172 = tpu.vector_load %arg7[%get3A_170, %get3A_171] {strides = array<i32>} : memref<200x64xf32, #tpu.memory_space<vmem>>, vector<1x16xf32>,
      %get3A_173 = vector.shape_cast %get3A_172 : vector<1x16xf32> to vector<16xf32>
      %add3A_174 = arith.addf %get3A_169, %get3A_173 : vector<16xf32>
      %swap3A = arith.index_cast %scan3A_166 : i32 to index
      %swap3A_175 = arith.constant 0 : index
      %swap3A_176 = tpu.vector_load %arg8[%swap3A, %swap3A_175] {strides = array<i32>} : memref<200x64xf32, #tpu.memory_space<vmem>>, vector<1x16xf32>,
      %swap3A_177 = vector.shape_cast %swap3A_176 : vector<1x16xf32> to vector<16xf32>
      %swap3A_178 = vector.shape_cast %add3A_174 : vector<16xf32> to vector<1x16xf32>
      tpu.vector_store %arg8[%swap3A, %swap3A_175], %swap3A_178 {strides = array<i32>} : memref<200x64xf32, #tpu.memory_space<vmem>>, vector<1x16xf32>,
      %get3A_179 = arith.index_cast %scan3A_166 : i32 to index
      %get3A_180 = arith.constant 16 : index
      %get3A_181 = tpu.vector_load %arg8[%get3A_179, %get3A_180] {strides = array<i32>} : memref<200x64xf32, #tpu.memory_space<vmem>>, vector<1x16xf32>,
      %get3A_182 = vector.shape_cast %get3A_181 : vector<1x16xf32> to vector<16xf32>
      %get3A_183 = arith.index_cast %scan3A_166 : i32 to index
      %get3A_184 = arith.constant 16 : index
      %get3A_185 = tpu.vector_load %arg7[%get3A_183, %get3A_184] {strides = array<i32>} : memref<200x64xf32, #tpu.memory_space<vmem>>, vector<1x16xf32>,
      %get3A_186 = vector.shape_cast %get3A_185 : vector<1x16xf32> to vector<16xf32>
      %add3A_187 = arith.addf %get3A_182, %get3A_186 : vector<16xf32>
      %swap3A_188 = arith.index_cast %scan3A_166 : i32 to index
      %swap3A_189 = arith.constant 16 : index
      %swap3A_190 = tpu.vector_load %arg8[%swap3A_188, %swap3A_189] {strides = array<i32>} : memref<200x64xf32, #tpu.memory_space<vmem>>, vector<1x16xf32>,
      %swap3A_191 = vector.shape_cast %swap3A_190 : vector<1x16xf32> to vector<16xf32>
      %swap3A_192 = vector.shape_cast %add3A_187 : vector<16xf32> to vector<1x16xf32>
      tpu.vector_store %arg8[%swap3A_188, %swap3A_189], %swap3A_192 {strides = array<i32>} : memref<200x64xf32, #tpu.memory_space<vmem>>, vector<1x16xf32>,
      %get3A_193 = arith.index_cast %scan3A_166 : i32 to index
      %get3A_194 = arith.constant 32 : index
      %get3A_195 = tpu.vector_load %arg8[%get3A_193, %get3A_194] {strides = array<i32>} : memref<200x64xf32, #tpu.memory_space<vmem>>, vector<1x16xf32>,
      %get3A_196 = vector.shape_cast %get3A_195 : vector<1x16xf32> to vector<16xf32>
      %get3A_197 = arith.index_cast %scan3A_166 : i32 to index
      %get3A_198 = arith.constant 32 : index
      %get3A_199 = tpu.vector_load %arg7[%get3A_197, %get3A_198] {strides = array<i32>} : memref<200x64xf32, #tpu.memory_space<vmem>>, vector<1x16xf32>,
      %get3A_200 = vector.shape_cast %get3A_199 : vector<1x16xf32> to vector<16xf32>
      %add3A_201 = arith.addf %get3A_196, %get3A_200 : vector<16xf32>
      %swap3A_202 = arith.index_cast %scan3A_166 : i32 to index
      %swap3A_203 = arith.constant 32 : index
      %swap3A_204 = tpu.vector_load %arg8[%swap3A_202, %swap3A_203] {strides = array<i32>} : memref<200x64xf32, #tpu.memory_space<vmem>>, vector<1x16xf32>,
      %swap3A_205 = vector.shape_cast %swap3A_204 : vector<1x16xf32> to vector<16xf32>
      %swap3A_206 = vector.shape_cast %add3A_201 : vector<16xf32> to vector<1x16xf32>
      tpu.vector_store %arg8[%swap3A_202, %swap3A_203], %swap3A_206 {strides = array<i32>} : memref<200x64xf32, #tpu.memory_space<vmem>>, vector<1x16xf32>,
      %get3A_207 = arith.index_cast %scan3A_166 : i32 to index
      %get3A_208 = arith.constant 48 : index
      %get3A_209 = tpu.vector_load %arg8[%get3A_207, %get3A_208] {strides = array<i32>} : memref<200x64xf32, #tpu.memory_space<vmem>>, vector<1x16xf32>,
      %get3A_210 = vector.shape_cast %get3A_209 : vector<1x16xf32> to vector<16xf32>
      %get3A_211 = arith.index_cast %scan3A_166 : i32 to index
      %get3A_212 = arith.constant 48 : index
      %get3A_213 = tpu.vector_load %arg7[%get3A_211, %get3A_212] {strides = array<i32>} : memref<200x64xf32, #tpu.memory_space<vmem>>, vector<1x16xf32>,
      %get3A_214 = vector.shape_cast %get3A_213 : vector<1x16xf32> to vector<16xf32>
      %add3A_215 = arith.addf %get3A_210, %get3A_214 : vector<16xf32>
      %swap3A_216 = arith.index_cast %scan3A_166 : i32 to index
      %swap3A_217 = arith.constant 48 : index
      %swap3A_218 = tpu.vector_load %arg8[%swap3A_216, %swap3A_217] {strides = array<i32>} : memref<200x64xf32, #tpu.memory_space<vmem>>, vector<1x16xf32>,
      %swap3A_219 = vector.shape_cast %swap3A_218 : vector<1x16xf32> to vector<16xf32>
      %swap3A_220 = vector.shape_cast %add3A_215 : vector<16xf32> to vector<1x16xf32>
      tpu.vector_store %arg8[%swap3A_216, %swap3A_217], %swap3A_220 {strides = array<i32>} : memref<200x64xf32, #tpu.memory_space<vmem>>, vector<1x16xf32>,
      %scan3A_221 = arith.constant 1 : i32
      %scan3A_222 = arith.addi %scan3A_166, %scan3A_221 : i32
      %get3A_223 = arith.index_cast %scan3A_222 : i32 to index
      %get3A_224 = arith.constant 0 : index
      %get3A_225 = tpu.vector_load %arg8[%get3A_223, %get3A_224] {strides = array<i32>} : memref<200x64xf32, #tpu.memory_space<vmem>>, vector<1x16xf32>,
      %get3A_226 = vector.shape_cast %get3A_225 : vector<1x16xf32> to vector<16xf32>
      %get3A_227 = arith.index_cast %scan3A_222 : i32 to index
      %get3A_228 = arith.constant 0 : index
      %get3A_229 = tpu.vector_load %arg7[%get3A_227, %get3A_228] {strides = array<i32>} : memref<200x64xf32, #tpu.memory_space<vmem>>, vector<1x16xf32>,
      %get3A_230 = vector.shape_cast %get3A_229 : vector<1x16xf32> to vector<16xf32>
      %add3A_231 = arith.addf %get3A_226, %get3A_230 : vector<16xf32>
      %swap3A_232 = arith.index_cast %scan3A_222 : i32 to index
      %swap3A_233 = arith.constant 0 : index
      %swap3A_234 = tpu.vector_load %arg8[%swap3A_232, %swap3A_233] {strides = array<i32>} : memref<200x64xf32, #tpu.memory_space<vmem>>, vector<1x16xf32>,
      %swap3A_235 = vector.shape_cast %swap3A_234 : vector<1x16xf32> to vector<16xf32>
      %swap3A_236 = vector.shape_cast %add3A_231 : vector<16xf32> to vector<1x16xf32>
      tpu.vector_store %arg8[%swap3A_232, %swap3A_233], %swap3A_236 {strides = array<i32>} : memref<200x64xf32, #tpu.memory_space<vmem>>, vector<1x16xf32>,
      %get3A_237 = arith.index_cast %scan3A_222 : i32 to index
      %get3A_238 = arith.constant 16 : index
      %get3A_239 = tpu.vector_load %arg8[%get3A_237, %get3A_238] {strides = array<i32>} : memref<200x64xf32, #tpu.memory_space<vmem>>, vector<1x16xf32>,
      %get3A_240 = vector.shape_cast %get3A_239 : vector<1x16xf32> to vector<16xf32>
      %get3A_241 = arith.index_cast %scan3A_222 : i32 to index
      %get3A_242 = arith.constant 16 : index
      %get3A_243 = tpu.vector_load %arg7[%get3A_241, %get3A_242] {strides = array<i32>} : memref<200x64xf32, #tpu.memory_space<vmem>>, vector<1x16xf32>,
      %get3A_244 = vector.shape_cast %get3A_243 : vector<1x16xf32> to vector<16xf32>
      %add3A_245 = arith.addf %get3A_240, %get3A_244 : vector<16xf32>
      %swap3A_246 = arith.index_cast %scan3A_222 : i32 to index
      %swap3A_247 = arith.constant 16 : index
      %swap3A_248 = tpu.vector_load %arg8[%swap3A_246, %swap3A_247] {strides = array<i32>} : memref<200x64xf32, #tpu.memory_space<vmem>>, vector<1x16xf32>,
      %swap3A_249 = vector.shape_cast %swap3A_248 : vector<1x16xf32> to vector<16xf32>
      %swap3A_250 = vector.shape_cast %add3A_245 : vector<16xf32> to vector<1x16xf32>
      tpu.vector_store %arg8[%swap3A_246, %swap3A_247], %swap3A_250 {strides = array<i32>} : memref<200x64xf32, #tpu.memory_space<vmem>>, vector<1x16xf32>,
      %get3A_251 = arith.index_cast %scan3A_222 : i32 to index
      %get3A_252 = arith.constant 32 : index
      %get3A_253 = tpu.vector_load %arg8[%get3A_251, %get3A_252] {strides = array<i32>} : memref<200x64xf32, #tpu.memory_space<vmem>>, vector<1x16xf32>,
      %get3A_254 = vector.shape_cast %get3A_253 : vector<1x16xf32> to vector<16xf32>
      %get3A_255 = arith.index_cast %scan3A_222 : i32 to index
      %get3A_256 = arith.constant 32 : index
      %get3A_257 = tpu.vector_load %arg7[%get3A_255, %get3A_256] {strides = array<i32>} : memref<200x64xf32, #tpu.memory_space<vmem>>, vector<1x16xf32>,
      %get3A_258 = vector.shape_cast %get3A_257 : vector<1x16xf32> to vector<16xf32>
      %add3A_259 = arith.addf %get3A_254, %get3A_258 : vector<16xf32>
      %swap3A_260 = arith.index_cast %scan3A_222 : i32 to index
      %swap3A_261 = arith.constant 32 : index
      %swap3A_262 = tpu.vector_load %arg8[%swap3A_260, %swap3A_261] {strides = array<i32>} : memref<200x64xf32, #tpu.memory_space<vmem>>, vector<1x16xf32>,
      %swap3A_263 = vector.shape_cast %swap3A_262 : vector<1x16xf32> to vector<16xf32>
      %swap3A_264 = vector.shape_cast %add3A_259 : vector<16xf32> to vector<1x16xf32>
      tpu.vector_store %arg8[%swap3A_260, %swap3A_261], %swap3A_264 {strides = array<i32>} : memref<200x64xf32, #tpu.memory_space<vmem>>, vector<1x16xf32>,
      %get3A_265 = arith.index_cast %scan3A_222 : i32 to index
      %get3A_266 = arith.constant 48 : index
      %get3A_267 = tpu.vector_load %arg8[%get3A_265, %get3A_266] {strides = array<i32>} : memref<200x64xf32, #tpu.memory_space<vmem>>, vector<1x16xf32>,
      %get3A_268 = vector.shape_cast %get3A_267 : vector<1x16xf32> to vector<16xf32>
      %get3A_269 = arith.index_cast %scan3A_222 : i32 to index
      %get3A_270 = arith.constant 48 : index
      %get3A_271 = tpu.vector_load %arg7[%get3A_269, %get3A_270] {strides = array<i32>} : memref<200x64xf32, #tpu.memory_space<vmem>>, vector<1x16xf32>,
      %get3A_272 = vector.shape_cast %get3A_271 : vector<1x16xf32> to vector<16xf32>
      %add3A_273 = arith.addf %get3A_268, %get3A_272 : vector<16xf32>
      %swap3A_274 = arith.index_cast %scan3A_222 : i32 to index
      %swap3A_275 = arith.constant 48 : index
      %swap3A_276 = tpu.vector_load %arg8[%swap3A_274, %swap3A_275] {strides = array<i32>} : memref<200x64xf32, #tpu.memory_space<vmem>>, vector<1x16xf32>,
      %swap3A_277 = vector.shape_cast %swap3A_276 : vector<1x16xf32> to vector<16xf32>
      %swap3A_278 = vector.shape_cast %add3A_273 : vector<16xf32> to vector<1x16xf32>
      tpu.vector_store %arg8[%swap3A_274, %swap3A_275], %swap3A_278 {strides = array<i32>} : memref<200x64xf32, #tpu.memory_space<vmem>>, vector<1x16xf32>,
      %scan3A_279 = arith.constant 2 : i32
      %scan3A_280 = arith.addi %scan3A_166, %scan3A_279 : i32
      %get3A_281 = arith.index_cast %scan3A_280 : i32 to index
      %get3A_282 = arith.constant 0 : index
      %get3A_283 = tpu.vector_load %arg8[%get3A_281, %get3A_282] {strides = array<i32>} : memref<200x64xf32, #tpu.memory_space<vmem>>, vector<1x16xf32>,
      %get3A_284 = vector.shape_cast %get3A_283 : vector<1x16xf32> to vector<16xf32>
      %get3A_285 = arith.index_cast %scan3A_280 : i32 to index
      %get3A_286 = arith.constant 0 : index
      %get3A_287 = tpu.vector_load %arg7[%get3A_285, %get3A_286] {strides = array<i32>} : memref<200x64xf32, #tpu.memory_space<vmem>>, vector<1x16xf32>,
      %get3A_288 = vector.shape_cast %get3A_287 : vector<1x16xf32> to vector<16xf32>
      %add3A_289 = arith.addf %get3A_284, %get3A_288 : vector<16xf32>
      %swap3A_290 = arith.index_cast %scan3A_280 : i32 to index
      %swap3A_291 = arith.constant 0 : index
      %swap3A_292 = tpu.vector_load %arg8[%swap3A_290, %swap3A_291] {strides = array<i32>} : memref<200x64xf32, #tpu.memory_space<vmem>>, vector<1x16xf32>,
      %swap3A_293 = vector.shape_cast %swap3A_292 : vector<1x16xf32> to vector<16xf32>
      %swap3A_294 = vector.shape_cast %add3A_289 : vector<16xf32> to vector<1x16xf32>
      tpu.vector_store %arg8[%swap3A_290, %swap3A_291], %swap3A_294 {strides = array<i32>} : memref<200x64xf32, #tpu.memory_space<vmem>>, vector<1x16xf32>,
      %get3A_295 = arith.index_cast %scan3A_280 : i32 to index
      %get3A_296 = arith.constant 16 : index
      %get3A_297 = tpu.vector_load %arg8[%get3A_295, %get3A_296] {strides = array<i32>} : memref<200x64xf32, #tpu.memory_space<vmem>>, vector<1x16xf32>,
      %get3A_298 = vector.shape_cast %get3A_297 : vector<1x16xf32> to vector<16xf32>
      %get3A_299 = arith.index_cast %scan3A_280 : i32 to index
      %get3A_300 = arith.constant 16 : index
      %get3A_301 = tpu.vector_load %arg7[%get3A_299, %get3A_300] {strides = array<i32>} : memref<200x64xf32, #tpu.memory_space<vmem>>, vector<1x16xf32>,
      %get3A_302 = vector.shape_cast %get3A_301 : vector<1x16xf32> to vector<16xf32>
      %add3A_303 = arith.addf %get3A_298, %get3A_302 : vector<16xf32>
      %swap3A_304 = arith.index_cast %scan3A_280 : i32 to index
      %swap3A_305 = arith.constant 16 : index
      %swap3A_306 = tpu.vector_load %arg8[%swap3A_304, %swap3A_305] {strides = array<i32>} : memref<200x64xf32, #tpu.memory_space<vmem>>, vector<1x16xf32>,
      %swap3A_307 = vector.shape_cast %swap3A_306 : vector<1x16xf32> to vector<16xf32>
      %swap3A_308 = vector.shape_cast %add3A_303 : vector<16xf32> to vector<1x16xf32>
      tpu.vector_store %arg8[%swap3A_304, %swap3A_305], %swap3A_308 {strides = array<i32>} : memref<200x64xf32, #tpu.memory_space<vmem>>, vector<1x16xf32>,
      %get3A_309 = arith.index_cast %scan3A_280 : i32 to index
      %get3A_310 = arith.constant 32 : index
      %get3A_311 = tpu.vector_load %arg8[%get3A_309, %get3A_310] {strides = array<i32>} : memref<200x64xf32, #tpu.memory_space<vmem>>, vector<1x16xf32>,
      %get3A_312 = vector.shape_cast %get3A_311 : vector<1x16xf32> to vector<16xf32>
      %get3A_313 = arith.index_cast %scan3A_280 : i32 to index
      %get3A_314 = arith.constant 32 : index
      %get3A_315 = tpu.vector_load %arg7[%get3A_313, %get3A_314] {strides = array<i32>} : memref<200x64xf32, #tpu.memory_space<vmem>>, vector<1x16xf32>,
      %get3A_316 = vector.shape_cast %get3A_315 : vector<1x16xf32> to vector<16xf32>
      %add3A_317 = arith.addf %get3A_312, %get3A_316 : vector<16xf32>
      %swap3A_318 = arith.index_cast %scan3A_280 : i32 to index
      %swap3A_319 = arith.constant 32 : index
      %swap3A_320 = tpu.vector_load %arg8[%swap3A_318, %swap3A_319] {strides = array<i32>} : memref<200x64xf32, #tpu.memory_space<vmem>>, vector<1x16xf32>,
      %swap3A_321 = vector.shape_cast %swap3A_320 : vector<1x16xf32> to vector<16xf32>
      %swap3A_322 = vector.shape_cast %add3A_317 : vector<16xf32> to vector<1x16xf32>
      tpu.vector_store %arg8[%swap3A_318, %swap3A_319], %swap3A_322 {strides = array<i32>} : memref<200x64xf32, #tpu.memory_space<vmem>>, vector<1x16xf32>,
      %get3A_323 = arith.index_cast %scan3A_280 : i32 to index
      %get3A_324 = arith.constant 48 : index
      %get3A_325 = tpu.vector_load %arg8[%get3A_323, %get3A_324] {strides = array<i32>} : memref<200x64xf32, #tpu.memory_space<vmem>>, vector<1x16xf32>,
      %get3A_326 = vector.shape_cast %get3A_325 : vector<1x16xf32> to vector<16xf32>
      %get3A_327 = arith.index_cast %scan3A_280 : i32 to index
      %get3A_328 = arith.constant 48 : index
      %get3A_329 = tpu.vector_load %arg7[%get3A_327, %get3A_328] {strides = array<i32>} : memref<200x64xf32, #tpu.memory_space<vmem>>, vector<1x16xf32>,
      %get3A_330 = vector.shape_cast %get3A_329 : vector<1x16xf32> to vector<16xf32>
      %add3A_331 = arith.addf %get3A_326, %get3A_330 : vector<16xf32>
      %swap3A_332 = arith.index_cast %scan3A_280 : i32 to index
      %swap3A_333 = arith.constant 48 : index
      %swap3A_334 = tpu.vector_load %arg8[%swap3A_332, %swap3A_333] {strides = array<i32>} : memref<200x64xf32, #tpu.memory_space<vmem>>, vector<1x16xf32>,
      %swap3A_335 = vector.shape_cast %swap3A_334 : vector<1x16xf32> to vector<16xf32>
      %swap3A_336 = vector.shape_cast %add3A_331 : vector<16xf32> to vector<1x16xf32>
      tpu.vector_store %arg8[%swap3A_332, %swap3A_333], %swap3A_336 {strides = array<i32>} : memref<200x64xf32, #tpu.memory_space<vmem>>, vector<1x16xf32>,
      %scan3A_337 = arith.constant 3 : i32
      %scan3A_338 = arith.addi %scan3A_166, %scan3A_337 : i32
      %get3A_339 = arith.index_cast %scan3A_338 : i32 to index
      %get3A_340 = arith.constant 0 : index
      %get3A_341 = tpu.vector_load %arg8[%get3A_339, %get3A_340] {strides = array<i32>} : memref<200x64xf32, #tpu.memory_space<vmem>>, vector<1x16xf32>,
      %get3A_342 = vector.shape_cast %get3A_341 : vector<1x16xf32> to vector<16xf32>
      %get3A_343 = arith.index_cast %scan3A_338 : i32 to index
      %get3A_344 = arith.constant 0 : index
      %get3A_345 = tpu.vector_load %arg7[%get3A_343, %get3A_344] {strides = array<i32>} : memref<200x64xf32, #tpu.memory_space<vmem>>, vector<1x16xf32>,
      %get3A_346 = vector.shape_cast %get3A_345 : vector<1x16xf32> to vector<16xf32>
      %add3A_347 = arith.addf %get3A_342, %get3A_346 : vector<16xf32>
      %swap3A_348 = arith.index_cast %scan3A_338 : i32 to index
      %swap3A_349 = arith.constant 0 : index
      %swap3A_350 = tpu.vector_load %arg8[%swap3A_348, %swap3A_349] {strides = array<i32>} : memref<200x64xf32, #tpu.memory_space<vmem>>, vector<1x16xf32>,
      %swap3A_351 = vector.shape_cast %swap3A_350 : vector<1x16xf32> to vector<16xf32>
      %swap3A_352 = vector.shape_cast %add3A_347 : vector<16xf32> to vector<1x16xf32>
      tpu.vector_store %arg8[%swap3A_348, %swap3A_349], %swap3A_352 {strides = array<i32>} : memref<200x64xf32, #tpu.memory_space<vmem>>, vector<1x16xf32>,
      %get3A_353 = arith.index_cast %scan3A_338 : i32 to index
      %get3A_354 = arith.constant 16 : index
      %get3A_355 = tpu.vector_load %arg8[%get3A_353, %get3A_354] {strides = array<i32>} : memref<200x64xf32, #tpu.memory_space<vmem>>, vector<1x16xf32>,
      %get3A_356 = vector.shape_cast %get3A_355 : vector<1x16xf32> to vector<16xf32>
      %get3A_357 = arith.index_cast %scan3A_338 : i32 to index
      %get3A_358 = arith.constant 16 : index
      %get3A_359 = tpu.vector_load %arg7[%get3A_357, %get3A_358] {strides = array<i32>} : memref<200x64xf32, #tpu.memory_space<vmem>>, vector<1x16xf32>,
      %get3A_360 = vector.shape_cast %get3A_359 : vector<1x16xf32> to vector<16xf32>
      %add3A_361 = arith.addf %get3A_356, %get3A_360 : vector<16xf32>
      %swap3A_362 = arith.index_cast %scan3A_338 : i32 to index
      %swap3A_363 = arith.constant 16 : index
      %swap3A_364 = tpu.vector_load %arg8[%swap3A_362, %swap3A_363] {strides = array<i32>} : memref<200x64xf32, #tpu.memory_space<vmem>>, vector<1x16xf32>,
      %swap3A_365 = vector.shape_cast %swap3A_364 : vector<1x16xf32> to vector<16xf32>
      %swap3A_366 = vector.shape_cast %add3A_361 : vector<16xf32> to vector<1x16xf32>
      tpu.vector_store %arg8[%swap3A_362, %swap3A_363], %swap3A_366 {strides = array<i32>} : memref<200x64xf32, #tpu.memory_space<vmem>>, vector<1x16xf32>,
      %get3A_367 = arith.index_cast %scan3A_338 : i32 to index
      %get3A_368 = arith.constant 32 : index
      %get3A_369 = tpu.vector_load %arg8[%get3A_367, %get3A_368] {strides = array<i32>} : memref<200x64xf32, #tpu.memory_space<vmem>>, vector<1x16xf32>,
      %get3A_370 = vector.shape_cast %get3A_369 : vector<1x16xf32> to vector<16xf32>
      %get3A_371 = arith.index_cast %scan3A_338 : i32 to index
      %get3A_372 = arith.constant 32 : index
      %get3A_373 = tpu.vector_load %arg7[%get3A_371, %get3A_372] {strides = array<i32>} : memref<200x64xf32, #tpu.memory_space<vmem>>, vector<1x16xf32>,
      %get3A_374 = vector.shape_cast %get3A_373 : vector<1x16xf32> to vector<16xf32>
      %add3A_375 = arith.addf %get3A_370, %get3A_374 : vector<16xf32>
      %swap3A_376 = arith.index_cast %scan3A_338 : i32 to index
      %swap3A_377 = arith.constant 32 : index
      %swap3A_378 = tpu.vector_load %arg8[%swap3A_376, %swap3A_377] {strides = array<i32>} : memref<200x64xf32, #tpu.memory_space<vmem>>, vector<1x16xf32>,
      %swap3A_379 = vector.shape_cast %swap3A_378 : vector<1x16xf32> to vector<16xf32>
      %swap3A_380 = vector.shape_cast %add3A_375 : vector<16xf32> to vector<1x16xf32>
      tpu.vector_store %arg8[%swap3A_376, %swap3A_377], %swap3A_380 {strides = array<i32>} : memref<200x64xf32, #tpu.memory_space<vmem>>, vector<1x16xf32>,
      %get3A_381 = arith.index_cast %scan3A_338 : i32 to index
      %get3A_382 = arith.constant 48 : index
      %get3A_383 = tpu.vector_load %arg8[%get3A_381, %get3A_382] {strides = array<i32>} : memref<200x64xf32, #tpu.memory_space<vmem>>, vector<1x16xf32>,
      %get3A_384 = vector.shape_cast %get3A_383 : vector<1x16xf32> to vector<16xf32>
      %get3A_385 = arith.index_cast %scan3A_338 : i32 to index
      %get3A_386 = arith.constant 48 : index
      %get3A_387 = tpu.vector_load %arg7[%get3A_385, %get3A_386] {strides = array<i32>} : memref<200x64xf32, #tpu.memory_space<vmem>>, vector<1x16xf32>,
      %get3A_388 = vector.shape_cast %get3A_387 : vector<1x16xf32> to vector<16xf32>
      %add3A_389 = arith.addf %get3A_384, %get3A_388 : vector<16xf32>
      %swap3A_390 = arith.index_cast %scan3A_338 : i32 to index
      %swap3A_391 = arith.constant 48 : index
      %swap3A_392 = tpu.vector_load %arg8[%swap3A_390, %swap3A_391] {strides = array<i32>} : memref<200x64xf32, #tpu.memory_space<vmem>>, vector<1x16xf32>,
      %swap3A_393 = vector.shape_cast %swap3A_392 : vector<1x16xf32> to vector<16xf32>
      %swap3A_394 = vector.shape_cast %add3A_389 : vector<16xf32> to vector<1x16xf32>
      tpu.vector_store %arg8[%swap3A_390, %swap3A_391], %swap3A_394 {strides = array<i32>} : memref<200x64xf32, #tpu.memory_space<vmem>>, vector<1x16xf32>,
    }
    %scan3A_26 = arith.constant 200 : i32
    %add3A_27 = arith.constant 0 : i32
    %add3A_28 = arith.addi %mul3A_2, %add3A_27 : i32
    %dma_start3A_29 = arith.constant 0 : i32
    %dma_start3A_30 = arith.constant 0 : i32
    %dma_start3A_31 = tpu.memref_slice %arg5[%add3A_28, %dma_start3A_29, %dma_start3A_30] : memref<1024x200x64xf32, #tpu.memory_space<hbm>> -> memref<1x200x64xf32, #tpu.memory_space<hbm>>
    %dma_start3A_32 = tpu.memref_squeeze %dma_start3A_31 : memref<1x200x64xf32, #tpu.memory_space<hbm>> -> memref<200x64xf32, #tpu.memory_space<hbm>>
    %dma_start3A_33 = arith.constant 0 : i32
    %dma_start3A_34 = arith.constant 0 : i32
    %dma_start3A_35 = tpu.memref_slice %arg5[%add3A_28, %dma_start3A_33, %dma_start3A_34] : memref<1024x200x64xf32, #tpu.memory_space<hbm>> -> memref<1x200x64xf32, #tpu.memory_space<hbm>>
    %dma_start3A_36 = tpu.memref_squeeze %dma_start3A_35 : memref<1x200x64xf32, #tpu.memory_space<hbm>> -> memref<200x64xf32, #tpu.memory_space<hbm>>
    tpu.enqueue_dma source(%arg8 : memref<200x64xf32, #tpu.memory_space<vmem>>) target(%dma_start3A_36 : memref<200x64xf32, #tpu.memory_space<hbm>>) target_semaphore(%arg12 : memref<!tpu.dma_semaphore, #tpu.memory_space<semaphore_mem>>)
    %dma_wait3A_37 = arith.constant 0 : i32
    %dma_wait3A_38 = arith.constant 0 : i32
    %dma_wait3A_39 = tpu.memref_slice %arg6[%dma_wait3A_37, %dma_wait3A_38] : memref<32x256xi32, #tpu.memory_space<vmem>> -> memref<1x200xi32, #tpu.memory_space<vmem>>
    %dma_wait3A_40 = tpu.memref_squeeze %dma_wait3A_39 : memref<1x200xi32, #tpu.memory_space<vmem>> -> memref<200xi32, #tpu.memory_space<vmem>>
    %dma_wait3A_41 = arith.constant 0 : i32
    %dma_wait3A_42 = arith.constant 0 : i32
    %dma_wait3A_43 = tpu.memref_slice %arg3[%dma_wait3A_41, %dma_wait3A_42] : memref<1000000x64xf32, #tpu.memory_space<hbm>> -> memref<1000000x64xf32, #tpu.memory_space<hbm>>
    tpu.wait_indirect_dma semaphore(%arg11 : memref<!tpu.dma_semaphore, #tpu.memory_space<semaphore_mem>>) src(%dma_wait3A_43 : memref<1000000x64xf32, #tpu.memory_space<hbm>>) dst(%arg9 : memref<200x64xf32, #tpu.memory_space<vmem>>)
    %add3A_44 = arith.constant 0 : i32
    %add3A_45 = arith.addi %mul3A_2, %add3A_44 : i32
    %dma_wait3A_46 = arith.constant 0 : i32
    %dma_wait3A_47 = arith.constant 0 : i32
    %dma_wait3A_48 = tpu.memref_slice %arg5[%add3A_45, %dma_wait3A_46, %dma_wait3A_47] : memref<1024x200x64xf32, #tpu.memory_space<hbm>> -> memref<1x200x64xf32, #tpu.memory_space<hbm>>
    %dma_wait3A_49 = tpu.memref_squeeze %dma_wait3A_48 : memref<1x200x64xf32, #tpu.memory_space<hbm>> -> memref<200x64xf32, #tpu.memory_space<hbm>>
    %dma_wait3A_50 = arith.constant 0 : i32
    %dma_wait3A_51 = arith.constant 0 : i32
    %dma_wait3A_52 = tpu.memref_slice %arg5[%add3A_45, %dma_wait3A_50, %dma_wait3A_51] : memref<1024x200x64xf32, #tpu.memory_space<hbm>> -> memref<1x200x64xf32, #tpu.memory_space<hbm>>
    %dma_wait3A_53 = tpu.memref_squeeze %dma_wait3A_52 : memref<1x200x64xf32, #tpu.memory_space<hbm>> -> memref<200x64xf32, #tpu.memory_space<hbm>>
    tpu.wait_dma2 semaphore(%arg12 : memref<!tpu.dma_semaphore, #tpu.memory_space<semaphore_mem>>) src(%arg8 : memref<200x64xf32, #tpu.memory_space<vmem>>) dst(%dma_wait3A_53 : memref<200x64xf32, #tpu.memory_space<hbm>>)
    %dma_start3A_54 = arith.constant 2 : i32
    %dma_start3A_55 = arith.constant 0 : i32
    %dma_start3A_56 = tpu.memref_slice %arg6[%dma_start3A_54, %dma_start3A_55] : memref<32x256xi32, #tpu.memory_space<vmem>> -> memref<1x200xi32, #tpu.memory_space<vmem>>
    %dma_start3A_57 = tpu.memref_squeeze %dma_start3A_56 : memref<1x200xi32, #tpu.memory_space<vmem>> -> memref<200xi32, #tpu.memory_space<vmem>>
    %dma_start3A_58 = arith.constant 0 : i32
    %dma_start3A_59 = arith.constant 0 : i32
    %dma_start3A_60 = tpu.memref_slice %arg3[%dma_start3A_58, %dma_start3A_59] : memref<1000000x64xf32, #tpu.memory_space<hbm>> -> memref<1000000x64xf32, #tpu.memory_space<hbm>>
    tpu.enqueue_indirect_dma source(%dma_start3A_60 : memref<1000000x64xf32, #tpu.memory_space<hbm>>) target(%arg8 : memref<200x64xf32, #tpu.memory_space<vmem>>) offsets(%dma_start3A_57 : memref<200xi32, #tpu.memory_space<vmem>>) semaphore(%arg10 : memref<!tpu.dma_semaphore, #tpu.memory_space<semaphore_mem>>)
    %scan3A_61 = arith.constant 0 : i32
    %scan3A_62 = arith.constant 0 : i32
    %scan3A_63 = arith.constant 200 : i32
    %scan3A_64 = arith.addi %scan3A_62, %scan3A_63 : i32
    %scan3A_65 = arith.constant 4 : i32
    scf.for %scan3A_166 = %scan3A_62 to %scan3A_64 step %scan3A_65  : i32 {
      %get3A = arith.index_cast %scan3A_166 : i32 to index
      %get3A_167 = arith.constant 0 : index
      %get3A_168 = tpu.vector_load %arg9[%get3A, %get3A_167] {strides = array<i32>} : memref<200x64xf32, #tpu.memory_space<vmem>>, vector<1x16xf32>,
      %get3A_169 = vector.shape_cast %get3A_168 : vector<1x16xf32> to vector<16xf32>
      %get3A_170 = arith.index_cast %scan3A_166 : i32 to index
      %get3A_171 = arith.constant 0 : index
      %get3A_172 = tpu.vector_load %arg7[%get3A_170, %get3A_171] {strides = array<i32>} : memref<200x64xf32, #tpu.memory_space<vmem>>, vector<1x16xf32>,
      %get3A_173 = vector.shape_cast %get3A_172 : vector<1x16xf32> to vector<16xf32>
      %add3A_174 = arith.addf %get3A_169, %get3A_173 : vector<16xf32>
      %swap3A = arith.index_cast %scan3A_166 : i32 to index
      %swap3A_175 = arith.constant 0 : index
      %swap3A_176 = tpu.vector_load %arg9[%swap3A, %swap3A_175] {strides = array<i32>} : memref<200x64xf32, #tpu.memory_space<vmem>>, vector<1x16xf32>,
      %swap3A_177 = vector.shape_cast %swap3A_176 : vector<1x16xf32> to vector<16xf32>
      %swap3A_178 = vector.shape_cast %add3A_174 : vector<16xf32> to vector<1x16xf32>
      tpu.vector_store %arg9[%swap3A, %swap3A_175], %swap3A_178 {strides = array<i32>} : memref<200x64xf32, #tpu.memory_space<vmem>>, vector<1x16xf32>,
      %get3A_179 = arith.index_cast %scan3A_166 : i32 to index
      %get3A_180 = arith.constant 16 : index
      %get3A_181 = tpu.vector_load %arg9[%get3A_179, %get3A_180] {strides = array<i32>} : memref<200x64xf32, #tpu.memory_space<vmem>>, vector<1x16xf32>,
      %get3A_182 = vector.shape_cast %get3A_181 : vector<1x16xf32> to vector<16xf32>
      %get3A_183 = arith.index_cast %scan3A_166 : i32 to index
      %get3A_184 = arith.constant 16 : index
      %get3A_185 = tpu.vector_load %arg7[%get3A_183, %get3A_184] {strides = array<i32>} : memref<200x64xf32, #tpu.memory_space<vmem>>, vector<1x16xf32>,
      %get3A_186 = vector.shape_cast %get3A_185 : vector<1x16xf32> to vector<16xf32>
      %add3A_187 = arith.addf %get3A_182, %get3A_186 : vector<16xf32>
      %swap3A_188 = arith.index_cast %scan3A_166 : i32 to index
      %swap3A_189 = arith.constant 16 : index
      %swap3A_190 = tpu.vector_load %arg9[%swap3A_188, %swap3A_189] {strides = array<i32>} : memref<200x64xf32, #tpu.memory_space<vmem>>, vector<1x16xf32>,
      %swap3A_191 = vector.shape_cast %swap3A_190 : vector<1x16xf32> to vector<16xf32>
      %swap3A_192 = vector.shape_cast %add3A_187 : vector<16xf32> to vector<1x16xf32>
      tpu.vector_store %arg9[%swap3A_188, %swap3A_189], %swap3A_192 {strides = array<i32>} : memref<200x64xf32, #tpu.memory_space<vmem>>, vector<1x16xf32>,
      %get3A_193 = arith.index_cast %scan3A_166 : i32 to index
      %get3A_194 = arith.constant 32 : index
      %get3A_195 = tpu.vector_load %arg9[%get3A_193, %get3A_194] {strides = array<i32>} : memref<200x64xf32, #tpu.memory_space<vmem>>, vector<1x16xf32>,
      %get3A_196 = vector.shape_cast %get3A_195 : vector<1x16xf32> to vector<16xf32>
      %get3A_197 = arith.index_cast %scan3A_166 : i32 to index
      %get3A_198 = arith.constant 32 : index
      %get3A_199 = tpu.vector_load %arg7[%get3A_197, %get3A_198] {strides = array<i32>} : memref<200x64xf32, #tpu.memory_space<vmem>>, vector<1x16xf32>,
      %get3A_200 = vector.shape_cast %get3A_199 : vector<1x16xf32> to vector<16xf32>
      %add3A_201 = arith.addf %get3A_196, %get3A_200 : vector<16xf32>
      %swap3A_202 = arith.index_cast %scan3A_166 : i32 to index
      %swap3A_203 = arith.constant 32 : index
      %swap3A_204 = tpu.vector_load %arg9[%swap3A_202, %swap3A_203] {strides = array<i32>} : memref<200x64xf32, #tpu.memory_space<vmem>>, vector<1x16xf32>,
      %swap3A_205 = vector.shape_cast %swap3A_204 : vector<1x16xf32> to vector<16xf32>
      %swap3A_206 = vector.shape_cast %add3A_201 : vector<16xf32> to vector<1x16xf32>
      tpu.vector_store %arg9[%swap3A_202, %swap3A_203], %swap3A_206 {strides = array<i32>} : memref<200x64xf32, #tpu.memory_space<vmem>>, vector<1x16xf32>,
      %get3A_207 = arith.index_cast %scan3A_166 : i32 to index
      %get3A_208 = arith.constant 48 : index
      %get3A_209 = tpu.vector_load %arg9[%get3A_207, %get3A_208] {strides = array<i32>} : memref<200x64xf32, #tpu.memory_space<vmem>>, vector<1x16xf32>,
      %get3A_210 = vector.shape_cast %get3A_209 : vector<1x16xf32> to vector<16xf32>
      %get3A_211 = arith.index_cast %scan3A_166 : i32 to index
      %get3A_212 = arith.constant 48 : index
      %get3A_213 = tpu.vector_load %arg7[%get3A_211, %get3A_212] {strides = array<i32>} : memref<200x64xf32, #tpu.memory_space<vmem>>, vector<1x16xf32>,
      %get3A_214 = vector.shape_cast %get3A_213 : vector<1x16xf32> to vector<16xf32>
      %add3A_215 = arith.addf %get3A_210, %get3A_214 : vector<16xf32>
      %swap3A_216 = arith.index_cast %scan3A_166 : i32 to index
      %swap3A_217 = arith.constant 48 : index
      %swap3A_218 = tpu.vector_load %arg9[%swap3A_216, %swap3A_217] {strides = array<i32>} : memref<200x64xf32, #tpu.memory_space<vmem>>, vector<1x16xf32>,
      %swap3A_219 = vector.shape_cast %swap3A_218 : vector<1x16xf32> to vector<16xf32>
      %swap3A_220 = vector.shape_cast %add3A_215 : vector<16xf32> to vector<1x16xf32>
      tpu.vector_store %arg9[%swap3A_216, %swap3A_217], %swap3A_220 {strides = array<i32>} : memref<200x64xf32, #tpu.memory_space<vmem>>, vector<1x16xf32>,
      %scan3A_221 = arith.constant 1 : i32
      %scan3A_222 = arith.addi %scan3A_166, %scan3A_221 : i32
      %get3A_223 = arith.index_cast %scan3A_222 : i32 to index
      %get3A_224 = arith.constant 0 : index
      %get3A_225 = tpu.vector_load %arg9[%get3A_223, %get3A_224] {strides = array<i32>} : memref<200x64xf32, #tpu.memory_space<vmem>>, vector<1x16xf32>,
      %get3A_226 = vector.shape_cast %get3A_225 : vector<1x16xf32> to vector<16xf32>
      %get3A_227 = arith.index_cast %scan3A_222 : i32 to index
      %get3A_228 = arith.constant 0 : index
      %get3A_229 = tpu.vector_load %arg7[%get3A_227, %get3A_228] {strides = array<i32>} : memref<200x64xf32, #tpu.memory_space<vmem>>, vector<1x16xf32>,
      %get3A_230 = vector.shape_cast %get3A_229 : vector<1x16xf32> to vector<16xf32>
      %add3A_231 = arith.addf %get3A_226, %get3A_230 : vector<16xf32>
      %swap3A_232 = arith.index_cast %scan3A_222 : i32 to index
      %swap3A_233 = arith.constant 0 : index
      %swap3A_234 = tpu.vector_load %arg9[%swap3A_232, %swap3A_233] {strides = array<i32>} : memref<200x64xf32, #tpu.memory_space<vmem>>, vector<1x16xf32>,
      %swap3A_235 = vector.shape_cast %swap3A_234 : vector<1x16xf32> to vector<16xf32>
      %swap3A_236 = vector.shape_cast %add3A_231 : vector<16xf32> to vector<1x16xf32>
      tpu.vector_store %arg9[%swap3A_232, %swap3A_233], %swap3A_236 {strides = array<i32>} : memref<200x64xf32, #tpu.memory_space<vmem>>, vector<1x16xf32>,
      %get3A_237 = arith.index_cast %scan3A_222 : i32 to index
      %get3A_238 = arith.constant 16 : index
      %get3A_239 = tpu.vector_load %arg9[%get3A_237, %get3A_238] {strides = array<i32>} : memref<200x64xf32, #tpu.memory_space<vmem>>, vector<1x16xf32>,
      %get3A_240 = vector.shape_cast %get3A_239 : vector<1x16xf32> to vector<16xf32>
      %get3A_241 = arith.index_cast %scan3A_222 : i32 to index
      %get3A_242 = arith.constant 16 : index
      %get3A_243 = tpu.vector_load %arg7[%get3A_241, %get3A_242] {strides = array<i32>} : memref<200x64xf32, #tpu.memory_space<vmem>>, vector<1x16xf32>,
      %get3A_244 = vector.shape_cast %get3A_243 : vector<1x16xf32> to vector<16xf32>
      %add3A_245 = arith.addf %get3A_240, %get3A_244 : vector<16xf32>
      %swap3A_246 = arith.index_cast %scan3A_222 : i32 to index
      %swap3A_247 = arith.constant 16 : index
      %swap3A_248 = tpu.vector_load %arg9[%swap3A_246, %swap3A_247] {strides = array<i32>} : memref<200x64xf32, #tpu.memory_space<vmem>>, vector<1x16xf32>,
      %swap3A_249 = vector.shape_cast %swap3A_248 : vector<1x16xf32> to vector<16xf32>
      %swap3A_250 = vector.shape_cast %add3A_245 : vector<16xf32> to vector<1x16xf32>
      tpu.vector_store %arg9[%swap3A_246, %swap3A_247], %swap3A_250 {strides = array<i32>} : memref<200x64xf32, #tpu.memory_space<vmem>>, vector<1x16xf32>,
      %get3A_251 = arith.index_cast %scan3A_222 : i32 to index
      %get3A_252 = arith.constant 32 : index
      %get3A_253 = tpu.vector_load %arg9[%get3A_251, %get3A_252] {strides = array<i32>} : memref<200x64xf32, #tpu.memory_space<vmem>>, vector<1x16xf32>,
      %get3A_254 = vector.shape_cast %get3A_253 : vector<1x16xf32> to vector<16xf32>
      %get3A_255 = arith.index_cast %scan3A_222 : i32 to index
      %get3A_256 = arith.constant 32 : index
      %get3A_257 = tpu.vector_load %arg7[%get3A_255, %get3A_256] {strides = array<i32>} : memref<200x64xf32, #tpu.memory_space<vmem>>, vector<1x16xf32>,
      %get3A_258 = vector.shape_cast %get3A_257 : vector<1x16xf32> to vector<16xf32>
      %add3A_259 = arith.addf %get3A_254, %get3A_258 : vector<16xf32>
      %swap3A_260 = arith.index_cast %scan3A_222 : i32 to index
      %swap3A_261 = arith.constant 32 : index
      %swap3A_262 = tpu.vector_load %arg9[%swap3A_260, %swap3A_261] {strides = array<i32>} : memref<200x64xf32, #tpu.memory_space<vmem>>, vector<1x16xf32>,
      %swap3A_263 = vector.shape_cast %swap3A_262 : vector<1x16xf32> to vector<16xf32>
      %swap3A_264 = vector.shape_cast %add3A_259 : vector<16xf32> to vector<1x16xf32>
      tpu.vector_store %arg9[%swap3A_260, %swap3A_261], %swap3A_264 {strides = array<i32>} : memref<200x64xf32, #tpu.memory_space<vmem>>, vector<1x16xf32>,
      %get3A_265 = arith.index_cast %scan3A_222 : i32 to index
      %get3A_266 = arith.constant 48 : index
      %get3A_267 = tpu.vector_load %arg9[%get3A_265, %get3A_266] {strides = array<i32>} : memref<200x64xf32, #tpu.memory_space<vmem>>, vector<1x16xf32>,
      %get3A_268 = vector.shape_cast %get3A_267 : vector<1x16xf32> to vector<16xf32>
      %get3A_269 = arith.index_cast %scan3A_222 : i32 to index
      %get3A_270 = arith.constant 48 : index
      %get3A_271 = tpu.vector_load %arg7[%get3A_269, %get3A_270] {strides = array<i32>} : memref<200x64xf32, #tpu.memory_space<vmem>>, vector<1x16xf32>,
      %get3A_272 = vector.shape_cast %get3A_271 : vector<1x16xf32> to vector<16xf32>
      %add3A_273 = arith.addf %get3A_268, %get3A_272 : vector<16xf32>
      %swap3A_274 = arith.index_cast %scan3A_222 : i32 to index
      %swap3A_275 = arith.constant 48 : index
      %swap3A_276 = tpu.vector_load %arg9[%swap3A_274, %swap3A_275] {strides = array<i32>} : memref<200x64xf32, #tpu.memory_space<vmem>>, vector<1x16xf32>,
      %swap3A_277 = vector.shape_cast %swap3A_276 : vector<1x16xf32> to vector<16xf32>
      %swap3A_278 = vector.shape_cast %add3A_273 : vector<16xf32> to vector<1x16xf32>
      tpu.vector_store %arg9[%swap3A_274, %swap3A_275], %swap3A_278 {strides = array<i32>} : memref<200x64xf32, #tpu.memory_space<vmem>>, vector<1x16xf32>,
      %scan3A_279 = arith.constant 2 : i32
      %scan3A_280 = arith.addi %scan3A_166, %scan3A_279 : i32
      %get3A_281 = arith.index_cast %scan3A_280 : i32 to index
      %get3A_282 = arith.constant 0 : index
      %get3A_283 = tpu.vector_load %arg9[%get3A_281, %get3A_282] {strides = array<i32>} : memref<200x64xf32, #tpu.memory_space<vmem>>, vector<1x16xf32>,
      %get3A_284 = vector.shape_cast %get3A_283 : vector<1x16xf32> to vector<16xf32>
      %get3A_285 = arith.index_cast %scan3A_280 : i32 to index
      %get3A_286 = arith.constant 0 : index
      %get3A_287 = tpu.vector_load %arg7[%get3A_285, %get3A_286] {strides = array<i32>} : memref<200x64xf32, #tpu.memory_space<vmem>>, vector<1x16xf32>,
      %get3A_288 = vector.shape_cast %get3A_287 : vector<1x16xf32> to vector<16xf32>
      %add3A_289 = arith.addf %get3A_284, %get3A_288 : vector<16xf32>
      %swap3A_290 = arith.index_cast %scan3A_280 : i32 to index
      %swap3A_291 = arith.constant 0 : index
      %swap3A_292 = tpu.vector_load %arg9[%swap3A_290, %swap3A_291] {strides = array<i32>} : memref<200x64xf32, #tpu.memory_space<vmem>>, vector<1x16xf32>,
      %swap3A_293 = vector.shape_cast %swap3A_292 : vector<1x16xf32> to vector<16xf32>
      %swap3A_294 = vector.shape_cast %add3A_289 : vector<16xf32> to vector<1x16xf32>
      tpu.vector_store %arg9[%swap3A_290, %swap3A_291], %swap3A_294 {strides = array<i32>} : memref<200x64xf32, #tpu.memory_space<vmem>>, vector<1x16xf32>,
      %get3A_295 = arith.index_cast %scan3A_280 : i32 to index
      %get3A_296 = arith.constant 16 : index
      %get3A_297 = tpu.vector_load %arg9[%get3A_295, %get3A_296] {strides = array<i32>} : memref<200x64xf32, #tpu.memory_space<vmem>>, vector<1x16xf32>,
      %get3A_298 = vector.shape_cast %get3A_297 : vector<1x16xf32> to vector<16xf32>
      %get3A_299 = arith.index_cast %scan3A_280 : i32 to index
      %get3A_300 = arith.constant 16 : index
      %get3A_301 = tpu.vector_load %arg7[%get3A_299, %get3A_300] {strides = array<i32>} : memref<200x64xf32, #tpu.memory_space<vmem>>, vector<1x16xf32>,
      %get3A_302 = vector.shape_cast %get3A_301 : vector<1x16xf32> to vector<16xf32>
      %add3A_303 = arith.addf %get3A_298, %get3A_302 : vector<16xf32>
      %swap3A_304 = arith.index_cast %scan3A_280 : i32 to index
      %swap3A_305 = arith.constant 16 : index
      %swap3A_306 = tpu.vector_load %arg9[%swap3A_304, %swap3A_305] {strides = array<i32>} : memref<200x64xf32, #tpu.memory_space<vmem>>, vector<1x16xf32>,
      %swap3A_307 = vector.shape_cast %swap3A_306 : vector<1x16xf32> to vector<16xf32>
      %swap3A_308 = vector.shape_cast %add3A_303 : vector<16xf32> to vector<1x16xf32>
      tpu.vector_store %arg9[%swap3A_304, %swap3A_305], %swap3A_308 {strides = array<i32>} : memref<200x64xf32, #tpu.memory_space<vmem>>, vector<1x16xf32>,
      %get3A_309 = arith.index_cast %scan3A_280 : i32 to index
      %get3A_310 = arith.constant 32 : index
      %get3A_311 = tpu.vector_load %arg9[%get3A_309, %get3A_310] {strides = array<i32>} : memref<200x64xf32, #tpu.memory_space<vmem>>, vector<1x16xf32>,
      %get3A_312 = vector.shape_cast %get3A_311 : vector<1x16xf32> to vector<16xf32>
      %get3A_313 = arith.index_cast %scan3A_280 : i32 to index
      %get3A_314 = arith.constant 32 : index
      %get3A_315 = tpu.vector_load %arg7[%get3A_313, %get3A_314] {strides = array<i32>} : memref<200x64xf32, #tpu.memory_space<vmem>>, vector<1x16xf32>,
      %get3A_316 = vector.shape_cast %get3A_315 : vector<1x16xf32> to vector<16xf32>
      %add3A_317 = arith.addf %get3A_312, %get3A_316 : vector<16xf32>
      %swap3A_318 = arith.index_cast %scan3A_280 : i32 to index
      %swap3A_319 = arith.constant 32 : index
      %swap3A_320 = tpu.vector_load %arg9[%swap3A_318, %swap3A_319] {strides = array<i32>} : memref<200x64xf32, #tpu.memory_space<vmem>>, vector<1x16xf32>,
      %swap3A_321 = vector.shape_cast %swap3A_320 : vector<1x16xf32> to vector<16xf32>
      %swap3A_322 = vector.shape_cast %add3A_317 : vector<16xf32> to vector<1x16xf32>
      tpu.vector_store %arg9[%swap3A_318, %swap3A_319], %swap3A_322 {strides = array<i32>} : memref<200x64xf32, #tpu.memory_space<vmem>>, vector<1x16xf32>,
      %get3A_323 = arith.index_cast %scan3A_280 : i32 to index
      %get3A_324 = arith.constant 48 : index
      %get3A_325 = tpu.vector_load %arg9[%get3A_323, %get3A_324] {strides = array<i32>} : memref<200x64xf32, #tpu.memory_space<vmem>>, vector<1x16xf32>,
      %get3A_326 = vector.shape_cast %get3A_325 : vector<1x16xf32> to vector<16xf32>
      %get3A_327 = arith.index_cast %scan3A_280 : i32 to index
      %get3A_328 = arith.constant 48 : index
      %get3A_329 = tpu.vector_load %arg7[%get3A_327, %get3A_328] {strides = array<i32>} : memref<200x64xf32, #tpu.memory_space<vmem>>, vector<1x16xf32>,
      %get3A_330 = vector.shape_cast %get3A_329 : vector<1x16xf32> to vector<16xf32>
      %add3A_331 = arith.addf %get3A_326, %get3A_330 : vector<16xf32>
      %swap3A_332 = arith.index_cast %scan3A_280 : i32 to index
      %swap3A_333 = arith.constant 48 : index
      %swap3A_334 = tpu.vector_load %arg9[%swap3A_332, %swap3A_333] {strides = array<i32>} : memref<200x64xf32, #tpu.memory_space<vmem>>, vector<1x16xf32>,
      %swap3A_335 = vector.shape_cast %swap3A_334 : vector<1x16xf32> to vector<16xf32>
      %swap3A_336 = vector.shape_cast %add3A_331 : vector<16xf32> to vector<1x16xf32>
      tpu.vector_store %arg9[%swap3A_332, %swap3A_333], %swap3A_336 {strides = array<i32>} : memref<200x64xf32, #tpu.memory_space<vmem>>, vector<1x16xf32>,
      %scan3A_337 = arith.constant 3 : i32
      %scan3A_338 = arith.addi %scan3A_166, %scan3A_337 : i32
      %get3A_339 = arith.index_cast %scan3A_338 : i32 to index
      %get3A_340 = arith.constant 0 : index
      %get3A_341 = tpu.vector_load %arg9[%get3A_339, %get3A_340] {strides = array<i32>} : memref<200x64xf32, #tpu.memory_space<vmem>>, vector<1x16xf32>,
      %get3A_342 = vector.shape_cast %get3A_341 : vector<1x16xf32> to vector<16xf32>
      %get3A_343 = arith.index_cast %scan3A_338 : i32 to index
      %get3A_344 = arith.constant 0 : index
      %get3A_345 = tpu.vector_load %arg7[%get3A_343, %get3A_344] {strides = array<i32>} : memref<200x64xf32, #tpu.memory_space<vmem>>, vector<1x16xf32>,
      %get3A_346 = vector.shape_cast %get3A_345 : vector<1x16xf32> to vector<16xf32>
      %add3A_347 = arith.addf %get3A_342, %get3A_346 : vector<16xf32>
      %swap3A_348 = arith.index_cast %scan3A_338 : i32 to index
      %swap3A_349 = arith.constant 0 : index
      %swap3A_350 = tpu.vector_load %arg9[%swap3A_348, %swap3A_349] {strides = array<i32>} : memref<200x64xf32, #tpu.memory_space<vmem>>, vector<1x16xf32>,
      %swap3A_351 = vector.shape_cast %swap3A_350 : vector<1x16xf32> to vector<16xf32>
      %swap3A_352 = vector.shape_cast %add3A_347 : vector<16xf32> to vector<1x16xf32>
      tpu.vector_store %arg9[%swap3A_348, %swap3A_349], %swap3A_352 {strides = array<i32>} : memref<200x64xf32, #tpu.memory_space<vmem>>, vector<1x16xf32>,
      %get3A_353 = arith.index_cast %scan3A_338 : i32 to index
      %get3A_354 = arith.constant 16 : index
      %get3A_355 = tpu.vector_load %arg9[%get3A_353, %get3A_354] {strides = array<i32>} : memref<200x64xf32, #tpu.memory_space<vmem>>, vector<1x16xf32>,
      %get3A_356 = vector.shape_cast %get3A_355 : vector<1x16xf32> to vector<16xf32>
      %get3A_357 = arith.index_cast %scan3A_338 : i32 to index
      %get3A_358 = arith.constant 16 : index
      %get3A_359 = tpu.vector_load %arg7[%get3A_357, %get3A_358] {strides = array<i32>} : memref<200x64xf32, #tpu.memory_space<vmem>>, vector<1x16xf32>,
      %get3A_360 = vector.shape_cast %get3A_359 : vector<1x16xf32> to vector<16xf32>
      %add3A_361 = arith.addf %get3A_356, %get3A_360 : vector<16xf32>
      %swap3A_362 = arith.index_cast %scan3A_338 : i32 to index
      %swap3A_363 = arith.constant 16 : index
      %swap3A_364 = tpu.vector_load %arg9[%swap3A_362, %swap3A_363] {strides = array<i32>} : memref<200x64xf32, #tpu.memory_space<vmem>>, vector<1x16xf32>,
      %swap3A_365 = vector.shape_cast %swap3A_364 : vector<1x16xf32> to vector<16xf32>
      %swap3A_366 = vector.shape_cast %add3A_361 : vector<16xf32> to vector<1x16xf32>
      tpu.vector_store %arg9[%swap3A_362, %swap3A_363], %swap3A_366 {strides = array<i32>} : memref<200x64xf32, #tpu.memory_space<vmem>>, vector<1x16xf32>,
      %get3A_367 = arith.index_cast %scan3A_338 : i32 to index
      %get3A_368 = arith.constant 32 : index
      %get3A_369 = tpu.vector_load %arg9[%get3A_367, %get3A_368] {strides = array<i32>} : memref<200x64xf32, #tpu.memory_space<vmem>>, vector<1x16xf32>,
      %get3A_370 = vector.shape_cast %get3A_369 : vector<1x16xf32> to vector<16xf32>
      %get3A_371 = arith.index_cast %scan3A_338 : i32 to index
      %get3A_372 = arith.constant 32 : index
      %get3A_373 = tpu.vector_load %arg7[%get3A_371, %get3A_372] {strides = array<i32>} : memref<200x64xf32, #tpu.memory_space<vmem>>, vector<1x16xf32>,
      %get3A_374 = vector.shape_cast %get3A_373 : vector<1x16xf32> to vector<16xf32>
      %add3A_375 = arith.addf %get3A_370, %get3A_374 : vector<16xf32>
      %swap3A_376 = arith.index_cast %scan3A_338 : i32 to index
      %swap3A_377 = arith.constant 32 : index
      %swap3A_378 = tpu.vector_load %arg9[%swap3A_376, %swap3A_377] {strides = array<i32>} : memref<200x64xf32, #tpu.memory_space<vmem>>, vector<1x16xf32>,
      %swap3A_379 = vector.shape_cast %swap3A_378 : vector<1x16xf32> to vector<16xf32>
      %swap3A_380 = vector.shape_cast %add3A_375 : vector<16xf32> to vector<1x16xf32>
      tpu.vector_store %arg9[%swap3A_376, %swap3A_377], %swap3A_380 {strides = array<i32>} : memref<200x64xf32, #tpu.memory_space<vmem>>, vector<1x16xf32>,
      %get3A_381 = arith.index_cast %scan3A_338 : i32 to index
      %get3A_382 = arith.constant 48 : index
      %get3A_383 = tpu.vector_load %arg9[%get3A_381, %get3A_382] {strides = array<i32>} : memref<200x64xf32, #tpu.memory_space<vmem>>, vector<1x16xf32>,
      %get3A_384 = vector.shape_cast %get3A_383 : vector<1x16xf32> to vector<16xf32>
      %get3A_385 = arith.index_cast %scan3A_338 : i32 to index
      %get3A_386 = arith.constant 48 : index
      %get3A_387 = tpu.vector_load %arg7[%get3A_385, %get3A_386] {strides = array<i32>} : memref<200x64xf32, #tpu.memory_space<vmem>>, vector<1x16xf32>,
      %get3A_388 = vector.shape_cast %get3A_387 : vector<1x16xf32> to vector<16xf32>
      %add3A_389 = arith.addf %get3A_384, %get3A_388 : vector<16xf32>
      %swap3A_390 = arith.index_cast %scan3A_338 : i32 to index
      %swap3A_391 = arith.constant 48 : index
      %swap3A_392 = tpu.vector_load %arg9[%swap3A_390, %swap3A_391] {strides = array<i32>} : memref<200x64xf32, #tpu.memory_space<vmem>>, vector<1x16xf32>,
      %swap3A_393 = vector.shape_cast %swap3A_392 : vector<1x16xf32> to vector<16xf32>
      %swap3A_394 = vector.shape_cast %add3A_389 : vector<16xf32> to vector<1x16xf32>
      tpu.vector_store %arg9[%swap3A_390, %swap3A_391], %swap3A_394 {strides = array<i32>} : memref<200x64xf32, #tpu.memory_space<vmem>>, vector<1x16xf32>,
    }
    %scan3A_66 = arith.constant 200 : i32
    %add3A_67 = arith.constant 1 : i32
    %add3A_68 = arith.addi %mul3A_2, %add3A_67 : i32
    %dma_start3A_69 = arith.constant 0 : i32
    %dma_start3A_70 = arith.constant 0 : i32
    %dma_start3A_71 = tpu.memref_slice %arg5[%add3A_68, %dma_start3A_69, %dma_start3A_70] : memref<1024x200x64xf32, #tpu.memory_space<hbm>> -> memref<1x200x64xf32, #tpu.memory_space<hbm>>
    %dma_start3A_72 = tpu.memref_squeeze %dma_start3A_71 : memref<1x200x64xf32, #tpu.memory_space<hbm>> -> memref<200x64xf32, #tpu.memory_space<hbm>>
    %dma_start3A_73 = arith.constant 0 : i32
    %dma_start3A_74 = arith.constant 0 : i32
    %dma_start3A_75 = tpu.memref_slice %arg5[%add3A_68, %dma_start3A_73, %dma_start3A_74] : memref<1024x200x64xf32, #tpu.memory_space<hbm>> -> memref<1x200x64xf32, #tpu.memory_space<hbm>>
    %dma_start3A_76 = tpu.memref_squeeze %dma_start3A_75 : memref<1x200x64xf32, #tpu.memory_space<hbm>> -> memref<200x64xf32, #tpu.memory_space<hbm>>
    tpu.enqueue_dma source(%arg9 : memref<200x64xf32, #tpu.memory_space<vmem>>) target(%dma_start3A_76 : memref<200x64xf32, #tpu.memory_space<hbm>>) target_semaphore(%arg13 : memref<!tpu.dma_semaphore, #tpu.memory_space<semaphore_mem>>)
    %scan3A_77 = arith.constant 0 : i32
    %scan3A_78 = arith.constant 1 : i32
    %scan3A_79 = arith.constant 14 : i32
    %scan3A_80 = arith.addi %scan3A_78, %scan3A_79 : i32
    %scan3A_81 = arith.constant 1 : i32
    scf.for %scan3A_166 = %scan3A_78 to %scan3A_80 step %scan3A_81  : i32 {
      %mul3A_167 = arith.constant 2 : i32
      %mul3A_168 = arith.muli %mul3A_167, %scan3A_166 : i32
      %add3A_169 = arith.constant 0 : i32
      %add3A_170 = arith.addi %mul3A_168, %add3A_169 : i32
      %dma_wait3A_171 = arith.constant 0 : i32
      %dma_wait3A_172 = arith.constant 0 : i32
      %dma_wait3A_173 = tpu.memref_slice %arg6[%dma_wait3A_171, %dma_wait3A_172] : memref<32x256xi32, #tpu.memory_space<vmem>> -> memref<1x200xi32, #tpu.memory_space<vmem>>
      %dma_wait3A_174 = tpu.memref_squeeze %dma_wait3A_173 : memref<1x200xi32, #tpu.memory_space<vmem>> -> memref<200xi32, #tpu.memory_space<vmem>>
      %dma_wait3A_175 = arith.constant 0 : i32
      %dma_wait3A_176 = arith.constant 0 : i32
      %dma_wait3A_177 = tpu.memref_slice %arg3[%dma_wait3A_175, %dma_wait3A_176] : memref<1000000x64xf32, #tpu.memory_space<hbm>> -> memref<1000000x64xf32, #tpu.memory_space<hbm>>
      tpu.wait_indirect_dma semaphore(%arg10 : memref<!tpu.dma_semaphore, #tpu.memory_space<semaphore_mem>>) src(%dma_wait3A_177 : memref<1000000x64xf32, #tpu.memory_space<hbm>>) dst(%arg8 : memref<200x64xf32, #tpu.memory_space<vmem>>)
      %sub3A = arith.constant 1 : i32
      %sub3A_178 = arith.subi %add3A_170, %sub3A : i32
      %add3A_179 = arith.addi %mul3A_2, %sub3A_178 : i32
      %dma_wait3A_180 = arith.constant 0 : i32
      %dma_wait3A_181 = arith.constant 0 : i32
      %dma_wait3A_182 = tpu.memref_slice %arg5[%add3A_179, %dma_wait3A_180, %dma_wait3A_181] : memref<1024x200x64xf32, #tpu.memory_space<hbm>> -> memref<1x200x64xf32, #tpu.memory_space<hbm>>
      %dma_wait3A_183 = tpu.memref_squeeze %dma_wait3A_182 : memref<1x200x64xf32, #tpu.memory_space<hbm>> -> memref<200x64xf32, #tpu.memory_space<hbm>>
      %dma_wait3A_184 = arith.constant 0 : i32
      %dma_wait3A_185 = arith.constant 0 : i32
      %dma_wait3A_186 = tpu.memref_slice %arg5[%add3A_179, %dma_wait3A_184, %dma_wait3A_185] : memref<1024x200x64xf32, #tpu.memory_space<hbm>> -> memref<1x200x64xf32, #tpu.memory_space<hbm>>
      %dma_wait3A_187 = tpu.memref_squeeze %dma_wait3A_186 : memref<1x200x64xf32, #tpu.memory_space<hbm>> -> memref<200x64xf32, #tpu.memory_space<hbm>>
      tpu.wait_dma2 semaphore(%arg13 : memref<!tpu.dma_semaphore, #tpu.memory_space<semaphore_mem>>) src(%arg9 : memref<200x64xf32, #tpu.memory_space<vmem>>) dst(%dma_wait3A_187 : memref<200x64xf32, #tpu.memory_space<hbm>>)
      %add3A_188 = arith.constant 1 : i32
      %add3A_189 = arith.addi %add3A_170, %add3A_188 : i32
      %dma_start3A_190 = arith.constant 0 : i32
      %dma_start3A_191 = tpu.memref_slice %arg6[%add3A_189, %dma_start3A_190] : memref<32x256xi32, #tpu.memory_space<vmem>> -> memref<1x200xi32, #tpu.memory_space<vmem>>
      %dma_start3A_192 = tpu.memref_squeeze %dma_start3A_191 : memref<1x200xi32, #tpu.memory_space<vmem>> -> memref<200xi32, #tpu.memory_space<vmem>>
      %dma_start3A_193 = arith.constant 0 : i32
      %dma_start3A_194 = arith.constant 0 : i32
      %dma_start3A_195 = tpu.memref_slice %arg3[%dma_start3A_193, %dma_start3A_194] : memref<1000000x64xf32, #tpu.memory_space<hbm>> -> memref<1000000x64xf32, #tpu.memory_space<hbm>>
      tpu.enqueue_indirect_dma source(%dma_start3A_195 : memref<1000000x64xf32, #tpu.memory_space<hbm>>) target(%arg9 : memref<200x64xf32, #tpu.memory_space<vmem>>) offsets(%dma_start3A_192 : memref<200xi32, #tpu.memory_space<vmem>>) semaphore(%arg11 : memref<!tpu.dma_semaphore, #tpu.memory_space<semaphore_mem>>)
      %scan3A_196 = arith.constant 0 : i32
      %scan3A_197 = arith.constant 0 : i32
      %scan3A_198 = arith.constant 200 : i32
      %scan3A_199 = arith.addi %scan3A_197, %scan3A_198 : i32
      %scan3A_200 = arith.constant 4 : i32
      scf.for %scan3A_256 = %scan3A_197 to %scan3A_199 step %scan3A_200  : i32 {
        %get3A = arith.index_cast %scan3A_256 : i32 to index
        %get3A_257 = arith.constant 0 : index
        %get3A_258 = tpu.vector_load %arg8[%get3A, %get3A_257] {strides = array<i32>} : memref<200x64xf32, #tpu.memory_space<vmem>>, vector<1x16xf32>,
        %get3A_259 = vector.shape_cast %get3A_258 : vector<1x16xf32> to vector<16xf32>
        %get3A_260 = arith.index_cast %scan3A_256 : i32 to index
        %get3A_261 = arith.constant 0 : index
        %get3A_262 = tpu.vector_load %arg7[%get3A_260, %get3A_261] {strides = array<i32>} : memref<200x64xf32, #tpu.memory_space<vmem>>, vector<1x16xf32>,
        %get3A_263 = vector.shape_cast %get3A_262 : vector<1x16xf32> to vector<16xf32>
        %add3A_264 = arith.addf %get3A_259, %get3A_263 : vector<16xf32>
        %swap3A = arith.index_cast %scan3A_256 : i32 to index
        %swap3A_265 = arith.constant 0 : index
        %swap3A_266 = tpu.vector_load %arg8[%swap3A, %swap3A_265] {strides = array<i32>} : memref<200x64xf32, #tpu.memory_space<vmem>>, vector<1x16xf32>,
        %swap3A_267 = vector.shape_cast %swap3A_266 : vector<1x16xf32> to vector<16xf32>
        %swap3A_268 = vector.shape_cast %add3A_264 : vector<16xf32> to vector<1x16xf32>
        tpu.vector_store %arg8[%swap3A, %swap3A_265], %swap3A_268 {strides = array<i32>} : memref<200x64xf32, #tpu.memory_space<vmem>>, vector<1x16xf32>,
        %get3A_269 = arith.index_cast %scan3A_256 : i32 to index
        %get3A_270 = arith.constant 16 : index
        %get3A_271 = tpu.vector_load %arg8[%get3A_269, %get3A_270] {strides = array<i32>} : memref<200x64xf32, #tpu.memory_space<vmem>>, vector<1x16xf32>,
        %get3A_272 = vector.shape_cast %get3A_271 : vector<1x16xf32> to vector<16xf32>
        %get3A_273 = arith.index_cast %scan3A_256 : i32 to index
        %get3A_274 = arith.constant 16 : index
        %get3A_275 = tpu.vector_load %arg7[%get3A_273, %get3A_274] {strides = array<i32>} : memref<200x64xf32, #tpu.memory_space<vmem>>, vector<1x16xf32>,
        %get3A_276 = vector.shape_cast %get3A_275 : vector<1x16xf32> to vector<16xf32>
        %add3A_277 = arith.addf %get3A_272, %get3A_276 : vector<16xf32>
        %swap3A_278 = arith.index_cast %scan3A_256 : i32 to index
        %swap3A_279 = arith.constant 16 : index
        %swap3A_280 = tpu.vector_load %arg8[%swap3A_278, %swap3A_279] {strides = array<i32>} : memref<200x64xf32, #tpu.memory_space<vmem>>, vector<1x16xf32>,
        %swap3A_281 = vector.shape_cast %swap3A_280 : vector<1x16xf32> to vector<16xf32>
        %swap3A_282 = vector.shape_cast %add3A_277 : vector<16xf32> to vector<1x16xf32>
        tpu.vector_store %arg8[%swap3A_278, %swap3A_279], %swap3A_282 {strides = array<i32>} : memref<200x64xf32, #tpu.memory_space<vmem>>, vector<1x16xf32>,
        %get3A_283 = arith.index_cast %scan3A_256 : i32 to index
        %get3A_284 = arith.constant 32 : index
        %get3A_285 = tpu.vector_load %arg8[%get3A_283, %get3A_284] {strides = array<i32>} : memref<200x64xf32, #tpu.memory_space<vmem>>, vector<1x16xf32>,
        %get3A_286 = vector.shape_cast %get3A_285 : vector<1x16xf32> to vector<16xf32>
        %get3A_287 = arith.index_cast %scan3A_256 : i32 to index
        %get3A_288 = arith.constant 32 : index
        %get3A_289 = tpu.vector_load %arg7[%get3A_287, %get3A_288] {strides = array<i32>} : memref<200x64xf32, #tpu.memory_space<vmem>>, vector<1x16xf32>,
        %get3A_290 = vector.shape_cast %get3A_289 : vector<1x16xf32> to vector<16xf32>
        %add3A_291 = arith.addf %get3A_286, %get3A_290 : vector<16xf32>
        %swap3A_292 = arith.index_cast %scan3A_256 : i32 to index
        %swap3A_293 = arith.constant 32 : index
        %swap3A_294 = tpu.vector_load %arg8[%swap3A_292, %swap3A_293] {strides = array<i32>} : memref<200x64xf32, #tpu.memory_space<vmem>>, vector<1x16xf32>,
        %swap3A_295 = vector.shape_cast %swap3A_294 : vector<1x16xf32> to vector<16xf32>
        %swap3A_296 = vector.shape_cast %add3A_291 : vector<16xf32> to vector<1x16xf32>
        tpu.vector_store %arg8[%swap3A_292, %swap3A_293], %swap3A_296 {strides = array<i32>} : memref<200x64xf32, #tpu.memory_space<vmem>>, vector<1x16xf32>,
        %get3A_297 = arith.index_cast %scan3A_256 : i32 to index
        %get3A_298 = arith.constant 48 : index
        %get3A_299 = tpu.vector_load %arg8[%get3A_297, %get3A_298] {strides = array<i32>} : memref<200x64xf32, #tpu.memory_space<vmem>>, vector<1x16xf32>,
        %get3A_300 = vector.shape_cast %get3A_299 : vector<1x16xf32> to vector<16xf32>
        %get3A_301 = arith.index_cast %scan3A_256 : i32 to index
        %get3A_302 = arith.constant 48 : index
        %get3A_303 = tpu.vector_load %arg7[%get3A_301, %get3A_302] {strides = array<i32>} : memref<200x64xf32, #tpu.memory_space<vmem>>, vector<1x16xf32>,
        %get3A_304 = vector.shape_cast %get3A_303 : vector<1x16xf32> to vector<16xf32>
        %add3A_305 = arith.addf %get3A_300, %get3A_304 : vector<16xf32>
        %swap3A_306 = arith.index_cast %scan3A_256 : i32 to index
        %swap3A_307 = arith.constant 48 : index
        %swap3A_308 = tpu.vector_load %arg8[%swap3A_306, %swap3A_307] {strides = array<i32>} : memref<200x64xf32, #tpu.memory_space<vmem>>, vector<1x16xf32>,
        %swap3A_309 = vector.shape_cast %swap3A_308 : vector<1x16xf32> to vector<16xf32>
        %swap3A_310 = vector.shape_cast %add3A_305 : vector<16xf32> to vector<1x16xf32>
        tpu.vector_store %arg8[%swap3A_306, %swap3A_307], %swap3A_310 {strides = array<i32>} : memref<200x64xf32, #tpu.memory_space<vmem>>, vector<1x16xf32>,
        %scan3A_311 = arith.constant 1 : i32
        %scan3A_312 = arith.addi %scan3A_256, %scan3A_311 : i32
        %get3A_313 = arith.index_cast %scan3A_312 : i32 to index
        %get3A_314 = arith.constant 0 : index
        %get3A_315 = tpu.vector_load %arg8[%get3A_313, %get3A_314] {strides = array<i32>} : memref<200x64xf32, #tpu.memory_space<vmem>>, vector<1x16xf32>,
        %get3A_316 = vector.shape_cast %get3A_315 : vector<1x16xf32> to vector<16xf32>
        %get3A_317 = arith.index_cast %scan3A_312 : i32 to index
        %get3A_318 = arith.constant 0 : index
        %get3A_319 = tpu.vector_load %arg7[%get3A_317, %get3A_318] {strides = array<i32>} : memref<200x64xf32, #tpu.memory_space<vmem>>, vector<1x16xf32>,
        %get3A_320 = vector.shape_cast %get3A_319 : vector<1x16xf32> to vector<16xf32>
        %add3A_321 = arith.addf %get3A_316, %get3A_320 : vector<16xf32>
        %swap3A_322 = arith.index_cast %scan3A_312 : i32 to index
        %swap3A_323 = arith.constant 0 : index
        %swap3A_324 = tpu.vector_load %arg8[%swap3A_322, %swap3A_323] {strides = array<i32>} : memref<200x64xf32, #tpu.memory_space<vmem>>, vector<1x16xf32>,
        %swap3A_325 = vector.shape_cast %swap3A_324 : vector<1x16xf32> to vector<16xf32>
        %swap3A_326 = vector.shape_cast %add3A_321 : vector<16xf32> to vector<1x16xf32>
        tpu.vector_store %arg8[%swap3A_322, %swap3A_323], %swap3A_326 {strides = array<i32>} : memref<200x64xf32, #tpu.memory_space<vmem>>, vector<1x16xf32>,
        %get3A_327 = arith.index_cast %scan3A_312 : i32 to index
        %get3A_328 = arith.constant 16 : index
        %get3A_329 = tpu.vector_load %arg8[%get3A_327, %get3A_328] {strides = array<i32>} : memref<200x64xf32, #tpu.memory_space<vmem>>, vector<1x16xf32>,
        %get3A_330 = vector.shape_cast %get3A_329 : vector<1x16xf32> to vector<16xf32>
        %get3A_331 = arith.index_cast %scan3A_312 : i32 to index
        %get3A_332 = arith.constant 16 : index
        %get3A_333 = tpu.vector_load %arg7[%get3A_331, %get3A_332] {strides = array<i32>} : memref<200x64xf32, #tpu.memory_space<vmem>>, vector<1x16xf32>,
        %get3A_334 = vector.shape_cast %get3A_333 : vector<1x16xf32> to vector<16xf32>
        %add3A_335 = arith.addf %get3A_330, %get3A_334 : vector<16xf32>
        %swap3A_336 = arith.index_cast %scan3A_312 : i32 to index
        %swap3A_337 = arith.constant 16 : index
        %swap3A_338 = tpu.vector_load %arg8[%swap3A_336, %swap3A_337] {strides = array<i32>} : memref<200x64xf32, #tpu.memory_space<vmem>>, vector<1x16xf32>,
        %swap3A_339 = vector.shape_cast %swap3A_338 : vector<1x16xf32> to vector<16xf32>
        %swap3A_340 = vector.shape_cast %add3A_335 : vector<16xf32> to vector<1x16xf32>
        tpu.vector_store %arg8[%swap3A_336, %swap3A_337], %swap3A_340 {strides = array<i32>} : memref<200x64xf32, #tpu.memory_space<vmem>>, vector<1x16xf32>,
        %get3A_341 = arith.index_cast %scan3A_312 : i32 to index
        %get3A_342 = arith.constant 32 : index
        %get3A_343 = tpu.vector_load %arg8[%get3A_341, %get3A_342] {strides = array<i32>} : memref<200x64xf32, #tpu.memory_space<vmem>>, vector<1x16xf32>,
        %get3A_344 = vector.shape_cast %get3A_343 : vector<1x16xf32> to vector<16xf32>
        %get3A_345 = arith.index_cast %scan3A_312 : i32 to index
        %get3A_346 = arith.constant 32 : index
        %get3A_347 = tpu.vector_load %arg7[%get3A_345, %get3A_346] {strides = array<i32>} : memref<200x64xf32, #tpu.memory_space<vmem>>, vector<1x16xf32>,
        %get3A_348 = vector.shape_cast %get3A_347 : vector<1x16xf32> to vector<16xf32>
        %add3A_349 = arith.addf %get3A_344, %get3A_348 : vector<16xf32>
        %swap3A_350 = arith.index_cast %scan3A_312 : i32 to index
        %swap3A_351 = arith.constant 32 : index
        %swap3A_352 = tpu.vector_load %arg8[%swap3A_350, %swap3A_351] {strides = array<i32>} : memref<200x64xf32, #tpu.memory_space<vmem>>, vector<1x16xf32>,
        %swap3A_353 = vector.shape_cast %swap3A_352 : vector<1x16xf32> to vector<16xf32>
        %swap3A_354 = vector.shape_cast %add3A_349 : vector<16xf32> to vector<1x16xf32>
        tpu.vector_store %arg8[%swap3A_350, %swap3A_351], %swap3A_354 {strides = array<i32>} : memref<200x64xf32, #tpu.memory_space<vmem>>, vector<1x16xf32>,
        %get3A_355 = arith.index_cast %scan3A_312 : i32 to index
        %get3A_356 = arith.constant 48 : index
        %get3A_357 = tpu.vector_load %arg8[%get3A_355, %get3A_356] {strides = array<i32>} : memref<200x64xf32, #tpu.memory_space<vmem>>, vector<1x16xf32>,
        %get3A_358 = vector.shape_cast %get3A_357 : vector<1x16xf32> to vector<16xf32>
        %get3A_359 = arith.index_cast %scan3A_312 : i32 to index
        %get3A_360 = arith.constant 48 : index
        %get3A_361 = tpu.vector_load %arg7[%get3A_359, %get3A_360] {strides = array<i32>} : memref<200x64xf32, #tpu.memory_space<vmem>>, vector<1x16xf32>,
        %get3A_362 = vector.shape_cast %get3A_361 : vector<1x16xf32> to vector<16xf32>
        %add3A_363 = arith.addf %get3A_358, %get3A_362 : vector<16xf32>
        %swap3A_364 = arith.index_cast %scan3A_312 : i32 to index
        %swap3A_365 = arith.constant 48 : index
        %swap3A_366 = tpu.vector_load %arg8[%swap3A_364, %swap3A_365] {strides = array<i32>} : memref<200x64xf32, #tpu.memory_space<vmem>>, vector<1x16xf32>,
        %swap3A_367 = vector.shape_cast %swap3A_366 : vector<1x16xf32> to vector<16xf32>
        %swap3A_368 = vector.shape_cast %add3A_363 : vector<16xf32> to vector<1x16xf32>
        tpu.vector_store %arg8[%swap3A_364, %swap3A_365], %swap3A_368 {strides = array<i32>} : memref<200x64xf32, #tpu.memory_space<vmem>>, vector<1x16xf32>,
        %scan3A_369 = arith.constant 2 : i32
        %scan3A_370 = arith.addi %scan3A_256, %scan3A_369 : i32
        %get3A_371 = arith.index_cast %scan3A_370 : i32 to index
        %get3A_372 = arith.constant 0 : index
        %get3A_373 = tpu.vector_load %arg8[%get3A_371, %get3A_372] {strides = array<i32>} : memref<200x64xf32, #tpu.memory_space<vmem>>, vector<1x16xf32>,
        %get3A_374 = vector.shape_cast %get3A_373 : vector<1x16xf32> to vector<16xf32>
        %get3A_375 = arith.index_cast %scan3A_370 : i32 to index
        %get3A_376 = arith.constant 0 : index
        %get3A_377 = tpu.vector_load %arg7[%get3A_375, %get3A_376] {strides = array<i32>} : memref<200x64xf32, #tpu.memory_space<vmem>>, vector<1x16xf32>,
        %get3A_378 = vector.shape_cast %get3A_377 : vector<1x16xf32> to vector<16xf32>
        %add3A_379 = arith.addf %get3A_374, %get3A_378 : vector<16xf32>
        %swap3A_380 = arith.index_cast %scan3A_370 : i32 to index
        %swap3A_381 = arith.constant 0 : index
        %swap3A_382 = tpu.vector_load %arg8[%swap3A_380, %swap3A_381] {strides = array<i32>} : memref<200x64xf32, #tpu.memory_space<vmem>>, vector<1x16xf32>,
        %swap3A_383 = vector.shape_cast %swap3A_382 : vector<1x16xf32> to vector<16xf32>
        %swap3A_384 = vector.shape_cast %add3A_379 : vector<16xf32> to vector<1x16xf32>
        tpu.vector_store %arg8[%swap3A_380, %swap3A_381], %swap3A_384 {strides = array<i32>} : memref<200x64xf32, #tpu.memory_space<vmem>>, vector<1x16xf32>,
        %get3A_385 = arith.index_cast %scan3A_370 : i32 to index
        %get3A_386 = arith.constant 16 : index
        %get3A_387 = tpu.vector_load %arg8[%get3A_385, %get3A_386] {strides = array<i32>} : memref<200x64xf32, #tpu.memory_space<vmem>>, vector<1x16xf32>,
        %get3A_388 = vector.shape_cast %get3A_387 : vector<1x16xf32> to vector<16xf32>
        %get3A_389 = arith.index_cast %scan3A_370 : i32 to index
        %get3A_390 = arith.constant 16 : index
        %get3A_391 = tpu.vector_load %arg7[%get3A_389, %get3A_390] {strides = array<i32>} : memref<200x64xf32, #tpu.memory_space<vmem>>, vector<1x16xf32>,
        %get3A_392 = vector.shape_cast %get3A_391 : vector<1x16xf32> to vector<16xf32>
        %add3A_393 = arith.addf %get3A_388, %get3A_392 : vector<16xf32>
        %swap3A_394 = arith.index_cast %scan3A_370 : i32 to index
        %swap3A_395 = arith.constant 16 : index
        %swap3A_396 = tpu.vector_load %arg8[%swap3A_394, %swap3A_395] {strides = array<i32>} : memref<200x64xf32, #tpu.memory_space<vmem>>, vector<1x16xf32>,
        %swap3A_397 = vector.shape_cast %swap3A_396 : vector<1x16xf32> to vector<16xf32>
        %swap3A_398 = vector.shape_cast %add3A_393 : vector<16xf32> to vector<1x16xf32>
        tpu.vector_store %arg8[%swap3A_394, %swap3A_395], %swap3A_398 {strides = array<i32>} : memref<200x64xf32, #tpu.memory_space<vmem>>, vector<1x16xf32>,
        %get3A_399 = arith.index_cast %scan3A_370 : i32 to index
        %get3A_400 = arith.constant 32 : index
        %get3A_401 = tpu.vector_load %arg8[%get3A_399, %get3A_400] {strides = array<i32>} : memref<200x64xf32, #tpu.memory_space<vmem>>, vector<1x16xf32>,
        %get3A_402 = vector.shape_cast %get3A_401 : vector<1x16xf32> to vector<16xf32>
        %get3A_403 = arith.index_cast %scan3A_370 : i32 to index
        %get3A_404 = arith.constant 32 : index
        %get3A_405 = tpu.vector_load %arg7[%get3A_403, %get3A_404] {strides = array<i32>} : memref<200x64xf32, #tpu.memory_space<vmem>>, vector<1x16xf32>,
        %get3A_406 = vector.shape_cast %get3A_405 : vector<1x16xf32> to vector<16xf32>
        %add3A_407 = arith.addf %get3A_402, %get3A_406 : vector<16xf32>
        %swap3A_408 = arith.index_cast %scan3A_370 : i32 to index
        %swap3A_409 = arith.constant 32 : index
        %swap3A_410 = tpu.vector_load %arg8[%swap3A_408, %swap3A_409] {strides = array<i32>} : memref<200x64xf32, #tpu.memory_space<vmem>>, vector<1x16xf32>,
        %swap3A_411 = vector.shape_cast %swap3A_410 : vector<1x16xf32> to vector<16xf32>
        %swap3A_412 = vector.shape_cast %add3A_407 : vector<16xf32> to vector<1x16xf32>
        tpu.vector_store %arg8[%swap3A_408, %swap3A_409], %swap3A_412 {strides = array<i32>} : memref<200x64xf32, #tpu.memory_space<vmem>>, vector<1x16xf32>,
        %get3A_413 = arith.index_cast %scan3A_370 : i32 to index
        %get3A_414 = arith.constant 48 : index
        %get3A_415 = tpu.vector_load %arg8[%get3A_413, %get3A_414] {strides = array<i32>} : memref<200x64xf32, #tpu.memory_space<vmem>>, vector<1x16xf32>,
        %get3A_416 = vector.shape_cast %get3A_415 : vector<1x16xf32> to vector<16xf32>
        %get3A_417 = arith.index_cast %scan3A_370 : i32 to index
        %get3A_418 = arith.constant 48 : index
        %get3A_419 = tpu.vector_load %arg7[%get3A_417, %get3A_418] {strides = array<i32>} : memref<200x64xf32, #tpu.memory_space<vmem>>, vector<1x16xf32>,
        %get3A_420 = vector.shape_cast %get3A_419 : vector<1x16xf32> to vector<16xf32>
        %add3A_421 = arith.addf %get3A_416, %get3A_420 : vector<16xf32>
        %swap3A_422 = arith.index_cast %scan3A_370 : i32 to index
        %swap3A_423 = arith.constant 48 : index
        %swap3A_424 = tpu.vector_load %arg8[%swap3A_422, %swap3A_423] {strides = array<i32>} : memref<200x64xf32, #tpu.memory_space<vmem>>, vector<1x16xf32>,
        %swap3A_425 = vector.shape_cast %swap3A_424 : vector<1x16xf32> to vector<16xf32>
        %swap3A_426 = vector.shape_cast %add3A_421 : vector<16xf32> to vector<1x16xf32>
        tpu.vector_store %arg8[%swap3A_422, %swap3A_423], %swap3A_426 {strides = array<i32>} : memref<200x64xf32, #tpu.memory_space<vmem>>, vector<1x16xf32>,
        %scan3A_427 = arith.constant 3 : i32
        %scan3A_428 = arith.addi %scan3A_256, %scan3A_427 : i32
        %get3A_429 = arith.index_cast %scan3A_428 : i32 to index
        %get3A_430 = arith.constant 0 : index
        %get3A_431 = tpu.vector_load %arg8[%get3A_429, %get3A_430] {strides = array<i32>} : memref<200x64xf32, #tpu.memory_space<vmem>>, vector<1x16xf32>,
        %get3A_432 = vector.shape_cast %get3A_431 : vector<1x16xf32> to vector<16xf32>
        %get3A_433 = arith.index_cast %scan3A_428 : i32 to index
        %get3A_434 = arith.constant 0 : index
        %get3A_435 = tpu.vector_load %arg7[%get3A_433, %get3A_434] {strides = array<i32>} : memref<200x64xf32, #tpu.memory_space<vmem>>, vector<1x16xf32>,
        %get3A_436 = vector.shape_cast %get3A_435 : vector<1x16xf32> to vector<16xf32>
        %add3A_437 = arith.addf %get3A_432, %get3A_436 : vector<16xf32>
        %swap3A_438 = arith.index_cast %scan3A_428 : i32 to index
        %swap3A_439 = arith.constant 0 : index
        %swap3A_440 = tpu.vector_load %arg8[%swap3A_438, %swap3A_439] {strides = array<i32>} : memref<200x64xf32, #tpu.memory_space<vmem>>, vector<1x16xf32>,
        %swap3A_441 = vector.shape_cast %swap3A_440 : vector<1x16xf32> to vector<16xf32>
        %swap3A_442 = vector.shape_cast %add3A_437 : vector<16xf32> to vector<1x16xf32>
        tpu.vector_store %arg8[%swap3A_438, %swap3A_439], %swap3A_442 {strides = array<i32>} : memref<200x64xf32, #tpu.memory_space<vmem>>, vector<1x16xf32>,
        %get3A_443 = arith.index_cast %scan3A_428 : i32 to index
        %get3A_444 = arith.constant 16 : index
        %get3A_445 = tpu.vector_load %arg8[%get3A_443, %get3A_444] {strides = array<i32>} : memref<200x64xf32, #tpu.memory_space<vmem>>, vector<1x16xf32>,
        %get3A_446 = vector.shape_cast %get3A_445 : vector<1x16xf32> to vector<16xf32>
        %get3A_447 = arith.index_cast %scan3A_428 : i32 to index
        %get3A_448 = arith.constant 16 : index
        %get3A_449 = tpu.vector_load %arg7[%get3A_447, %get3A_448] {strides = array<i32>} : memref<200x64xf32, #tpu.memory_space<vmem>>, vector<1x16xf32>,
        %get3A_450 = vector.shape_cast %get3A_449 : vector<1x16xf32> to vector<16xf32>
        %add3A_451 = arith.addf %get3A_446, %get3A_450 : vector<16xf32>
        %swap3A_452 = arith.index_cast %scan3A_428 : i32 to index
        %swap3A_453 = arith.constant 16 : index
        %swap3A_454 = tpu.vector_load %arg8[%swap3A_452, %swap3A_453] {strides = array<i32>} : memref<200x64xf32, #tpu.memory_space<vmem>>, vector<1x16xf32>,
        %swap3A_455 = vector.shape_cast %swap3A_454 : vector<1x16xf32> to vector<16xf32>
        %swap3A_456 = vector.shape_cast %add3A_451 : vector<16xf32> to vector<1x16xf32>
        tpu.vector_store %arg8[%swap3A_452, %swap3A_453], %swap3A_456 {strides = array<i32>} : memref<200x64xf32, #tpu.memory_space<vmem>>, vector<1x16xf32>,
        %get3A_457 = arith.index_cast %scan3A_428 : i32 to index
        %get3A_458 = arith.constant 32 : index
        %get3A_459 = tpu.vector_load %arg8[%get3A_457, %get3A_458] {strides = array<i32>} : memref<200x64xf32, #tpu.memory_space<vmem>>, vector<1x16xf32>,
        %get3A_460 = vector.shape_cast %get3A_459 : vector<1x16xf32> to vector<16xf32>
        %get3A_461 = arith.index_cast %scan3A_428 : i32 to index
        %get3A_462 = arith.constant 32 : index
        %get3A_463 = tpu.vector_load %arg7[%get3A_461, %get3A_462] {strides = array<i32>} : memref<200x64xf32, #tpu.memory_space<vmem>>, vector<1x16xf32>,
        %get3A_464 = vector.shape_cast %get3A_463 : vector<1x16xf32> to vector<16xf32>
        %add3A_465 = arith.addf %get3A_460, %get3A_464 : vector<16xf32>
        %swap3A_466 = arith.index_cast %scan3A_428 : i32 to index
        %swap3A_467 = arith.constant 32 : index
        %swap3A_468 = tpu.vector_load %arg8[%swap3A_466, %swap3A_467] {strides = array<i32>} : memref<200x64xf32, #tpu.memory_space<vmem>>, vector<1x16xf32>,
        %swap3A_469 = vector.shape_cast %swap3A_468 : vector<1x16xf32> to vector<16xf32>
        %swap3A_470 = vector.shape_cast %add3A_465 : vector<16xf32> to vector<1x16xf32>
        tpu.vector_store %arg8[%swap3A_466, %swap3A_467], %swap3A_470 {strides = array<i32>} : memref<200x64xf32, #tpu.memory_space<vmem>>, vector<1x16xf32>,
        %get3A_471 = arith.index_cast %scan3A_428 : i32 to index
        %get3A_472 = arith.constant 48 : index
        %get3A_473 = tpu.vector_load %arg8[%get3A_471, %get3A_472] {strides = array<i32>} : memref<200x64xf32, #tpu.memory_space<vmem>>, vector<1x16xf32>,
        %get3A_474 = vector.shape_cast %get3A_473 : vector<1x16xf32> to vector<16xf32>
        %get3A_475 = arith.index_cast %scan3A_428 : i32 to index
        %get3A_476 = arith.constant 48 : index
        %get3A_477 = tpu.vector_load %arg7[%get3A_475, %get3A_476] {strides = array<i32>} : memref<200x64xf32, #tpu.memory_space<vmem>>, vector<1x16xf32>,
        %get3A_478 = vector.shape_cast %get3A_477 : vector<1x16xf32> to vector<16xf32>
        %add3A_479 = arith.addf %get3A_474, %get3A_478 : vector<16xf32>
        %swap3A_480 = arith.index_cast %scan3A_428 : i32 to index
        %swap3A_481 = arith.constant 48 : index
        %swap3A_482 = tpu.vector_load %arg8[%swap3A_480, %swap3A_481] {strides = array<i32>} : memref<200x64xf32, #tpu.memory_space<vmem>>, vector<1x16xf32>,
        %swap3A_483 = vector.shape_cast %swap3A_482 : vector<1x16xf32> to vector<16xf32>
        %swap3A_484 = vector.shape_cast %add3A_479 : vector<16xf32> to vector<1x16xf32>
        tpu.vector_store %arg8[%swap3A_480, %swap3A_481], %swap3A_484 {strides = array<i32>} : memref<200x64xf32, #tpu.memory_space<vmem>>, vector<1x16xf32>,
      }
      %scan3A_201 = arith.constant 200 : i32
      %add3A_202 = arith.addi %mul3A_2, %add3A_170 : i32
      %dma_start3A_203 = arith.constant 0 : i32
      %dma_start3A_204 = arith.constant 0 : i32
      %dma_start3A_205 = tpu.memref_slice %arg5[%add3A_202, %dma_start3A_203, %dma_start3A_204] : memref<1024x200x64xf32, #tpu.memory_space<hbm>> -> memref<1x200x64xf32, #tpu.memory_space<hbm>>
      %dma_start3A_206 = tpu.memref_squeeze %dma_start3A_205 : memref<1x200x64xf32, #tpu.memory_space<hbm>> -> memref<200x64xf32, #tpu.memory_space<hbm>>
      %dma_start3A_207 = arith.constant 0 : i32
      %dma_start3A_208 = arith.constant 0 : i32
      %dma_start3A_209 = tpu.memref_slice %arg5[%add3A_202, %dma_start3A_207, %dma_start3A_208] : memref<1024x200x64xf32, #tpu.memory_space<hbm>> -> memref<1x200x64xf32, #tpu.memory_space<hbm>>
      %dma_start3A_210 = tpu.memref_squeeze %dma_start3A_209 : memref<1x200x64xf32, #tpu.memory_space<hbm>> -> memref<200x64xf32, #tpu.memory_space<hbm>>
      tpu.enqueue_dma source(%arg8 : memref<200x64xf32, #tpu.memory_space<vmem>>) target(%dma_start3A_210 : memref<200x64xf32, #tpu.memory_space<hbm>>) target_semaphore(%arg12 : memref<!tpu.dma_semaphore, #tpu.memory_space<semaphore_mem>>)
      %mul3A_211 = arith.constant 2 : i32
      %mul3A_212 = arith.muli %mul3A_211, %scan3A_166 : i32
      %add3A_213 = arith.constant 1 : i32
      %add3A_214 = arith.addi %mul3A_212, %add3A_213 : i32
      %dma_wait3A_215 = arith.constant 0 : i32
      %dma_wait3A_216 = arith.constant 0 : i32
      %dma_wait3A_217 = tpu.memref_slice %arg6[%dma_wait3A_215, %dma_wait3A_216] : memref<32x256xi32, #tpu.memory_space<vmem>> -> memref<1x200xi32, #tpu.memory_space<vmem>>
      %dma_wait3A_218 = tpu.memref_squeeze %dma_wait3A_217 : memref<1x200xi32, #tpu.memory_space<vmem>> -> memref<200xi32, #tpu.memory_space<vmem>>
      %dma_wait3A_219 = arith.constant 0 : i32
      %dma_wait3A_220 = arith.constant 0 : i32
      %dma_wait3A_221 = tpu.memref_slice %arg3[%dma_wait3A_219, %dma_wait3A_220] : memref<1000000x64xf32, #tpu.memory_space<hbm>> -> memref<1000000x64xf32, #tpu.memory_space<hbm>>
      tpu.wait_indirect_dma semaphore(%arg11 : memref<!tpu.dma_semaphore, #tpu.memory_space<semaphore_mem>>) src(%dma_wait3A_221 : memref<1000000x64xf32, #tpu.memory_space<hbm>>) dst(%arg9 : memref<200x64xf32, #tpu.memory_space<vmem>>)
      %sub3A_222 = arith.constant 1 : i32
      %sub3A_223 = arith.subi %add3A_214, %sub3A_222 : i32
      %add3A_224 = arith.addi %mul3A_2, %sub3A_223 : i32
      %dma_wait3A_225 = arith.constant 0 : i32
      %dma_wait3A_226 = arith.constant 0 : i32
      %dma_wait3A_227 = tpu.memref_slice %arg5[%add3A_224, %dma_wait3A_225, %dma_wait3A_226] : memref<1024x200x64xf32, #tpu.memory_space<hbm>> -> memref<1x200x64xf32, #tpu.memory_space<hbm>>
      %dma_wait3A_228 = tpu.memref_squeeze %dma_wait3A_227 : memref<1x200x64xf32, #tpu.memory_space<hbm>> -> memref<200x64xf32, #tpu.memory_space<hbm>>
      %dma_wait3A_229 = arith.constant 0 : i32
      %dma_wait3A_230 = arith.constant 0 : i32
      %dma_wait3A_231 = tpu.memref_slice %arg5[%add3A_224, %dma_wait3A_229, %dma_wait3A_230] : memref<1024x200x64xf32, #tpu.memory_space<hbm>> -> memref<1x200x64xf32, #tpu.memory_space<hbm>>
      %dma_wait3A_232 = tpu.memref_squeeze %dma_wait3A_231 : memref<1x200x64xf32, #tpu.memory_space<hbm>> -> memref<200x64xf32, #tpu.memory_space<hbm>>
      tpu.wait_dma2 semaphore(%arg12 : memref<!tpu.dma_semaphore, #tpu.memory_space<semaphore_mem>>) src(%arg8 : memref<200x64xf32, #tpu.memory_space<vmem>>) dst(%dma_wait3A_232 : memref<200x64xf32, #tpu.memory_space<hbm>>)
      %add3A_233 = arith.constant 1 : i32
      %add3A_234 = arith.addi %add3A_214, %add3A_233 : i32
      %dma_start3A_235 = arith.constant 0 : i32
      %dma_start3A_236 = tpu.memref_slice %arg6[%add3A_234, %dma_start3A_235] : memref<32x256xi32, #tpu.memory_space<vmem>> -> memref<1x200xi32, #tpu.memory_space<vmem>>
      %dma_start3A_237 = tpu.memref_squeeze %dma_start3A_236 : memref<1x200xi32, #tpu.memory_space<vmem>> -> memref<200xi32, #tpu.memory_space<vmem>>
      %dma_start3A_238 = arith.constant 0 : i32
      %dma_start3A_239 = arith.constant 0 : i32
      %dma_start3A_240 = tpu.memref_slice %arg3[%dma_start3A_238, %dma_start3A_239] : memref<1000000x64xf32, #tpu.memory_space<hbm>> -> memref<1000000x64xf32, #tpu.memory_space<hbm>>
      tpu.enqueue_indirect_dma source(%dma_start3A_240 : memref<1000000x64xf32, #tpu.memory_space<hbm>>) target(%arg8 : memref<200x64xf32, #tpu.memory_space<vmem>>) offsets(%dma_start3A_237 : memref<200xi32, #tpu.memory_space<vmem>>) semaphore(%arg10 : memref<!tpu.dma_semaphore, #tpu.memory_space<semaphore_mem>>)
      %scan3A_241 = arith.constant 0 : i32
      %scan3A_242 = arith.constant 0 : i32
      %scan3A_243 = arith.constant 200 : i32
      %scan3A_244 = arith.addi %scan3A_242, %scan3A_243 : i32
      %scan3A_245 = arith.constant 4 : i32
      scf.for %scan3A_256 = %scan3A_242 to %scan3A_244 step %scan3A_245  : i32 {
        %get3A = arith.index_cast %scan3A_256 : i32 to index
        %get3A_257 = arith.constant 0 : index
        %get3A_258 = tpu.vector_load %arg9[%get3A, %get3A_257] {strides = array<i32>} : memref<200x64xf32, #tpu.memory_space<vmem>>, vector<1x16xf32>,
        %get3A_259 = vector.shape_cast %get3A_258 : vector<1x16xf32> to vector<16xf32>
        %get3A_260 = arith.index_cast %scan3A_256 : i32 to index
        %get3A_261 = arith.constant 0 : index
        %get3A_262 = tpu.vector_load %arg7[%get3A_260, %get3A_261] {strides = array<i32>} : memref<200x64xf32, #tpu.memory_space<vmem>>, vector<1x16xf32>,
        %get3A_263 = vector.shape_cast %get3A_262 : vector<1x16xf32> to vector<16xf32>
        %add3A_264 = arith.addf %get3A_259, %get3A_263 : vector<16xf32>
        %swap3A = arith.index_cast %scan3A_256 : i32 to index
        %swap3A_265 = arith.constant 0 : index
        %swap3A_266 = tpu.vector_load %arg9[%swap3A, %swap3A_265] {strides = array<i32>} : memref<200x64xf32, #tpu.memory_space<vmem>>, vector<1x16xf32>,
        %swap3A_267 = vector.shape_cast %swap3A_266 : vector<1x16xf32> to vector<16xf32>
        %swap3A_268 = vector.shape_cast %add3A_264 : vector<16xf32> to vector<1x16xf32>
        tpu.vector_store %arg9[%swap3A, %swap3A_265], %swap3A_268 {strides = array<i32>} : memref<200x64xf32, #tpu.memory_space<vmem>>, vector<1x16xf32>,
        %get3A_269 = arith.index_cast %scan3A_256 : i32 to index
        %get3A_270 = arith.constant 16 : index
        %get3A_271 = tpu.vector_load %arg9[%get3A_269, %get3A_270] {strides = array<i32>} : memref<200x64xf32, #tpu.memory_space<vmem>>, vector<1x16xf32>,
        %get3A_272 = vector.shape_cast %get3A_271 : vector<1x16xf32> to vector<16xf32>
        %get3A_273 = arith.index_cast %scan3A_256 : i32 to index
        %get3A_274 = arith.constant 16 : index
        %get3A_275 = tpu.vector_load %arg7[%get3A_273, %get3A_274] {strides = array<i32>} : memref<200x64xf32, #tpu.memory_space<vmem>>, vector<1x16xf32>,
        %get3A_276 = vector.shape_cast %get3A_275 : vector<1x16xf32> to vector<16xf32>
        %add3A_277 = arith.addf %get3A_272, %get3A_276 : vector<16xf32>
        %swap3A_278 = arith.index_cast %scan3A_256 : i32 to index
        %swap3A_279 = arith.constant 16 : index
        %swap3A_280 = tpu.vector_load %arg9[%swap3A_278, %swap3A_279] {strides = array<i32>} : memref<200x64xf32, #tpu.memory_space<vmem>>, vector<1x16xf32>,
        %swap3A_281 = vector.shape_cast %swap3A_280 : vector<1x16xf32> to vector<16xf32>
        %swap3A_282 = vector.shape_cast %add3A_277 : vector<16xf32> to vector<1x16xf32>
        tpu.vector_store %arg9[%swap3A_278, %swap3A_279], %swap3A_282 {strides = array<i32>} : memref<200x64xf32, #tpu.memory_space<vmem>>, vector<1x16xf32>,
        %get3A_283 = arith.index_cast %scan3A_256 : i32 to index
        %get3A_284 = arith.constant 32 : index
        %get3A_285 = tpu.vector_load %arg9[%get3A_283, %get3A_284] {strides = array<i32>} : memref<200x64xf32, #tpu.memory_space<vmem>>, vector<1x16xf32>,
        %get3A_286 = vector.shape_cast %get3A_285 : vector<1x16xf32> to vector<16xf32>
        %get3A_287 = arith.index_cast %scan3A_256 : i32 to index
        %get3A_288 = arith.constant 32 : index
        %get3A_289 = tpu.vector_load %arg7[%get3A_287, %get3A_288] {strides = array<i32>} : memref<200x64xf32, #tpu.memory_space<vmem>>, vector<1x16xf32>,
        %get3A_290 = vector.shape_cast %get3A_289 : vector<1x16xf32> to vector<16xf32>
        %add3A_291 = arith.addf %get3A_286, %get3A_290 : vector<16xf32>
        %swap3A_292 = arith.index_cast %scan3A_256 : i32 to index
        %swap3A_293 = arith.constant 32 : index
        %swap3A_294 = tpu.vector_load %arg9[%swap3A_292, %swap3A_293] {strides = array<i32>} : memref<200x64xf32, #tpu.memory_space<vmem>>, vector<1x16xf32>,
        %swap3A_295 = vector.shape_cast %swap3A_294 : vector<1x16xf32> to vector<16xf32>
        %swap3A_296 = vector.shape_cast %add3A_291 : vector<16xf32> to vector<1x16xf32>
        tpu.vector_store %arg9[%swap3A_292, %swap3A_293], %swap3A_296 {strides = array<i32>} : memref<200x64xf32, #tpu.memory_space<vmem>>, vector<1x16xf32>,
        %get3A_297 = arith.index_cast %scan3A_256 : i32 to index
        %get3A_298 = arith.constant 48 : index
        %get3A_299 = tpu.vector_load %arg9[%get3A_297, %get3A_298] {strides = array<i32>} : memref<200x64xf32, #tpu.memory_space<vmem>>, vector<1x16xf32>,
        %get3A_300 = vector.shape_cast %get3A_299 : vector<1x16xf32> to vector<16xf32>
        %get3A_301 = arith.index_cast %scan3A_256 : i32 to index
        %get3A_302 = arith.constant 48 : index
        %get3A_303 = tpu.vector_load %arg7[%get3A_301, %get3A_302] {strides = array<i32>} : memref<200x64xf32, #tpu.memory_space<vmem>>, vector<1x16xf32>,
        %get3A_304 = vector.shape_cast %get3A_303 : vector<1x16xf32> to vector<16xf32>
        %add3A_305 = arith.addf %get3A_300, %get3A_304 : vector<16xf32>
        %swap3A_306 = arith.index_cast %scan3A_256 : i32 to index
        %swap3A_307 = arith.constant 48 : index
        %swap3A_308 = tpu.vector_load %arg9[%swap3A_306, %swap3A_307] {strides = array<i32>} : memref<200x64xf32, #tpu.memory_space<vmem>>, vector<1x16xf32>,
        %swap3A_309 = vector.shape_cast %swap3A_308 : vector<1x16xf32> to vector<16xf32>
        %swap3A_310 = vector.shape_cast %add3A_305 : vector<16xf32> to vector<1x16xf32>
        tpu.vector_store %arg9[%swap3A_306, %swap3A_307], %swap3A_310 {strides = array<i32>} : memref<200x64xf32, #tpu.memory_space<vmem>>, vector<1x16xf32>,
        %scan3A_311 = arith.constant 1 : i32
        %scan3A_312 = arith.addi %scan3A_256, %scan3A_311 : i32
        %get3A_313 = arith.index_cast %scan3A_312 : i32 to index
        %get3A_314 = arith.constant 0 : index
        %get3A_315 = tpu.vector_load %arg9[%get3A_313, %get3A_314] {strides = array<i32>} : memref<200x64xf32, #tpu.memory_space<vmem>>, vector<1x16xf32>,
        %get3A_316 = vector.shape_cast %get3A_315 : vector<1x16xf32> to vector<16xf32>
        %get3A_317 = arith.index_cast %scan3A_312 : i32 to index
        %get3A_318 = arith.constant 0 : index
        %get3A_319 = tpu.vector_load %arg7[%get3A_317, %get3A_318] {strides = array<i32>} : memref<200x64xf32, #tpu.memory_space<vmem>>, vector<1x16xf32>,
        %get3A_320 = vector.shape_cast %get3A_319 : vector<1x16xf32> to vector<16xf32>
        %add3A_321 = arith.addf %get3A_316, %get3A_320 : vector<16xf32>
        %swap3A_322 = arith.index_cast %scan3A_312 : i32 to index
        %swap3A_323 = arith.constant 0 : index
        %swap3A_324 = tpu.vector_load %arg9[%swap3A_322, %swap3A_323] {strides = array<i32>} : memref<200x64xf32, #tpu.memory_space<vmem>>, vector<1x16xf32>,
        %swap3A_325 = vector.shape_cast %swap3A_324 : vector<1x16xf32> to vector<16xf32>
        %swap3A_326 = vector.shape_cast %add3A_321 : vector<16xf32> to vector<1x16xf32>
        tpu.vector_store %arg9[%swap3A_322, %swap3A_323], %swap3A_326 {strides = array<i32>} : memref<200x64xf32, #tpu.memory_space<vmem>>, vector<1x16xf32>,
        %get3A_327 = arith.index_cast %scan3A_312 : i32 to index
        %get3A_328 = arith.constant 16 : index
        %get3A_329 = tpu.vector_load %arg9[%get3A_327, %get3A_328] {strides = array<i32>} : memref<200x64xf32, #tpu.memory_space<vmem>>, vector<1x16xf32>,
        %get3A_330 = vector.shape_cast %get3A_329 : vector<1x16xf32> to vector<16xf32>
        %get3A_331 = arith.index_cast %scan3A_312 : i32 to index
        %get3A_332 = arith.constant 16 : index
        %get3A_333 = tpu.vector_load %arg7[%get3A_331, %get3A_332] {strides = array<i32>} : memref<200x64xf32, #tpu.memory_space<vmem>>, vector<1x16xf32>,
        %get3A_334 = vector.shape_cast %get3A_333 : vector<1x16xf32> to vector<16xf32>
        %add3A_335 = arith.addf %get3A_330, %get3A_334 : vector<16xf32>
        %swap3A_336 = arith.index_cast %scan3A_312 : i32 to index
        %swap3A_337 = arith.constant 16 : index
        %swap3A_338 = tpu.vector_load %arg9[%swap3A_336, %swap3A_337] {strides = array<i32>} : memref<200x64xf32, #tpu.memory_space<vmem>>, vector<1x16xf32>,
        %swap3A_339 = vector.shape_cast %swap3A_338 : vector<1x16xf32> to vector<16xf32>
        %swap3A_340 = vector.shape_cast %add3A_335 : vector<16xf32> to vector<1x16xf32>
        tpu.vector_store %arg9[%swap3A_336, %swap3A_337], %swap3A_340 {strides = array<i32>} : memref<200x64xf32, #tpu.memory_space<vmem>>, vector<1x16xf32>,
        %get3A_341 = arith.index_cast %scan3A_312 : i32 to index
        %get3A_342 = arith.constant 32 : index
        %get3A_343 = tpu.vector_load %arg9[%get3A_341, %get3A_342] {strides = array<i32>} : memref<200x64xf32, #tpu.memory_space<vmem>>, vector<1x16xf32>,
        %get3A_344 = vector.shape_cast %get3A_343 : vector<1x16xf32> to vector<16xf32>
        %get3A_345 = arith.index_cast %scan3A_312 : i32 to index
        %get3A_346 = arith.constant 32 : index
        %get3A_347 = tpu.vector_load %arg7[%get3A_345, %get3A_346] {strides = array<i32>} : memref<200x64xf32, #tpu.memory_space<vmem>>, vector<1x16xf32>,
        %get3A_348 = vector.shape_cast %get3A_347 : vector<1x16xf32> to vector<16xf32>
        %add3A_349 = arith.addf %get3A_344, %get3A_348 : vector<16xf32>
        %swap3A_350 = arith.index_cast %scan3A_312 : i32 to index
        %swap3A_351 = arith.constant 32 : index
        %swap3A_352 = tpu.vector_load %arg9[%swap3A_350, %swap3A_351] {strides = array<i32>} : memref<200x64xf32, #tpu.memory_space<vmem>>, vector<1x16xf32>,
        %swap3A_353 = vector.shape_cast %swap3A_352 : vector<1x16xf32> to vector<16xf32>
        %swap3A_354 = vector.shape_cast %add3A_349 : vector<16xf32> to vector<1x16xf32>
        tpu.vector_store %arg9[%swap3A_350, %swap3A_351], %swap3A_354 {strides = array<i32>} : memref<200x64xf32, #tpu.memory_space<vmem>>, vector<1x16xf32>,
        %get3A_355 = arith.index_cast %scan3A_312 : i32 to index
        %get3A_356 = arith.constant 48 : index
        %get3A_357 = tpu.vector_load %arg9[%get3A_355, %get3A_356] {strides = array<i32>} : memref<200x64xf32, #tpu.memory_space<vmem>>, vector<1x16xf32>,
        %get3A_358 = vector.shape_cast %get3A_357 : vector<1x16xf32> to vector<16xf32>
        %get3A_359 = arith.index_cast %scan3A_312 : i32 to index
        %get3A_360 = arith.constant 48 : index
        %get3A_361 = tpu.vector_load %arg7[%get3A_359, %get3A_360] {strides = array<i32>} : memref<200x64xf32, #tpu.memory_space<vmem>>, vector<1x16xf32>,
        %get3A_362 = vector.shape_cast %get3A_361 : vector<1x16xf32> to vector<16xf32>
        %add3A_363 = arith.addf %get3A_358, %get3A_362 : vector<16xf32>
        %swap3A_364 = arith.index_cast %scan3A_312 : i32 to index
        %swap3A_365 = arith.constant 48 : index
        %swap3A_366 = tpu.vector_load %arg9[%swap3A_364, %swap3A_365] {strides = array<i32>} : memref<200x64xf32, #tpu.memory_space<vmem>>, vector<1x16xf32>,
        %swap3A_367 = vector.shape_cast %swap3A_366 : vector<1x16xf32> to vector<16xf32>
        %swap3A_368 = vector.shape_cast %add3A_363 : vector<16xf32> to vector<1x16xf32>
        tpu.vector_store %arg9[%swap3A_364, %swap3A_365], %swap3A_368 {strides = array<i32>} : memref<200x64xf32, #tpu.memory_space<vmem>>, vector<1x16xf32>,
        %scan3A_369 = arith.constant 2 : i32
        %scan3A_370 = arith.addi %scan3A_256, %scan3A_369 : i32
        %get3A_371 = arith.index_cast %scan3A_370 : i32 to index
        %get3A_372 = arith.constant 0 : index
        %get3A_373 = tpu.vector_load %arg9[%get3A_371, %get3A_372] {strides = array<i32>} : memref<200x64xf32, #tpu.memory_space<vmem>>, vector<1x16xf32>,
        %get3A_374 = vector.shape_cast %get3A_373 : vector<1x16xf32> to vector<16xf32>
        %get3A_375 = arith.index_cast %scan3A_370 : i32 to index
        %get3A_376 = arith.constant 0 : index
        %get3A_377 = tpu.vector_load %arg7[%get3A_375, %get3A_376] {strides = array<i32>} : memref<200x64xf32, #tpu.memory_space<vmem>>, vector<1x16xf32>,
        %get3A_378 = vector.shape_cast %get3A_377 : vector<1x16xf32> to vector<16xf32>
        %add3A_379 = arith.addf %get3A_374, %get3A_378 : vector<16xf32>
        %swap3A_380 = arith.index_cast %scan3A_370 : i32 to index
        %swap3A_381 = arith.constant 0 : index
        %swap3A_382 = tpu.vector_load %arg9[%swap3A_380, %swap3A_381] {strides = array<i32>} : memref<200x64xf32, #tpu.memory_space<vmem>>, vector<1x16xf32>,
        %swap3A_383 = vector.shape_cast %swap3A_382 : vector<1x16xf32> to vector<16xf32>
        %swap3A_384 = vector.shape_cast %add3A_379 : vector<16xf32> to vector<1x16xf32>
        tpu.vector_store %arg9[%swap3A_380, %swap3A_381], %swap3A_384 {strides = array<i32>} : memref<200x64xf32, #tpu.memory_space<vmem>>, vector<1x16xf32>,
        %get3A_385 = arith.index_cast %scan3A_370 : i32 to index
        %get3A_386 = arith.constant 16 : index
        %get3A_387 = tpu.vector_load %arg9[%get3A_385, %get3A_386] {strides = array<i32>} : memref<200x64xf32, #tpu.memory_space<vmem>>, vector<1x16xf32>,
        %get3A_388 = vector.shape_cast %get3A_387 : vector<1x16xf32> to vector<16xf32>
        %get3A_389 = arith.index_cast %scan3A_370 : i32 to index
        %get3A_390 = arith.constant 16 : index
        %get3A_391 = tpu.vector_load %arg7[%get3A_389, %get3A_390] {strides = array<i32>} : memref<200x64xf32, #tpu.memory_space<vmem>>, vector<1x16xf32>,
        %get3A_392 = vector.shape_cast %get3A_391 : vector<1x16xf32> to vector<16xf32>
        %add3A_393 = arith.addf %get3A_388, %get3A_392 : vector<16xf32>
        %swap3A_394 = arith.index_cast %scan3A_370 : i32 to index
        %swap3A_395 = arith.constant 16 : index
        %swap3A_396 = tpu.vector_load %arg9[%swap3A_394, %swap3A_395] {strides = array<i32>} : memref<200x64xf32, #tpu.memory_space<vmem>>, vector<1x16xf32>,
        %swap3A_397 = vector.shape_cast %swap3A_396 : vector<1x16xf32> to vector<16xf32>
        %swap3A_398 = vector.shape_cast %add3A_393 : vector<16xf32> to vector<1x16xf32>
        tpu.vector_store %arg9[%swap3A_394, %swap3A_395], %swap3A_398 {strides = array<i32>} : memref<200x64xf32, #tpu.memory_space<vmem>>, vector<1x16xf32>,
        %get3A_399 = arith.index_cast %scan3A_370 : i32 to index
        %get3A_400 = arith.constant 32 : index
        %get3A_401 = tpu.vector_load %arg9[%get3A_399, %get3A_400] {strides = array<i32>} : memref<200x64xf32, #tpu.memory_space<vmem>>, vector<1x16xf32>,
        %get3A_402 = vector.shape_cast %get3A_401 : vector<1x16xf32> to vector<16xf32>
        %get3A_403 = arith.index_cast %scan3A_370 : i32 to index
        %get3A_404 = arith.constant 32 : index
        %get3A_405 = tpu.vector_load %arg7[%get3A_403, %get3A_404] {strides = array<i32>} : memref<200x64xf32, #tpu.memory_space<vmem>>, vector<1x16xf32>,
        %get3A_406 = vector.shape_cast %get3A_405 : vector<1x16xf32> to vector<16xf32>
        %add3A_407 = arith.addf %get3A_402, %get3A_406 : vector<16xf32>
        %swap3A_408 = arith.index_cast %scan3A_370 : i32 to index
        %swap3A_409 = arith.constant 32 : index
        %swap3A_410 = tpu.vector_load %arg9[%swap3A_408, %swap3A_409] {strides = array<i32>} : memref<200x64xf32, #tpu.memory_space<vmem>>, vector<1x16xf32>,
        %swap3A_411 = vector.shape_cast %swap3A_410 : vector<1x16xf32> to vector<16xf32>
        %swap3A_412 = vector.shape_cast %add3A_407 : vector<16xf32> to vector<1x16xf32>
        tpu.vector_store %arg9[%swap3A_408, %swap3A_409], %swap3A_412 {strides = array<i32>} : memref<200x64xf32, #tpu.memory_space<vmem>>, vector<1x16xf32>,
        %get3A_413 = arith.index_cast %scan3A_370 : i32 to index
        %get3A_414 = arith.constant 48 : index
        %get3A_415 = tpu.vector_load %arg9[%get3A_413, %get3A_414] {strides = array<i32>} : memref<200x64xf32, #tpu.memory_space<vmem>>, vector<1x16xf32>,
        %get3A_416 = vector.shape_cast %get3A_415 : vector<1x16xf32> to vector<16xf32>
        %get3A_417 = arith.index_cast %scan3A_370 : i32 to index
        %get3A_418 = arith.constant 48 : index
        %get3A_419 = tpu.vector_load %arg7[%get3A_417, %get3A_418] {strides = array<i32>} : memref<200x64xf32, #tpu.memory_space<vmem>>, vector<1x16xf32>,
        %get3A_420 = vector.shape_cast %get3A_419 : vector<1x16xf32> to vector<16xf32>
        %add3A_421 = arith.addf %get3A_416, %get3A_420 : vector<16xf32>
        %swap3A_422 = arith.index_cast %scan3A_370 : i32 to index
        %swap3A_423 = arith.constant 48 : index
        %swap3A_424 = tpu.vector_load %arg9[%swap3A_422, %swap3A_423] {strides = array<i32>} : memref<200x64xf32, #tpu.memory_space<vmem>>, vector<1x16xf32>,
        %swap3A_425 = vector.shape_cast %swap3A_424 : vector<1x16xf32> to vector<16xf32>
        %swap3A_426 = vector.shape_cast %add3A_421 : vector<16xf32> to vector<1x16xf32>
        tpu.vector_store %arg9[%swap3A_422, %swap3A_423], %swap3A_426 {strides = array<i32>} : memref<200x64xf32, #tpu.memory_space<vmem>>, vector<1x16xf32>,
        %scan3A_427 = arith.constant 3 : i32
        %scan3A_428 = arith.addi %scan3A_256, %scan3A_427 : i32
        %get3A_429 = arith.index_cast %scan3A_428 : i32 to index
        %get3A_430 = arith.constant 0 : index
        %get3A_431 = tpu.vector_load %arg9[%get3A_429, %get3A_430] {strides = array<i32>} : memref<200x64xf32, #tpu.memory_space<vmem>>, vector<1x16xf32>,
        %get3A_432 = vector.shape_cast %get3A_431 : vector<1x16xf32> to vector<16xf32>
        %get3A_433 = arith.index_cast %scan3A_428 : i32 to index
        %get3A_434 = arith.constant 0 : index
        %get3A_435 = tpu.vector_load %arg7[%get3A_433, %get3A_434] {strides = array<i32>} : memref<200x64xf32, #tpu.memory_space<vmem>>, vector<1x16xf32>,
        %get3A_436 = vector.shape_cast %get3A_435 : vector<1x16xf32> to vector<16xf32>
        %add3A_437 = arith.addf %get3A_432, %get3A_436 : vector<16xf32>
        %swap3A_438 = arith.index_cast %scan3A_428 : i32 to index
        %swap3A_439 = arith.constant 0 : index
        %swap3A_440 = tpu.vector_load %arg9[%swap3A_438, %swap3A_439] {strides = array<i32>} : memref<200x64xf32, #tpu.memory_space<vmem>>, vector<1x16xf32>,
        %swap3A_441 = vector.shape_cast %swap3A_440 : vector<1x16xf32> to vector<16xf32>
        %swap3A_442 = vector.shape_cast %add3A_437 : vector<16xf32> to vector<1x16xf32>
        tpu.vector_store %arg9[%swap3A_438, %swap3A_439], %swap3A_442 {strides = array<i32>} : memref<200x64xf32, #tpu.memory_space<vmem>>, vector<1x16xf32>,
        %get3A_443 = arith.index_cast %scan3A_428 : i32 to index
        %get3A_444 = arith.constant 16 : index
        %get3A_445 = tpu.vector_load %arg9[%get3A_443, %get3A_444] {strides = array<i32>} : memref<200x64xf32, #tpu.memory_space<vmem>>, vector<1x16xf32>,
        %get3A_446 = vector.shape_cast %get3A_445 : vector<1x16xf32> to vector<16xf32>
        %get3A_447 = arith.index_cast %scan3A_428 : i32 to index
        %get3A_448 = arith.constant 16 : index
        %get3A_449 = tpu.vector_load %arg7[%get3A_447, %get3A_448] {strides = array<i32>} : memref<200x64xf32, #tpu.memory_space<vmem>>, vector<1x16xf32>,
        %get3A_450 = vector.shape_cast %get3A_449 : vector<1x16xf32> to vector<16xf32>
        %add3A_451 = arith.addf %get3A_446, %get3A_450 : vector<16xf32>
        %swap3A_452 = arith.index_cast %scan3A_428 : i32 to index
        %swap3A_453 = arith.constant 16 : index
        %swap3A_454 = tpu.vector_load %arg9[%swap3A_452, %swap3A_453] {strides = array<i32>} : memref<200x64xf32, #tpu.memory_space<vmem>>, vector<1x16xf32>,
        %swap3A_455 = vector.shape_cast %swap3A_454 : vector<1x16xf32> to vector<16xf32>
        %swap3A_456 = vector.shape_cast %add3A_451 : vector<16xf32> to vector<1x16xf32>
        tpu.vector_store %arg9[%swap3A_452, %swap3A_453], %swap3A_456 {strides = array<i32>} : memref<200x64xf32, #tpu.memory_space<vmem>>, vector<1x16xf32>,
        %get3A_457 = arith.index_cast %scan3A_428 : i32 to index
        %get3A_458 = arith.constant 32 : index
        %get3A_459 = tpu.vector_load %arg9[%get3A_457, %get3A_458] {strides = array<i32>} : memref<200x64xf32, #tpu.memory_space<vmem>>, vector<1x16xf32>,
        %get3A_460 = vector.shape_cast %get3A_459 : vector<1x16xf32> to vector<16xf32>
        %get3A_461 = arith.index_cast %scan3A_428 : i32 to index
        %get3A_462 = arith.constant 32 : index
        %get3A_463 = tpu.vector_load %arg7[%get3A_461, %get3A_462] {strides = array<i32>} : memref<200x64xf32, #tpu.memory_space<vmem>>, vector<1x16xf32>,
        %get3A_464 = vector.shape_cast %get3A_463 : vector<1x16xf32> to vector<16xf32>
        %add3A_465 = arith.addf %get3A_460, %get3A_464 : vector<16xf32>
        %swap3A_466 = arith.index_cast %scan3A_428 : i32 to index
        %swap3A_467 = arith.constant 32 : index
        %swap3A_468 = tpu.vector_load %arg9[%swap3A_466, %swap3A_467] {strides = array<i32>} : memref<200x64xf32, #tpu.memory_space<vmem>>, vector<1x16xf32>,
        %swap3A_469 = vector.shape_cast %swap3A_468 : vector<1x16xf32> to vector<16xf32>
        %swap3A_470 = vector.shape_cast %add3A_465 : vector<16xf32> to vector<1x16xf32>
        tpu.vector_store %arg9[%swap3A_466, %swap3A_467], %swap3A_470 {strides = array<i32>} : memref<200x64xf32, #tpu.memory_space<vmem>>, vector<1x16xf32>,
        %get3A_471 = arith.index_cast %scan3A_428 : i32 to index
        %get3A_472 = arith.constant 48 : index
        %get3A_473 = tpu.vector_load %arg9[%get3A_471, %get3A_472] {strides = array<i32>} : memref<200x64xf32, #tpu.memory_space<vmem>>, vector<1x16xf32>,
        %get3A_474 = vector.shape_cast %get3A_473 : vector<1x16xf32> to vector<16xf32>
        %get3A_475 = arith.index_cast %scan3A_428 : i32 to index
        %get3A_476 = arith.constant 48 : index
        %get3A_477 = tpu.vector_load %arg7[%get3A_475, %get3A_476] {strides = array<i32>} : memref<200x64xf32, #tpu.memory_space<vmem>>, vector<1x16xf32>,
        %get3A_478 = vector.shape_cast %get3A_477 : vector<1x16xf32> to vector<16xf32>
        %add3A_479 = arith.addf %get3A_474, %get3A_478 : vector<16xf32>
        %swap3A_480 = arith.index_cast %scan3A_428 : i32 to index
        %swap3A_481 = arith.constant 48 : index
        %swap3A_482 = tpu.vector_load %arg9[%swap3A_480, %swap3A_481] {strides = array<i32>} : memref<200x64xf32, #tpu.memory_space<vmem>>, vector<1x16xf32>,
        %swap3A_483 = vector.shape_cast %swap3A_482 : vector<1x16xf32> to vector<16xf32>
        %swap3A_484 = vector.shape_cast %add3A_479 : vector<16xf32> to vector<1x16xf32>
        tpu.vector_store %arg9[%swap3A_480, %swap3A_481], %swap3A_484 {strides = array<i32>} : memref<200x64xf32, #tpu.memory_space<vmem>>, vector<1x16xf32>,
      }
      %scan3A_246 = arith.constant 200 : i32
      %add3A_247 = arith.addi %mul3A_2, %add3A_214 : i32
      %dma_start3A_248 = arith.constant 0 : i32
      %dma_start3A_249 = arith.constant 0 : i32
      %dma_start3A_250 = tpu.memref_slice %arg5[%add3A_247, %dma_start3A_248, %dma_start3A_249] : memref<1024x200x64xf32, #tpu.memory_space<hbm>> -> memref<1x200x64xf32, #tpu.memory_space<hbm>>
      %dma_start3A_251 = tpu.memref_squeeze %dma_start3A_250 : memref<1x200x64xf32, #tpu.memory_space<hbm>> -> memref<200x64xf32, #tpu.memory_space<hbm>>
      %dma_start3A_252 = arith.constant 0 : i32
      %dma_start3A_253 = arith.constant 0 : i32
      %dma_start3A_254 = tpu.memref_slice %arg5[%add3A_247, %dma_start3A_252, %dma_start3A_253] : memref<1024x200x64xf32, #tpu.memory_space<hbm>> -> memref<1x200x64xf32, #tpu.memory_space<hbm>>
      %dma_start3A_255 = tpu.memref_squeeze %dma_start3A_254 : memref<1x200x64xf32, #tpu.memory_space<hbm>> -> memref<200x64xf32, #tpu.memory_space<hbm>>
      tpu.enqueue_dma source(%arg9 : memref<200x64xf32, #tpu.memory_space<vmem>>) target(%dma_start3A_255 : memref<200x64xf32, #tpu.memory_space<hbm>>) target_semaphore(%arg13 : memref<!tpu.dma_semaphore, #tpu.memory_space<semaphore_mem>>)
    }
    %scan3A_82 = arith.constant 14 : i32
    %dma_wait3A_83 = arith.constant 0 : i32
    %dma_wait3A_84 = arith.constant 0 : i32
    %dma_wait3A_85 = tpu.memref_slice %arg6[%dma_wait3A_83, %dma_wait3A_84] : memref<32x256xi32, #tpu.memory_space<vmem>> -> memref<1x200xi32, #tpu.memory_space<vmem>>
    %dma_wait3A_86 = tpu.memref_squeeze %dma_wait3A_85 : memref<1x200xi32, #tpu.memory_space<vmem>> -> memref<200xi32, #tpu.memory_space<vmem>>
    %dma_wait3A_87 = arith.constant 0 : i32
    %dma_wait3A_88 = arith.constant 0 : i32
    %dma_wait3A_89 = tpu.memref_slice %arg3[%dma_wait3A_87, %dma_wait3A_88] : memref<1000000x64xf32, #tpu.memory_space<hbm>> -> memref<1000000x64xf32, #tpu.memory_space<hbm>>
    tpu.wait_indirect_dma semaphore(%arg10 : memref<!tpu.dma_semaphore, #tpu.memory_space<semaphore_mem>>) src(%dma_wait3A_89 : memref<1000000x64xf32, #tpu.memory_space<hbm>>) dst(%arg8 : memref<200x64xf32, #tpu.memory_space<vmem>>)
    %add3A_90 = arith.constant 29 : i32
    %add3A_91 = arith.addi %mul3A_2, %add3A_90 : i32
    %dma_wait3A_92 = arith.constant 0 : i32
    %dma_wait3A_93 = arith.constant 0 : i32
    %dma_wait3A_94 = tpu.memref_slice %arg5[%add3A_91, %dma_wait3A_92, %dma_wait3A_93] : memref<1024x200x64xf32, #tpu.memory_space<hbm>> -> memref<1x200x64xf32, #tpu.memory_space<hbm>>
    %dma_wait3A_95 = tpu.memref_squeeze %dma_wait3A_94 : memref<1x200x64xf32, #tpu.memory_space<hbm>> -> memref<200x64xf32, #tpu.memory_space<hbm>>
    %dma_wait3A_96 = arith.constant 0 : i32
    %dma_wait3A_97 = arith.constant 0 : i32
    %dma_wait3A_98 = tpu.memref_slice %arg5[%add3A_91, %dma_wait3A_96, %dma_wait3A_97] : memref<1024x200x64xf32, #tpu.memory_space<hbm>> -> memref<1x200x64xf32, #tpu.memory_space<hbm>>
    %dma_wait3A_99 = tpu.memref_squeeze %dma_wait3A_98 : memref<1x200x64xf32, #tpu.memory_space<hbm>> -> memref<200x64xf32, #tpu.memory_space<hbm>>
    tpu.wait_dma2 semaphore(%arg13 : memref<!tpu.dma_semaphore, #tpu.memory_space<semaphore_mem>>) src(%arg9 : memref<200x64xf32, #tpu.memory_space<vmem>>) dst(%dma_wait3A_99 : memref<200x64xf32, #tpu.memory_space<hbm>>)
    %dma_start3A_100 = arith.constant 31 : i32
    %dma_start3A_101 = arith.constant 0 : i32
    %dma_start3A_102 = tpu.memref_slice %arg6[%dma_start3A_100, %dma_start3A_101] : memref<32x256xi32, #tpu.memory_space<vmem>> -> memref<1x200xi32, #tpu.memory_space<vmem>>
    %dma_start3A_103 = tpu.memref_squeeze %dma_start3A_102 : memref<1x200xi32, #tpu.memory_space<vmem>> -> memref<200xi32, #tpu.memory_space<vmem>>
    %dma_start3A_104 = arith.constant 0 : i32
    %dma_start3A_105 = arith.constant 0 : i32
    %dma_start3A_106 = tpu.memref_slice %arg3[%dma_start3A_104, %dma_start3A_105] : memref<1000000x64xf32, #tpu.memory_space<hbm>> -> memref<1000000x64xf32, #tpu.memory_space<hbm>>
    tpu.enqueue_indirect_dma source(%dma_start3A_106 : memref<1000000x64xf32, #tpu.memory_space<hbm>>) target(%arg9 : memref<200x64xf32, #tpu.memory_space<vmem>>) offsets(%dma_start3A_103 : memref<200xi32, #tpu.memory_space<vmem>>) semaphore(%arg11 : memref<!tpu.dma_semaphore, #tpu.memory_space<semaphore_mem>>)
    %scan3A_107 = arith.constant 0 : i32
    %scan3A_108 = arith.constant 0 : i32
    %scan3A_109 = arith.constant 200 : i32
    %scan3A_110 = arith.addi %scan3A_108, %scan3A_109 : i32
    %scan3A_111 = arith.constant 4 : i32
    scf.for %scan3A_166 = %scan3A_108 to %scan3A_110 step %scan3A_111  : i32 {
      %get3A = arith.index_cast %scan3A_166 : i32 to index
      %get3A_167 = arith.constant 0 : index
      %get3A_168 = tpu.vector_load %arg8[%get3A, %get3A_167] {strides = array<i32>} : memref<200x64xf32, #tpu.memory_space<vmem>>, vector<1x16xf32>,
      %get3A_169 = vector.shape_cast %get3A_168 : vector<1x16xf32> to vector<16xf32>
      %get3A_170 = arith.index_cast %scan3A_166 : i32 to index
      %get3A_171 = arith.constant 0 : index
      %get3A_172 = tpu.vector_load %arg7[%get3A_170, %get3A_171] {strides = array<i32>} : memref<200x64xf32, #tpu.memory_space<vmem>>, vector<1x16xf32>,
      %get3A_173 = vector.shape_cast %get3A_172 : vector<1x16xf32> to vector<16xf32>
      %add3A_174 = arith.addf %get3A_169, %get3A_173 : vector<16xf32>
      %swap3A = arith.index_cast %scan3A_166 : i32 to index
      %swap3A_175 = arith.constant 0 : index
      %swap3A_176 = tpu.vector_load %arg8[%swap3A, %swap3A_175] {strides = array<i32>} : memref<200x64xf32, #tpu.memory_space<vmem>>, vector<1x16xf32>,
      %swap3A_177 = vector.shape_cast %swap3A_176 : vector<1x16xf32> to vector<16xf32>
      %swap3A_178 = vector.shape_cast %add3A_174 : vector<16xf32> to vector<1x16xf32>
      tpu.vector_store %arg8[%swap3A, %swap3A_175], %swap3A_178 {strides = array<i32>} : memref<200x64xf32, #tpu.memory_space<vmem>>, vector<1x16xf32>,
      %get3A_179 = arith.index_cast %scan3A_166 : i32 to index
      %get3A_180 = arith.constant 16 : index
      %get3A_181 = tpu.vector_load %arg8[%get3A_179, %get3A_180] {strides = array<i32>} : memref<200x64xf32, #tpu.memory_space<vmem>>, vector<1x16xf32>,
      %get3A_182 = vector.shape_cast %get3A_181 : vector<1x16xf32> to vector<16xf32>
      %get3A_183 = arith.index_cast %scan3A_166 : i32 to index
      %get3A_184 = arith.constant 16 : index
      %get3A_185 = tpu.vector_load %arg7[%get3A_183, %get3A_184] {strides = array<i32>} : memref<200x64xf32, #tpu.memory_space<vmem>>, vector<1x16xf32>,
      %get3A_186 = vector.shape_cast %get3A_185 : vector<1x16xf32> to vector<16xf32>
      %add3A_187 = arith.addf %get3A_182, %get3A_186 : vector<16xf32>
      %swap3A_188 = arith.index_cast %scan3A_166 : i32 to index
      %swap3A_189 = arith.constant 16 : index
      %swap3A_190 = tpu.vector_load %arg8[%swap3A_188, %swap3A_189] {strides = array<i32>} : memref<200x64xf32, #tpu.memory_space<vmem>>, vector<1x16xf32>,
      %swap3A_191 = vector.shape_cast %swap3A_190 : vector<1x16xf32> to vector<16xf32>
      %swap3A_192 = vector.shape_cast %add3A_187 : vector<16xf32> to vector<1x16xf32>
      tpu.vector_store %arg8[%swap3A_188, %swap3A_189], %swap3A_192 {strides = array<i32>} : memref<200x64xf32, #tpu.memory_space<vmem>>, vector<1x16xf32>,
      %get3A_193 = arith.index_cast %scan3A_166 : i32 to index
      %get3A_194 = arith.constant 32 : index
      %get3A_195 = tpu.vector_load %arg8[%get3A_193, %get3A_194] {strides = array<i32>} : memref<200x64xf32, #tpu.memory_space<vmem>>, vector<1x16xf32>,
      %get3A_196 = vector.shape_cast %get3A_195 : vector<1x16xf32> to vector<16xf32>
      %get3A_197 = arith.index_cast %scan3A_166 : i32 to index
      %get3A_198 = arith.constant 32 : index
      %get3A_199 = tpu.vector_load %arg7[%get3A_197, %get3A_198] {strides = array<i32>} : memref<200x64xf32, #tpu.memory_space<vmem>>, vector<1x16xf32>,
      %get3A_200 = vector.shape_cast %get3A_199 : vector<1x16xf32> to vector<16xf32>
      %add3A_201 = arith.addf %get3A_196, %get3A_200 : vector<16xf32>
      %swap3A_202 = arith.index_cast %scan3A_166 : i32 to index
      %swap3A_203 = arith.constant 32 : index
      %swap3A_204 = tpu.vector_load %arg8[%swap3A_202, %swap3A_203] {strides = array<i32>} : memref<200x64xf32, #tpu.memory_space<vmem>>, vector<1x16xf32>,
      %swap3A_205 = vector.shape_cast %swap3A_204 : vector<1x16xf32> to vector<16xf32>
      %swap3A_206 = vector.shape_cast %add3A_201 : vector<16xf32> to vector<1x16xf32>
      tpu.vector_store %arg8[%swap3A_202, %swap3A_203], %swap3A_206 {strides = array<i32>} : memref<200x64xf32, #tpu.memory_space<vmem>>, vector<1x16xf32>,
      %get3A_207 = arith.index_cast %scan3A_166 : i32 to index
      %get3A_208 = arith.constant 48 : index
      %get3A_209 = tpu.vector_load %arg8[%get3A_207, %get3A_208] {strides = array<i32>} : memref<200x64xf32, #tpu.memory_space<vmem>>, vector<1x16xf32>,
      %get3A_210 = vector.shape_cast %get3A_209 : vector<1x16xf32> to vector<16xf32>
      %get3A_211 = arith.index_cast %scan3A_166 : i32 to index
      %get3A_212 = arith.constant 48 : index
      %get3A_213 = tpu.vector_load %arg7[%get3A_211, %get3A_212] {strides = array<i32>} : memref<200x64xf32, #tpu.memory_space<vmem>>, vector<1x16xf32>,
      %get3A_214 = vector.shape_cast %get3A_213 : vector<1x16xf32> to vector<16xf32>
      %add3A_215 = arith.addf %get3A_210, %get3A_214 : vector<16xf32>
      %swap3A_216 = arith.index_cast %scan3A_166 : i32 to index
      %swap3A_217 = arith.constant 48 : index
      %swap3A_218 = tpu.vector_load %arg8[%swap3A_216, %swap3A_217] {strides = array<i32>} : memref<200x64xf32, #tpu.memory_space<vmem>>, vector<1x16xf32>,
      %swap3A_219 = vector.shape_cast %swap3A_218 : vector<1x16xf32> to vector<16xf32>
      %swap3A_220 = vector.shape_cast %add3A_215 : vector<16xf32> to vector<1x16xf32>
      tpu.vector_store %arg8[%swap3A_216, %swap3A_217], %swap3A_220 {strides = array<i32>} : memref<200x64xf32, #tpu.memory_space<vmem>>, vector<1x16xf32>,
      %scan3A_221 = arith.constant 1 : i32
      %scan3A_222 = arith.addi %scan3A_166, %scan3A_221 : i32
      %get3A_223 = arith.index_cast %scan3A_222 : i32 to index
      %get3A_224 = arith.constant 0 : index
      %get3A_225 = tpu.vector_load %arg8[%get3A_223, %get3A_224] {strides = array<i32>} : memref<200x64xf32, #tpu.memory_space<vmem>>, vector<1x16xf32>,
      %get3A_226 = vector.shape_cast %get3A_225 : vector<1x16xf32> to vector<16xf32>
      %get3A_227 = arith.index_cast %scan3A_222 : i32 to index
      %get3A_228 = arith.constant 0 : index
      %get3A_229 = tpu.vector_load %arg7[%get3A_227, %get3A_228] {strides = array<i32>} : memref<200x64xf32, #tpu.memory_space<vmem>>, vector<1x16xf32>,
      %get3A_230 = vector.shape_cast %get3A_229 : vector<1x16xf32> to vector<16xf32>
      %add3A_231 = arith.addf %get3A_226, %get3A_230 : vector<16xf32>
      %swap3A_232 = arith.index_cast %scan3A_222 : i32 to index
      %swap3A_233 = arith.constant 0 : index
      %swap3A_234 = tpu.vector_load %arg8[%swap3A_232, %swap3A_233] {strides = array<i32>} : memref<200x64xf32, #tpu.memory_space<vmem>>, vector<1x16xf32>,
      %swap3A_235 = vector.shape_cast %swap3A_234 : vector<1x16xf32> to vector<16xf32>
      %swap3A_236 = vector.shape_cast %add3A_231 : vector<16xf32> to vector<1x16xf32>
      tpu.vector_store %arg8[%swap3A_232, %swap3A_233], %swap3A_236 {strides = array<i32>} : memref<200x64xf32, #tpu.memory_space<vmem>>, vector<1x16xf32>,
      %get3A_237 = arith.index_cast %scan3A_222 : i32 to index
      %get3A_238 = arith.constant 16 : index
      %get3A_239 = tpu.vector_load %arg8[%get3A_237, %get3A_238] {strides = array<i32>} : memref<200x64xf32, #tpu.memory_space<vmem>>, vector<1x16xf32>,
      %get3A_240 = vector.shape_cast %get3A_239 : vector<1x16xf32> to vector<16xf32>
      %get3A_241 = arith.index_cast %scan3A_222 : i32 to index
      %get3A_242 = arith.constant 16 : index
      %get3A_243 = tpu.vector_load %arg7[%get3A_241, %get3A_242] {strides = array<i32>} : memref<200x64xf32, #tpu.memory_space<vmem>>, vector<1x16xf32>,
      %get3A_244 = vector.shape_cast %get3A_243 : vector<1x16xf32> to vector<16xf32>
      %add3A_245 = arith.addf %get3A_240, %get3A_244 : vector<16xf32>
      %swap3A_246 = arith.index_cast %scan3A_222 : i32 to index
      %swap3A_247 = arith.constant 16 : index
      %swap3A_248 = tpu.vector_load %arg8[%swap3A_246, %swap3A_247] {strides = array<i32>} : memref<200x64xf32, #tpu.memory_space<vmem>>, vector<1x16xf32>,
      %swap3A_249 = vector.shape_cast %swap3A_248 : vector<1x16xf32> to vector<16xf32>
      %swap3A_250 = vector.shape_cast %add3A_245 : vector<16xf32> to vector<1x16xf32>
      tpu.vector_store %arg8[%swap3A_246, %swap3A_247], %swap3A_250 {strides = array<i32>} : memref<200x64xf32, #tpu.memory_space<vmem>>, vector<1x16xf32>,
      %get3A_251 = arith.index_cast %scan3A_222 : i32 to index
      %get3A_252 = arith.constant 32 : index
      %get3A_253 = tpu.vector_load %arg8[%get3A_251, %get3A_252] {strides = array<i32>} : memref<200x64xf32, #tpu.memory_space<vmem>>, vector<1x16xf32>,
      %get3A_254 = vector.shape_cast %get3A_253 : vector<1x16xf32> to vector<16xf32>
      %get3A_255 = arith.index_cast %scan3A_222 : i32 to index
      %get3A_256 = arith.constant 32 : index
      %get3A_257 = tpu.vector_load %arg7[%get3A_255, %get3A_256] {strides = array<i32>} : memref<200x64xf32, #tpu.memory_space<vmem>>, vector<1x16xf32>,
      %get3A_258 = vector.shape_cast %get3A_257 : vector<1x16xf32> to vector<16xf32>
      %add3A_259 = arith.addf %get3A_254, %get3A_258 : vector<16xf32>
      %swap3A_260 = arith.index_cast %scan3A_222 : i32 to index
      %swap3A_261 = arith.constant 32 : index
      %swap3A_262 = tpu.vector_load %arg8[%swap3A_260, %swap3A_261] {strides = array<i32>} : memref<200x64xf32, #tpu.memory_space<vmem>>, vector<1x16xf32>,
      %swap3A_263 = vector.shape_cast %swap3A_262 : vector<1x16xf32> to vector<16xf32>
      %swap3A_264 = vector.shape_cast %add3A_259 : vector<16xf32> to vector<1x16xf32>
      tpu.vector_store %arg8[%swap3A_260, %swap3A_261], %swap3A_264 {strides = array<i32>} : memref<200x64xf32, #tpu.memory_space<vmem>>, vector<1x16xf32>,
      %get3A_265 = arith.index_cast %scan3A_222 : i32 to index
      %get3A_266 = arith.constant 48 : index
      %get3A_267 = tpu.vector_load %arg8[%get3A_265, %get3A_266] {strides = array<i32>} : memref<200x64xf32, #tpu.memory_space<vmem>>, vector<1x16xf32>,
      %get3A_268 = vector.shape_cast %get3A_267 : vector<1x16xf32> to vector<16xf32>
      %get3A_269 = arith.index_cast %scan3A_222 : i32 to index
      %get3A_270 = arith.constant 48 : index
      %get3A_271 = tpu.vector_load %arg7[%get3A_269, %get3A_270] {strides = array<i32>} : memref<200x64xf32, #tpu.memory_space<vmem>>, vector<1x16xf32>,
      %get3A_272 = vector.shape_cast %get3A_271 : vector<1x16xf32> to vector<16xf32>
      %add3A_273 = arith.addf %get3A_268, %get3A_272 : vector<16xf32>
      %swap3A_274 = arith.index_cast %scan3A_222 : i32 to index
      %swap3A_275 = arith.constant 48 : index
      %swap3A_276 = tpu.vector_load %arg8[%swap3A_274, %swap3A_275] {strides = array<i32>} : memref<200x64xf32, #tpu.memory_space<vmem>>, vector<1x16xf32>,
      %swap3A_277 = vector.shape_cast %swap3A_276 : vector<1x16xf32> to vector<16xf32>
      %swap3A_278 = vector.shape_cast %add3A_273 : vector<16xf32> to vector<1x16xf32>
      tpu.vector_store %arg8[%swap3A_274, %swap3A_275], %swap3A_278 {strides = array<i32>} : memref<200x64xf32, #tpu.memory_space<vmem>>, vector<1x16xf32>,
      %scan3A_279 = arith.constant 2 : i32
      %scan3A_280 = arith.addi %scan3A_166, %scan3A_279 : i32
      %get3A_281 = arith.index_cast %scan3A_280 : i32 to index
      %get3A_282 = arith.constant 0 : index
      %get3A_283 = tpu.vector_load %arg8[%get3A_281, %get3A_282] {strides = array<i32>} : memref<200x64xf32, #tpu.memory_space<vmem>>, vector<1x16xf32>,
      %get3A_284 = vector.shape_cast %get3A_283 : vector<1x16xf32> to vector<16xf32>
      %get3A_285 = arith.index_cast %scan3A_280 : i32 to index
      %get3A_286 = arith.constant 0 : index
      %get3A_287 = tpu.vector_load %arg7[%get3A_285, %get3A_286] {strides = array<i32>} : memref<200x64xf32, #tpu.memory_space<vmem>>, vector<1x16xf32>,
      %get3A_288 = vector.shape_cast %get3A_287 : vector<1x16xf32> to vector<16xf32>
      %add3A_289 = arith.addf %get3A_284, %get3A_288 : vector<16xf32>
      %swap3A_290 = arith.index_cast %scan3A_280 : i32 to index
      %swap3A_291 = arith.constant 0 : index
      %swap3A_292 = tpu.vector_load %arg8[%swap3A_290, %swap3A_291] {strides = array<i32>} : memref<200x64xf32, #tpu.memory_space<vmem>>, vector<1x16xf32>,
      %swap3A_293 = vector.shape_cast %swap3A_292 : vector<1x16xf32> to vector<16xf32>
      %swap3A_294 = vector.shape_cast %add3A_289 : vector<16xf32> to vector<1x16xf32>
      tpu.vector_store %arg8[%swap3A_290, %swap3A_291], %swap3A_294 {strides = array<i32>} : memref<200x64xf32, #tpu.memory_space<vmem>>, vector<1x16xf32>,
      %get3A_295 = arith.index_cast %scan3A_280 : i32 to index
      %get3A_296 = arith.constant 16 : index
      %get3A_297 = tpu.vector_load %arg8[%get3A_295, %get3A_296] {strides = array<i32>} : memref<200x64xf32, #tpu.memory_space<vmem>>, vector<1x16xf32>,
      %get3A_298 = vector.shape_cast %get3A_297 : vector<1x16xf32> to vector<16xf32>
      %get3A_299 = arith.index_cast %scan3A_280 : i32 to index
      %get3A_300 = arith.constant 16 : index
      %get3A_301 = tpu.vector_load %arg7[%get3A_299, %get3A_300] {strides = array<i32>} : memref<200x64xf32, #tpu.memory_space<vmem>>, vector<1x16xf32>,
      %get3A_302 = vector.shape_cast %get3A_301 : vector<1x16xf32> to vector<16xf32>
      %add3A_303 = arith.addf %get3A_298, %get3A_302 : vector<16xf32>
      %swap3A_304 = arith.index_cast %scan3A_280 : i32 to index
      %swap3A_305 = arith.constant 16 : index
      %swap3A_306 = tpu.vector_load %arg8[%swap3A_304, %swap3A_305] {strides = array<i32>} : memref<200x64xf32, #tpu.memory_space<vmem>>, vector<1x16xf32>,
      %swap3A_307 = vector.shape_cast %swap3A_306 : vector<1x16xf32> to vector<16xf32>
      %swap3A_308 = vector.shape_cast %add3A_303 : vector<16xf32> to vector<1x16xf32>
      tpu.vector_store %arg8[%swap3A_304, %swap3A_305], %swap3A_308 {strides = array<i32>} : memref<200x64xf32, #tpu.memory_space<vmem>>, vector<1x16xf32>,
      %get3A_309 = arith.index_cast %scan3A_280 : i32 to index
      %get3A_310 = arith.constant 32 : index
      %get3A_311 = tpu.vector_load %arg8[%get3A_309, %get3A_310] {strides = array<i32>} : memref<200x64xf32, #tpu.memory_space<vmem>>, vector<1x16xf32>,
      %get3A_312 = vector.shape_cast %get3A_311 : vector<1x16xf32> to vector<16xf32>
      %get3A_313 = arith.index_cast %scan3A_280 : i32 to index
      %get3A_314 = arith.constant 32 : index
      %get3A_315 = tpu.vector_load %arg7[%get3A_313, %get3A_314] {strides = array<i32>} : memref<200x64xf32, #tpu.memory_space<vmem>>, vector<1x16xf32>,
      %get3A_316 = vector.shape_cast %get3A_315 : vector<1x16xf32> to vector<16xf32>
      %add3A_317 = arith.addf %get3A_312, %get3A_316 : vector<16xf32>
      %swap3A_318 = arith.index_cast %scan3A_280 : i32 to index
      %swap3A_319 = arith.constant 32 : index
      %swap3A_320 = tpu.vector_load %arg8[%swap3A_318, %swap3A_319] {strides = array<i32>} : memref<200x64xf32, #tpu.memory_space<vmem>>, vector<1x16xf32>,
      %swap3A_321 = vector.shape_cast %swap3A_320 : vector<1x16xf32> to vector<16xf32>
      %swap3A_322 = vector.shape_cast %add3A_317 : vector<16xf32> to vector<1x16xf32>
      tpu.vector_store %arg8[%swap3A_318, %swap3A_319], %swap3A_322 {strides = array<i32>} : memref<200x64xf32, #tpu.memory_space<vmem>>, vector<1x16xf32>,
      %get3A_323 = arith.index_cast %scan3A_280 : i32 to index
      %get3A_324 = arith.constant 48 : index
      %get3A_325 = tpu.vector_load %arg8[%get3A_323, %get3A_324] {strides = array<i32>} : memref<200x64xf32, #tpu.memory_space<vmem>>, vector<1x16xf32>,
      %get3A_326 = vector.shape_cast %get3A_325 : vector<1x16xf32> to vector<16xf32>
      %get3A_327 = arith.index_cast %scan3A_280 : i32 to index
      %get3A_328 = arith.constant 48 : index
      %get3A_329 = tpu.vector_load %arg7[%get3A_327, %get3A_328] {strides = array<i32>} : memref<200x64xf32, #tpu.memory_space<vmem>>, vector<1x16xf32>,
      %get3A_330 = vector.shape_cast %get3A_329 : vector<1x16xf32> to vector<16xf32>
      %add3A_331 = arith.addf %get3A_326, %get3A_330 : vector<16xf32>
      %swap3A_332 = arith.index_cast %scan3A_280 : i32 to index
      %swap3A_333 = arith.constant 48 : index
      %swap3A_334 = tpu.vector_load %arg8[%swap3A_332, %swap3A_333] {strides = array<i32>} : memref<200x64xf32, #tpu.memory_space<vmem>>, vector<1x16xf32>,
      %swap3A_335 = vector.shape_cast %swap3A_334 : vector<1x16xf32> to vector<16xf32>
      %swap3A_336 = vector.shape_cast %add3A_331 : vector<16xf32> to vector<1x16xf32>
      tpu.vector_store %arg8[%swap3A_332, %swap3A_333], %swap3A_336 {strides = array<i32>} : memref<200x64xf32, #tpu.memory_space<vmem>>, vector<1x16xf32>,
      %scan3A_337 = arith.constant 3 : i32
      %scan3A_338 = arith.addi %scan3A_166, %scan3A_337 : i32
      %get3A_339 = arith.index_cast %scan3A_338 : i32 to index
      %get3A_340 = arith.constant 0 : index
      %get3A_341 = tpu.vector_load %arg8[%get3A_339, %get3A_340] {strides = array<i32>} : memref<200x64xf32, #tpu.memory_space<vmem>>, vector<1x16xf32>,
      %get3A_342 = vector.shape_cast %get3A_341 : vector<1x16xf32> to vector<16xf32>
      %get3A_343 = arith.index_cast %scan3A_338 : i32 to index
      %get3A_344 = arith.constant 0 : index
      %get3A_345 = tpu.vector_load %arg7[%get3A_343, %get3A_344] {strides = array<i32>} : memref<200x64xf32, #tpu.memory_space<vmem>>, vector<1x16xf32>,
      %get3A_346 = vector.shape_cast %get3A_345 : vector<1x16xf32> to vector<16xf32>
      %add3A_347 = arith.addf %get3A_342, %get3A_346 : vector<16xf32>
      %swap3A_348 = arith.index_cast %scan3A_338 : i32 to index
      %swap3A_349 = arith.constant 0 : index
      %swap3A_350 = tpu.vector_load %arg8[%swap3A_348, %swap3A_349] {strides = array<i32>} : memref<200x64xf32, #tpu.memory_space<vmem>>, vector<1x16xf32>,
      %swap3A_351 = vector.shape_cast %swap3A_350 : vector<1x16xf32> to vector<16xf32>
      %swap3A_352 = vector.shape_cast %add3A_347 : vector<16xf32> to vector<1x16xf32>
      tpu.vector_store %arg8[%swap3A_348, %swap3A_349], %swap3A_352 {strides = array<i32>} : memref<200x64xf32, #tpu.memory_space<vmem>>, vector<1x16xf32>,
      %get3A_353 = arith.index_cast %scan3A_338 : i32 to index
      %get3A_354 = arith.constant 16 : index
      %get3A_355 = tpu.vector_load %arg8[%get3A_353, %get3A_354] {strides = array<i32>} : memref<200x64xf32, #tpu.memory_space<vmem>>, vector<1x16xf32>,
      %get3A_356 = vector.shape_cast %get3A_355 : vector<1x16xf32> to vector<16xf32>
      %get3A_357 = arith.index_cast %scan3A_338 : i32 to index
      %get3A_358 = arith.constant 16 : index
      %get3A_359 = tpu.vector_load %arg7[%get3A_357, %get3A_358] {strides = array<i32>} : memref<200x64xf32, #tpu.memory_space<vmem>>, vector<1x16xf32>,
      %get3A_360 = vector.shape_cast %get3A_359 : vector<1x16xf32> to vector<16xf32>
      %add3A_361 = arith.addf %get3A_356, %get3A_360 : vector<16xf32>
      %swap3A_362 = arith.index_cast %scan3A_338 : i32 to index
      %swap3A_363 = arith.constant 16 : index
      %swap3A_364 = tpu.vector_load %arg8[%swap3A_362, %swap3A_363] {strides = array<i32>} : memref<200x64xf32, #tpu.memory_space<vmem>>, vector<1x16xf32>,
      %swap3A_365 = vector.shape_cast %swap3A_364 : vector<1x16xf32> to vector<16xf32>
      %swap3A_366 = vector.shape_cast %add3A_361 : vector<16xf32> to vector<1x16xf32>
      tpu.vector_store %arg8[%swap3A_362, %swap3A_363], %swap3A_366 {strides = array<i32>} : memref<200x64xf32, #tpu.memory_space<vmem>>, vector<1x16xf32>,
      %get3A_367 = arith.index_cast %scan3A_338 : i32 to index
      %get3A_368 = arith.constant 32 : index
      %get3A_369 = tpu.vector_load %arg8[%get3A_367, %get3A_368] {strides = array<i32>} : memref<200x64xf32, #tpu.memory_space<vmem>>, vector<1x16xf32>,
      %get3A_370 = vector.shape_cast %get3A_369 : vector<1x16xf32> to vector<16xf32>
      %get3A_371 = arith.index_cast %scan3A_338 : i32 to index
      %get3A_372 = arith.constant 32 : index
      %get3A_373 = tpu.vector_load %arg7[%get3A_371, %get3A_372] {strides = array<i32>} : memref<200x64xf32, #tpu.memory_space<vmem>>, vector<1x16xf32>,
      %get3A_374 = vector.shape_cast %get3A_373 : vector<1x16xf32> to vector<16xf32>
      %add3A_375 = arith.addf %get3A_370, %get3A_374 : vector<16xf32>
      %swap3A_376 = arith.index_cast %scan3A_338 : i32 to index
      %swap3A_377 = arith.constant 32 : index
      %swap3A_378 = tpu.vector_load %arg8[%swap3A_376, %swap3A_377] {strides = array<i32>} : memref<200x64xf32, #tpu.memory_space<vmem>>, vector<1x16xf32>,
      %swap3A_379 = vector.shape_cast %swap3A_378 : vector<1x16xf32> to vector<16xf32>
      %swap3A_380 = vector.shape_cast %add3A_375 : vector<16xf32> to vector<1x16xf32>
      tpu.vector_store %arg8[%swap3A_376, %swap3A_377], %swap3A_380 {strides = array<i32>} : memref<200x64xf32, #tpu.memory_space<vmem>>, vector<1x16xf32>,
      %get3A_381 = arith.index_cast %scan3A_338 : i32 to index
      %get3A_382 = arith.constant 48 : index
      %get3A_383 = tpu.vector_load %arg8[%get3A_381, %get3A_382] {strides = array<i32>} : memref<200x64xf32, #tpu.memory_space<vmem>>, vector<1x16xf32>,
      %get3A_384 = vector.shape_cast %get3A_383 : vector<1x16xf32> to vector<16xf32>
      %get3A_385 = arith.index_cast %scan3A_338 : i32 to index
      %get3A_386 = arith.constant 48 : index
      %get3A_387 = tpu.vector_load %arg7[%get3A_385, %get3A_386] {strides = array<i32>} : memref<200x64xf32, #tpu.memory_space<vmem>>, vector<1x16xf32>,
      %get3A_388 = vector.shape_cast %get3A_387 : vector<1x16xf32> to vector<16xf32>
      %add3A_389 = arith.addf %get3A_384, %get3A_388 : vector<16xf32>
      %swap3A_390 = arith.index_cast %scan3A_338 : i32 to index
      %swap3A_391 = arith.constant 48 : index
      %swap3A_392 = tpu.vector_load %arg8[%swap3A_390, %swap3A_391] {strides = array<i32>} : memref<200x64xf32, #tpu.memory_space<vmem>>, vector<1x16xf32>,
      %swap3A_393 = vector.shape_cast %swap3A_392 : vector<1x16xf32> to vector<16xf32>
      %swap3A_394 = vector.shape_cast %add3A_389 : vector<16xf32> to vector<1x16xf32>
      tpu.vector_store %arg8[%swap3A_390, %swap3A_391], %swap3A_394 {strides = array<i32>} : memref<200x64xf32, #tpu.memory_space<vmem>>, vector<1x16xf32>,
    }
    %scan3A_112 = arith.constant 200 : i32
    %add3A_113 = arith.constant 30 : i32
    %add3A_114 = arith.addi %mul3A_2, %add3A_113 : i32
    %dma_start3A_115 = arith.constant 0 : i32
    %dma_start3A_116 = arith.constant 0 : i32
    %dma_start3A_117 = tpu.memref_slice %arg5[%add3A_114, %dma_start3A_115, %dma_start3A_116] : memref<1024x200x64xf32, #tpu.memory_space<hbm>> -> memref<1x200x64xf32, #tpu.memory_space<hbm>>
    %dma_start3A_118 = tpu.memref_squeeze %dma_start3A_117 : memref<1x200x64xf32, #tpu.memory_space<hbm>> -> memref<200x64xf32, #tpu.memory_space<hbm>>
    %dma_start3A_119 = arith.constant 0 : i32
    %dma_start3A_120 = arith.constant 0 : i32
    %dma_start3A_121 = tpu.memref_slice %arg5[%add3A_114, %dma_start3A_119, %dma_start3A_120] : memref<1024x200x64xf32, #tpu.memory_space<hbm>> -> memref<1x200x64xf32, #tpu.memory_space<hbm>>
    %dma_start3A_122 = tpu.memref_squeeze %dma_start3A_121 : memref<1x200x64xf32, #tpu.memory_space<hbm>> -> memref<200x64xf32, #tpu.memory_space<hbm>>
    tpu.enqueue_dma source(%arg8 : memref<200x64xf32, #tpu.memory_space<vmem>>) target(%dma_start3A_122 : memref<200x64xf32, #tpu.memory_space<hbm>>) target_semaphore(%arg12 : memref<!tpu.dma_semaphore, #tpu.memory_space<semaphore_mem>>)
    %dma_wait3A_123 = arith.constant 0 : i32
    %dma_wait3A_124 = arith.constant 0 : i32
    %dma_wait3A_125 = tpu.memref_slice %arg6[%dma_wait3A_123, %dma_wait3A_124] : memref<32x256xi32, #tpu.memory_space<vmem>> -> memref<1x200xi32, #tpu.memory_space<vmem>>
    %dma_wait3A_126 = tpu.memref_squeeze %dma_wait3A_125 : memref<1x200xi32, #tpu.memory_space<vmem>> -> memref<200xi32, #tpu.memory_space<vmem>>
    %dma_wait3A_127 = arith.constant 0 : i32
    %dma_wait3A_128 = arith.constant 0 : i32
    %dma_wait3A_129 = tpu.memref_slice %arg3[%dma_wait3A_127, %dma_wait3A_128] : memref<1000000x64xf32, #tpu.memory_space<hbm>> -> memref<1000000x64xf32, #tpu.memory_space<hbm>>
    tpu.wait_indirect_dma semaphore(%arg11 : memref<!tpu.dma_semaphore, #tpu.memory_space<semaphore_mem>>) src(%dma_wait3A_129 : memref<1000000x64xf32, #tpu.memory_space<hbm>>) dst(%arg9 : memref<200x64xf32, #tpu.memory_space<vmem>>)
    %add3A_130 = arith.constant 30 : i32
    %add3A_131 = arith.addi %mul3A_2, %add3A_130 : i32
    %dma_wait3A_132 = arith.constant 0 : i32
    %dma_wait3A_133 = arith.constant 0 : i32
    %dma_wait3A_134 = tpu.memref_slice %arg5[%add3A_131, %dma_wait3A_132, %dma_wait3A_133] : memref<1024x200x64xf32, #tpu.memory_space<hbm>> -> memref<1x200x64xf32, #tpu.memory_space<hbm>>
    %dma_wait3A_135 = tpu.memref_squeeze %dma_wait3A_134 : memref<1x200x64xf32, #tpu.memory_space<hbm>> -> memref<200x64xf32, #tpu.memory_space<hbm>>
    %dma_wait3A_136 = arith.constant 0 : i32
    %dma_wait3A_137 = arith.constant 0 : i32
    %dma_wait3A_138 = tpu.memref_slice %arg5[%add3A_131, %dma_wait3A_136, %dma_wait3A_137] : memref<1024x200x64xf32, #tpu.memory_space<hbm>> -> memref<1x200x64xf32, #tpu.memory_space<hbm>>
    %dma_wait3A_139 = tpu.memref_squeeze %dma_wait3A_138 : memref<1x200x64xf32, #tpu.memory_space<hbm>> -> memref<200x64xf32, #tpu.memory_space<hbm>>
    tpu.wait_dma2 semaphore(%arg12 : memref<!tpu.dma_semaphore, #tpu.memory_space<semaphore_mem>>) src(%arg8 : memref<200x64xf32, #tpu.memory_space<vmem>>) dst(%dma_wait3A_139 : memref<200x64xf32, #tpu.memory_space<hbm>>)
    %scan3A_140 = arith.constant 0 : i32
    %scan3A_141 = arith.constant 0 : i32
    %scan3A_142 = arith.constant 200 : i32
    %scan3A_143 = arith.addi %scan3A_141, %scan3A_142 : i32
    %scan3A_144 = arith.constant 4 : i32
    scf.for %scan3A_166 = %scan3A_141 to %scan3A_143 step %scan3A_144  : i32 {
      %get3A = arith.index_cast %scan3A_166 : i32 to index
      %get3A_167 = arith.constant 0 : index
      %get3A_168 = tpu.vector_load %arg9[%get3A, %get3A_167] {strides = array<i32>} : memref<200x64xf32, #tpu.memory_space<vmem>>, vector<1x16xf32>,
      %get3A_169 = vector.shape_cast %get3A_168 : vector<1x16xf32> to vector<16xf32>
      %get3A_170 = arith.index_cast %scan3A_166 : i32 to index
      %get3A_171 = arith.constant 0 : index
      %get3A_172 = tpu.vector_load %arg7[%get3A_170, %get3A_171] {strides = array<i32>} : memref<200x64xf32, #tpu.memory_space<vmem>>, vector<1x16xf32>,
      %get3A_173 = vector.shape_cast %get3A_172 : vector<1x16xf32> to vector<16xf32>
      %add3A_174 = arith.addf %get3A_169, %get3A_173 : vector<16xf32>
      %swap3A = arith.index_cast %scan3A_166 : i32 to index
      %swap3A_175 = arith.constant 0 : index
      %swap3A_176 = tpu.vector_load %arg9[%swap3A, %swap3A_175] {strides = array<i32>} : memref<200x64xf32, #tpu.memory_space<vmem>>, vector<1x16xf32>,
      %swap3A_177 = vector.shape_cast %swap3A_176 : vector<1x16xf32> to vector<16xf32>
      %swap3A_178 = vector.shape_cast %add3A_174 : vector<16xf32> to vector<1x16xf32>
      tpu.vector_store %arg9[%swap3A, %swap3A_175], %swap3A_178 {strides = array<i32>} : memref<200x64xf32, #tpu.memory_space<vmem>>, vector<1x16xf32>,
      %get3A_179 = arith.index_cast %scan3A_166 : i32 to index
      %get3A_180 = arith.constant 16 : index
      %get3A_181 = tpu.vector_load %arg9[%get3A_179, %get3A_180] {strides = array<i32>} : memref<200x64xf32, #tpu.memory_space<vmem>>, vector<1x16xf32>,
      %get3A_182 = vector.shape_cast %get3A_181 : vector<1x16xf32> to vector<16xf32>
      %get3A_183 = arith.index_cast %scan3A_166 : i32 to index
      %get3A_184 = arith.constant 16 : index
      %get3A_185 = tpu.vector_load %arg7[%get3A_183, %get3A_184] {strides = array<i32>} : memref<200x64xf32, #tpu.memory_space<vmem>>, vector<1x16xf32>,
      %get3A_186 = vector.shape_cast %get3A_185 : vector<1x16xf32> to vector<16xf32>
      %add3A_187 = arith.addf %get3A_182, %get3A_186 : vector<16xf32>
      %swap3A_188 = arith.index_cast %scan3A_166 : i32 to index
      %swap3A_189 = arith.constant 16 : index
      %swap3A_190 = tpu.vector_load %arg9[%swap3A_188, %swap3A_189] {strides = array<i32>} : memref<200x64xf32, #tpu.memory_space<vmem>>, vector<1x16xf32>,
      %swap3A_191 = vector.shape_cast %swap3A_190 : vector<1x16xf32> to vector<16xf32>
      %swap3A_192 = vector.shape_cast %add3A_187 : vector<16xf32> to vector<1x16xf32>
      tpu.vector_store %arg9[%swap3A_188, %swap3A_189], %swap3A_192 {strides = array<i32>} : memref<200x64xf32, #tpu.memory_space<vmem>>, vector<1x16xf32>,
      %get3A_193 = arith.index_cast %scan3A_166 : i32 to index
      %get3A_194 = arith.constant 32 : index
      %get3A_195 = tpu.vector_load %arg9[%get3A_193, %get3A_194] {strides = array<i32>} : memref<200x64xf32, #tpu.memory_space<vmem>>, vector<1x16xf32>,
      %get3A_196 = vector.shape_cast %get3A_195 : vector<1x16xf32> to vector<16xf32>
      %get3A_197 = arith.index_cast %scan3A_166 : i32 to index
      %get3A_198 = arith.constant 32 : index
      %get3A_199 = tpu.vector_load %arg7[%get3A_197, %get3A_198] {strides = array<i32>} : memref<200x64xf32, #tpu.memory_space<vmem>>, vector<1x16xf32>,
      %get3A_200 = vector.shape_cast %get3A_199 : vector<1x16xf32> to vector<16xf32>
      %add3A_201 = arith.addf %get3A_196, %get3A_200 : vector<16xf32>
      %swap3A_202 = arith.index_cast %scan3A_166 : i32 to index
      %swap3A_203 = arith.constant 32 : index
      %swap3A_204 = tpu.vector_load %arg9[%swap3A_202, %swap3A_203] {strides = array<i32>} : memref<200x64xf32, #tpu.memory_space<vmem>>, vector<1x16xf32>,
      %swap3A_205 = vector.shape_cast %swap3A_204 : vector<1x16xf32> to vector<16xf32>
      %swap3A_206 = vector.shape_cast %add3A_201 : vector<16xf32> to vector<1x16xf32>
      tpu.vector_store %arg9[%swap3A_202, %swap3A_203], %swap3A_206 {strides = array<i32>} : memref<200x64xf32, #tpu.memory_space<vmem>>, vector<1x16xf32>,
      %get3A_207 = arith.index_cast %scan3A_166 : i32 to index
      %get3A_208 = arith.constant 48 : index
      %get3A_209 = tpu.vector_load %arg9[%get3A_207, %get3A_208] {strides = array<i32>} : memref<200x64xf32, #tpu.memory_space<vmem>>, vector<1x16xf32>,
      %get3A_210 = vector.shape_cast %get3A_209 : vector<1x16xf32> to vector<16xf32>
      %get3A_211 = arith.index_cast %scan3A_166 : i32 to index
      %get3A_212 = arith.constant 48 : index
      %get3A_213 = tpu.vector_load %arg7[%get3A_211, %get3A_212] {strides = array<i32>} : memref<200x64xf32, #tpu.memory_space<vmem>>, vector<1x16xf32>,
      %get3A_214 = vector.shape_cast %get3A_213 : vector<1x16xf32> to vector<16xf32>
      %add3A_215 = arith.addf %get3A_210, %get3A_214 : vector<16xf32>
      %swap3A_216 = arith.index_cast %scan3A_166 : i32 to index
      %swap3A_217 = arith.constant 48 : index
      %swap3A_218 = tpu.vector_load %arg9[%swap3A_216, %swap3A_217] {strides = array<i32>} : memref<200x64xf32, #tpu.memory_space<vmem>>, vector<1x16xf32>,
      %swap3A_219 = vector.shape_cast %swap3A_218 : vector<1x16xf32> to vector<16xf32>
      %swap3A_220 = vector.shape_cast %add3A_215 : vector<16xf32> to vector<1x16xf32>
      tpu.vector_store %arg9[%swap3A_216, %swap3A_217], %swap3A_220 {strides = array<i32>} : memref<200x64xf32, #tpu.memory_space<vmem>>, vector<1x16xf32>,
      %scan3A_221 = arith.constant 1 : i32
      %scan3A_222 = arith.addi %scan3A_166, %scan3A_221 : i32
      %get3A_223 = arith.index_cast %scan3A_222 : i32 to index
      %get3A_224 = arith.constant 0 : index
      %get3A_225 = tpu.vector_load %arg9[%get3A_223, %get3A_224] {strides = array<i32>} : memref<200x64xf32, #tpu.memory_space<vmem>>, vector<1x16xf32>,
      %get3A_226 = vector.shape_cast %get3A_225 : vector<1x16xf32> to vector<16xf32>
      %get3A_227 = arith.index_cast %scan3A_222 : i32 to index
      %get3A_228 = arith.constant 0 : index
      %get3A_229 = tpu.vector_load %arg7[%get3A_227, %get3A_228] {strides = array<i32>} : memref<200x64xf32, #tpu.memory_space<vmem>>, vector<1x16xf32>,
      %get3A_230 = vector.shape_cast %get3A_229 : vector<1x16xf32> to vector<16xf32>
      %add3A_231 = arith.addf %get3A_226, %get3A_230 : vector<16xf32>
      %swap3A_232 = arith.index_cast %scan3A_222 : i32 to index
      %swap3A_233 = arith.constant 0 : index
      %swap3A_234 = tpu.vector_load %arg9[%swap3A_232, %swap3A_233] {strides = array<i32>} : memref<200x64xf32, #tpu.memory_space<vmem>>, vector<1x16xf32>,
      %swap3A_235 = vector.shape_cast %swap3A_234 : vector<1x16xf32> to vector<16xf32>
      %swap3A_236 = vector.shape_cast %add3A_231 : vector<16xf32> to vector<1x16xf32>
      tpu.vector_store %arg9[%swap3A_232, %swap3A_233], %swap3A_236 {strides = array<i32>} : memref<200x64xf32, #tpu.memory_space<vmem>>, vector<1x16xf32>,
      %get3A_237 = arith.index_cast %scan3A_222 : i32 to index
      %get3A_238 = arith.constant 16 : index
      %get3A_239 = tpu.vector_load %arg9[%get3A_237, %get3A_238] {strides = array<i32>} : memref<200x64xf32, #tpu.memory_space<vmem>>, vector<1x16xf32>,
      %get3A_240 = vector.shape_cast %get3A_239 : vector<1x16xf32> to vector<16xf32>
      %get3A_241 = arith.index_cast %scan3A_222 : i32 to index
      %get3A_242 = arith.constant 16 : index
      %get3A_243 = tpu.vector_load %arg7[%get3A_241, %get3A_242] {strides = array<i32>} : memref<200x64xf32, #tpu.memory_space<vmem>>, vector<1x16xf32>,
      %get3A_244 = vector.shape_cast %get3A_243 : vector<1x16xf32> to vector<16xf32>
      %add3A_245 = arith.addf %get3A_240, %get3A_244 : vector<16xf32>
      %swap3A_246 = arith.index_cast %scan3A_222 : i32 to index
      %swap3A_247 = arith.constant 16 : index
      %swap3A_248 = tpu.vector_load %arg9[%swap3A_246, %swap3A_247] {strides = array<i32>} : memref<200x64xf32, #tpu.memory_space<vmem>>, vector<1x16xf32>,
      %swap3A_249 = vector.shape_cast %swap3A_248 : vector<1x16xf32> to vector<16xf32>
      %swap3A_250 = vector.shape_cast %add3A_245 : vector<16xf32> to vector<1x16xf32>
      tpu.vector_store %arg9[%swap3A_246, %swap3A_247], %swap3A_250 {strides = array<i32>} : memref<200x64xf32, #tpu.memory_space<vmem>>, vector<1x16xf32>,
      %get3A_251 = arith.index_cast %scan3A_222 : i32 to index
      %get3A_252 = arith.constant 32 : index
      %get3A_253 = tpu.vector_load %arg9[%get3A_251, %get3A_252] {strides = array<i32>} : memref<200x64xf32, #tpu.memory_space<vmem>>, vector<1x16xf32>,
      %get3A_254 = vector.shape_cast %get3A_253 : vector<1x16xf32> to vector<16xf32>
      %get3A_255 = arith.index_cast %scan3A_222 : i32 to index
      %get3A_256 = arith.constant 32 : index
      %get3A_257 = tpu.vector_load %arg7[%get3A_255, %get3A_256] {strides = array<i32>} : memref<200x64xf32, #tpu.memory_space<vmem>>, vector<1x16xf32>,
      %get3A_258 = vector.shape_cast %get3A_257 : vector<1x16xf32> to vector<16xf32>
      %add3A_259 = arith.addf %get3A_254, %get3A_258 : vector<16xf32>
      %swap3A_260 = arith.index_cast %scan3A_222 : i32 to index
      %swap3A_261 = arith.constant 32 : index
      %swap3A_262 = tpu.vector_load %arg9[%swap3A_260, %swap3A_261] {strides = array<i32>} : memref<200x64xf32, #tpu.memory_space<vmem>>, vector<1x16xf32>,
      %swap3A_263 = vector.shape_cast %swap3A_262 : vector<1x16xf32> to vector<16xf32>
      %swap3A_264 = vector.shape_cast %add3A_259 : vector<16xf32> to vector<1x16xf32>
      tpu.vector_store %arg9[%swap3A_260, %swap3A_261], %swap3A_264 {strides = array<i32>} : memref<200x64xf32, #tpu.memory_space<vmem>>, vector<1x16xf32>,
      %get3A_265 = arith.index_cast %scan3A_222 : i32 to index
      %get3A_266 = arith.constant 48 : index
      %get3A_267 = tpu.vector_load %arg9[%get3A_265, %get3A_266] {strides = array<i32>} : memref<200x64xf32, #tpu.memory_space<vmem>>, vector<1x16xf32>,
      %get3A_268 = vector.shape_cast %get3A_267 : vector<1x16xf32> to vector<16xf32>
      %get3A_269 = arith.index_cast %scan3A_222 : i32 to index
      %get3A_270 = arith.constant 48 : index
      %get3A_271 = tpu.vector_load %arg7[%get3A_269, %get3A_270] {strides = array<i32>} : memref<200x64xf32, #tpu.memory_space<vmem>>, vector<1x16xf32>,
      %get3A_272 = vector.shape_cast %get3A_271 : vector<1x16xf32> to vector<16xf32>
      %add3A_273 = arith.addf %get3A_268, %get3A_272 : vector<16xf32>
      %swap3A_274 = arith.index_cast %scan3A_222 : i32 to index
      %swap3A_275 = arith.constant 48 : index
      %swap3A_276 = tpu.vector_load %arg9[%swap3A_274, %swap3A_275] {strides = array<i32>} : memref<200x64xf32, #tpu.memory_space<vmem>>, vector<1x16xf32>,
      %swap3A_277 = vector.shape_cast %swap3A_276 : vector<1x16xf32> to vector<16xf32>
      %swap3A_278 = vector.shape_cast %add3A_273 : vector<16xf32> to vector<1x16xf32>
      tpu.vector_store %arg9[%swap3A_274, %swap3A_275], %swap3A_278 {strides = array<i32>} : memref<200x64xf32, #tpu.memory_space<vmem>>, vector<1x16xf32>,
      %scan3A_279 = arith.constant 2 : i32
      %scan3A_280 = arith.addi %scan3A_166, %scan3A_279 : i32
      %get3A_281 = arith.index_cast %scan3A_280 : i32 to index
      %get3A_282 = arith.constant 0 : index
      %get3A_283 = tpu.vector_load %arg9[%get3A_281, %get3A_282] {strides = array<i32>} : memref<200x64xf32, #tpu.memory_space<vmem>>, vector<1x16xf32>,
      %get3A_284 = vector.shape_cast %get3A_283 : vector<1x16xf32> to vector<16xf32>
      %get3A_285 = arith.index_cast %scan3A_280 : i32 to index
      %get3A_286 = arith.constant 0 : index
      %get3A_287 = tpu.vector_load %arg7[%get3A_285, %get3A_286] {strides = array<i32>} : memref<200x64xf32, #tpu.memory_space<vmem>>, vector<1x16xf32>,
      %get3A_288 = vector.shape_cast %get3A_287 : vector<1x16xf32> to vector<16xf32>
      %add3A_289 = arith.addf %get3A_284, %get3A_288 : vector<16xf32>
      %swap3A_290 = arith.index_cast %scan3A_280 : i32 to index
      %swap3A_291 = arith.constant 0 : index
      %swap3A_292 = tpu.vector_load %arg9[%swap3A_290, %swap3A_291] {strides = array<i32>} : memref<200x64xf32, #tpu.memory_space<vmem>>, vector<1x16xf32>,
      %swap3A_293 = vector.shape_cast %swap3A_292 : vector<1x16xf32> to vector<16xf32>
      %swap3A_294 = vector.shape_cast %add3A_289 : vector<16xf32> to vector<1x16xf32>
      tpu.vector_store %arg9[%swap3A_290, %swap3A_291], %swap3A_294 {strides = array<i32>} : memref<200x64xf32, #tpu.memory_space<vmem>>, vector<1x16xf32>,
      %get3A_295 = arith.index_cast %scan3A_280 : i32 to index
      %get3A_296 = arith.constant 16 : index
      %get3A_297 = tpu.vector_load %arg9[%get3A_295, %get3A_296] {strides = array<i32>} : memref<200x64xf32, #tpu.memory_space<vmem>>, vector<1x16xf32>,
      %get3A_298 = vector.shape_cast %get3A_297 : vector<1x16xf32> to vector<16xf32>
      %get3A_299 = arith.index_cast %scan3A_280 : i32 to index
      %get3A_300 = arith.constant 16 : index
      %get3A_301 = tpu.vector_load %arg7[%get3A_299, %get3A_300] {strides = array<i32>} : memref<200x64xf32, #tpu.memory_space<vmem>>, vector<1x16xf32>,
      %get3A_302 = vector.shape_cast %get3A_301 : vector<1x16xf32> to vector<16xf32>
      %add3A_303 = arith.addf %get3A_298, %get3A_302 : vector<16xf32>
      %swap3A_304 = arith.index_cast %scan3A_280 : i32 to index
      %swap3A_305 = arith.constant 16 : index
      %swap3A_306 = tpu.vector_load %arg9[%swap3A_304, %swap3A_305] {strides = array<i32>} : memref<200x64xf32, #tpu.memory_space<vmem>>, vector<1x16xf32>,
      %swap3A_307 = vector.shape_cast %swap3A_306 : vector<1x16xf32> to vector<16xf32>
      %swap3A_308 = vector.shape_cast %add3A_303 : vector<16xf32> to vector<1x16xf32>
      tpu.vector_store %arg9[%swap3A_304, %swap3A_305], %swap3A_308 {strides = array<i32>} : memref<200x64xf32, #tpu.memory_space<vmem>>, vector<1x16xf32>,
      %get3A_309 = arith.index_cast %scan3A_280 : i32 to index
      %get3A_310 = arith.constant 32 : index
      %get3A_311 = tpu.vector_load %arg9[%get3A_309, %get3A_310] {strides = array<i32>} : memref<200x64xf32, #tpu.memory_space<vmem>>, vector<1x16xf32>,
      %get3A_312 = vector.shape_cast %get3A_311 : vector<1x16xf32> to vector<16xf32>
      %get3A_313 = arith.index_cast %scan3A_280 : i32 to index
      %get3A_314 = arith.constant 32 : index
      %get3A_315 = tpu.vector_load %arg7[%get3A_313, %get3A_314] {strides = array<i32>} : memref<200x64xf32, #tpu.memory_space<vmem>>, vector<1x16xf32>,
      %get3A_316 = vector.shape_cast %get3A_315 : vector<1x16xf32> to vector<16xf32>
      %add3A_317 = arith.addf %get3A_312, %get3A_316 : vector<16xf32>
      %swap3A_318 = arith.index_cast %scan3A_280 : i32 to index
      %swap3A_319 = arith.constant 32 : index
      %swap3A_320 = tpu.vector_load %arg9[%swap3A_318, %swap3A_319] {strides = array<i32>} : memref<200x64xf32, #tpu.memory_space<vmem>>, vector<1x16xf32>,
      %swap3A_321 = vector.shape_cast %swap3A_320 : vector<1x16xf32> to vector<16xf32>
      %swap3A_322 = vector.shape_cast %add3A_317 : vector<16xf32> to vector<1x16xf32>
      tpu.vector_store %arg9[%swap3A_318, %swap3A_319], %swap3A_322 {strides = array<i32>} : memref<200x64xf32, #tpu.memory_space<vmem>>, vector<1x16xf32>,
      %get3A_323 = arith.index_cast %scan3A_280 : i32 to index
      %get3A_324 = arith.constant 48 : index
      %get3A_325 = tpu.vector_load %arg9[%get3A_323, %get3A_324] {strides = array<i32>} : memref<200x64xf32, #tpu.memory_space<vmem>>, vector<1x16xf32>,
      %get3A_326 = vector.shape_cast %get3A_325 : vector<1x16xf32> to vector<16xf32>
      %get3A_327 = arith.index_cast %scan3A_280 : i32 to index
      %get3A_328 = arith.constant 48 : index
      %get3A_329 = tpu.vector_load %arg7[%get3A_327, %get3A_328] {strides = array<i32>} : memref<200x64xf32, #tpu.memory_space<vmem>>, vector<1x16xf32>,
      %get3A_330 = vector.shape_cast %get3A_329 : vector<1x16xf32> to vector<16xf32>
      %add3A_331 = arith.addf %get3A_326, %get3A_330 : vector<16xf32>
      %swap3A_332 = arith.index_cast %scan3A_280 : i32 to index
      %swap3A_333 = arith.constant 48 : index
      %swap3A_334 = tpu.vector_load %arg9[%swap3A_332, %swap3A_333] {strides = array<i32>} : memref<200x64xf32, #tpu.memory_space<vmem>>, vector<1x16xf32>,
      %swap3A_335 = vector.shape_cast %swap3A_334 : vector<1x16xf32> to vector<16xf32>
      %swap3A_336 = vector.shape_cast %add3A_331 : vector<16xf32> to vector<1x16xf32>
      tpu.vector_store %arg9[%swap3A_332, %swap3A_333], %swap3A_336 {strides = array<i32>} : memref<200x64xf32, #tpu.memory_space<vmem>>, vector<1x16xf32>,
      %scan3A_337 = arith.constant 3 : i32
      %scan3A_338 = arith.addi %scan3A_166, %scan3A_337 : i32
      %get3A_339 = arith.index_cast %scan3A_338 : i32 to index
      %get3A_340 = arith.constant 0 : index
      %get3A_341 = tpu.vector_load %arg9[%get3A_339, %get3A_340] {strides = array<i32>} : memref<200x64xf32, #tpu.memory_space<vmem>>, vector<1x16xf32>,
      %get3A_342 = vector.shape_cast %get3A_341 : vector<1x16xf32> to vector<16xf32>
      %get3A_343 = arith.index_cast %scan3A_338 : i32 to index
      %get3A_344 = arith.constant 0 : index
      %get3A_345 = tpu.vector_load %arg7[%get3A_343, %get3A_344] {strides = array<i32>} : memref<200x64xf32, #tpu.memory_space<vmem>>, vector<1x16xf32>,
      %get3A_346 = vector.shape_cast %get3A_345 : vector<1x16xf32> to vector<16xf32>
      %add3A_347 = arith.addf %get3A_342, %get3A_346 : vector<16xf32>
      %swap3A_348 = arith.index_cast %scan3A_338 : i32 to index
      %swap3A_349 = arith.constant 0 : index
      %swap3A_350 = tpu.vector_load %arg9[%swap3A_348, %swap3A_349] {strides = array<i32>} : memref<200x64xf32, #tpu.memory_space<vmem>>, vector<1x16xf32>,
      %swap3A_351 = vector.shape_cast %swap3A_350 : vector<1x16xf32> to vector<16xf32>
      %swap3A_352 = vector.shape_cast %add3A_347 : vector<16xf32> to vector<1x16xf32>
      tpu.vector_store %arg9[%swap3A_348, %swap3A_349], %swap3A_352 {strides = array<i32>} : memref<200x64xf32, #tpu.memory_space<vmem>>, vector<1x16xf32>,
      %get3A_353 = arith.index_cast %scan3A_338 : i32 to index
      %get3A_354 = arith.constant 16 : index
      %get3A_355 = tpu.vector_load %arg9[%get3A_353, %get3A_354] {strides = array<i32>} : memref<200x64xf32, #tpu.memory_space<vmem>>, vector<1x16xf32>,
      %get3A_356 = vector.shape_cast %get3A_355 : vector<1x16xf32> to vector<16xf32>
      %get3A_357 = arith.index_cast %scan3A_338 : i32 to index
      %get3A_358 = arith.constant 16 : index
      %get3A_359 = tpu.vector_load %arg7[%get3A_357, %get3A_358] {strides = array<i32>} : memref<200x64xf32, #tpu.memory_space<vmem>>, vector<1x16xf32>,
      %get3A_360 = vector.shape_cast %get3A_359 : vector<1x16xf32> to vector<16xf32>
      %add3A_361 = arith.addf %get3A_356, %get3A_360 : vector<16xf32>
      %swap3A_362 = arith.index_cast %scan3A_338 : i32 to index
      %swap3A_363 = arith.constant 16 : index
      %swap3A_364 = tpu.vector_load %arg9[%swap3A_362, %swap3A_363] {strides = array<i32>} : memref<200x64xf32, #tpu.memory_space<vmem>>, vector<1x16xf32>,
      %swap3A_365 = vector.shape_cast %swap3A_364 : vector<1x16xf32> to vector<16xf32>
      %swap3A_366 = vector.shape_cast %add3A_361 : vector<16xf32> to vector<1x16xf32>
      tpu.vector_store %arg9[%swap3A_362, %swap3A_363], %swap3A_366 {strides = array<i32>} : memref<200x64xf32, #tpu.memory_space<vmem>>, vector<1x16xf32>,
      %get3A_367 = arith.index_cast %scan3A_338 : i32 to index
      %get3A_368 = arith.constant 32 : index
      %get3A_369 = tpu.vector_load %arg9[%get3A_367, %get3A_368] {strides = array<i32>} : memref<200x64xf32, #tpu.memory_space<vmem>>, vector<1x16xf32>,
      %get3A_370 = vector.shape_cast %get3A_369 : vector<1x16xf32> to vector<16xf32>
      %get3A_371 = arith.index_cast %scan3A_338 : i32 to index
      %get3A_372 = arith.constant 32 : index
      %get3A_373 = tpu.vector_load %arg7[%get3A_371, %get3A_372] {strides = array<i32>} : memref<200x64xf32, #tpu.memory_space<vmem>>, vector<1x16xf32>,
      %get3A_374 = vector.shape_cast %get3A_373 : vector<1x16xf32> to vector<16xf32>
      %add3A_375 = arith.addf %get3A_370, %get3A_374 : vector<16xf32>
      %swap3A_376 = arith.index_cast %scan3A_338 : i32 to index
      %swap3A_377 = arith.constant 32 : index
      %swap3A_378 = tpu.vector_load %arg9[%swap3A_376, %swap3A_377] {strides = array<i32>} : memref<200x64xf32, #tpu.memory_space<vmem>>, vector<1x16xf32>,
      %swap3A_379 = vector.shape_cast %swap3A_378 : vector<1x16xf32> to vector<16xf32>
      %swap3A_380 = vector.shape_cast %add3A_375 : vector<16xf32> to vector<1x16xf32>
      tpu.vector_store %arg9[%swap3A_376, %swap3A_377], %swap3A_380 {strides = array<i32>} : memref<200x64xf32, #tpu.memory_space<vmem>>, vector<1x16xf32>,
      %get3A_381 = arith.index_cast %scan3A_338 : i32 to index
      %get3A_382 = arith.constant 48 : index
      %get3A_383 = tpu.vector_load %arg9[%get3A_381, %get3A_382] {strides = array<i32>} : memref<200x64xf32, #tpu.memory_space<vmem>>, vector<1x16xf32>,
      %get3A_384 = vector.shape_cast %get3A_383 : vector<1x16xf32> to vector<16xf32>
      %get3A_385 = arith.index_cast %scan3A_338 : i32 to index
      %get3A_386 = arith.constant 48 : index
      %get3A_387 = tpu.vector_load %arg7[%get3A_385, %get3A_386] {strides = array<i32>} : memref<200x64xf32, #tpu.memory_space<vmem>>, vector<1x16xf32>,
      %get3A_388 = vector.shape_cast %get3A_387 : vector<1x16xf32> to vector<16xf32>
      %add3A_389 = arith.addf %get3A_384, %get3A_388 : vector<16xf32>
      %swap3A_390 = arith.index_cast %scan3A_338 : i32 to index
      %swap3A_391 = arith.constant 48 : index
      %swap3A_392 = tpu.vector_load %arg9[%swap3A_390, %swap3A_391] {strides = array<i32>} : memref<200x64xf32, #tpu.memory_space<vmem>>, vector<1x16xf32>,
      %swap3A_393 = vector.shape_cast %swap3A_392 : vector<1x16xf32> to vector<16xf32>
      %swap3A_394 = vector.shape_cast %add3A_389 : vector<16xf32> to vector<1x16xf32>
      tpu.vector_store %arg9[%swap3A_390, %swap3A_391], %swap3A_394 {strides = array<i32>} : memref<200x64xf32, #tpu.memory_space<vmem>>, vector<1x16xf32>,
    }
    %scan3A_145 = arith.constant 200 : i32
    %add3A_146 = arith.constant 31 : i32
    %add3A_147 = arith.addi %mul3A_2, %add3A_146 : i32
    %dma_start3A_148 = arith.constant 0 : i32
    %dma_start3A_149 = arith.constant 0 : i32
    %dma_start3A_150 = tpu.memref_slice %arg5[%add3A_147, %dma_start3A_148, %dma_start3A_149] : memref<1024x200x64xf32, #tpu.memory_space<hbm>> -> memref<1x200x64xf32, #tpu.memory_space<hbm>>
    %dma_start3A_151 = tpu.memref_squeeze %dma_start3A_150 : memref<1x200x64xf32, #tpu.memory_space<hbm>> -> memref<200x64xf32, #tpu.memory_space<hbm>>
    %dma_start3A_152 = arith.constant 0 : i32
    %dma_start3A_153 = arith.constant 0 : i32
    %dma_start3A_154 = tpu.memref_slice %arg5[%add3A_147, %dma_start3A_152, %dma_start3A_153] : memref<1024x200x64xf32, #tpu.memory_space<hbm>> -> memref<1x200x64xf32, #tpu.memory_space<hbm>>
    %dma_start3A_155 = tpu.memref_squeeze %dma_start3A_154 : memref<1x200x64xf32, #tpu.memory_space<hbm>> -> memref<200x64xf32, #tpu.memory_space<hbm>>
    tpu.enqueue_dma source(%arg9 : memref<200x64xf32, #tpu.memory_space<vmem>>) target(%dma_start3A_155 : memref<200x64xf32, #tpu.memory_space<hbm>>) target_semaphore(%arg13 : memref<!tpu.dma_semaphore, #tpu.memory_space<semaphore_mem>>)
    %add3A_156 = arith.constant 31 : i32
    %add3A_157 = arith.addi %mul3A_2, %add3A_156 : i32
    %dma_wait3A_158 = arith.constant 0 : i32
    %dma_wait3A_159 = arith.constant 0 : i32
    %dma_wait3A_160 = tpu.memref_slice %arg5[%add3A_157, %dma_wait3A_158, %dma_wait3A_159] : memref<1024x200x64xf32, #tpu.memory_space<hbm>> -> memref<1x200x64xf32, #tpu.memory_space<hbm>>
    %dma_wait3A_161 = tpu.memref_squeeze %dma_wait3A_160 : memref<1x200x64xf32, #tpu.memory_space<hbm>> -> memref<200x64xf32, #tpu.memory_space<hbm>>
    %dma_wait3A_162 = arith.constant 0 : i32
    %dma_wait3A_163 = arith.constant 0 : i32
    %dma_wait3A_164 = tpu.memref_slice %arg5[%add3A_157, %dma_wait3A_162, %dma_wait3A_163] : memref<1024x200x64xf32, #tpu.memory_space<hbm>> -> memref<1x200x64xf32, #tpu.memory_space<hbm>>
    %dma_wait3A_165 = tpu.memref_squeeze %dma_wait3A_164 : memref<1x200x64xf32, #tpu.memory_space<hbm>> -> memref<200x64xf32, #tpu.memory_space<hbm>>
    tpu.wait_dma2 semaphore(%arg13 : memref<!tpu.dma_semaphore, #tpu.memory_space<semaphore_mem>>) src(%arg9 : memref<200x64xf32, #tpu.memory_space<vmem>>) dst(%dma_wait3A_165 : memref<200x64xf32, #tpu.memory_space<hbm>>)
    return
  }
}

module attributes {stable_mosaic.version = 14 : i64} {
  func.func @_xpose_body(%arg0: i32, %arg1: memref<200x128xi32, #tpu.memory_space<vmem>>, %arg2: memref<128x256xi32, #tpu.memory_space<vmem>>) attributes {dimension_semantics = [#tpu.dimension_semantics<arbitrary>], iteration_bounds = array<i64: 8>, scalar_prefetch = 0 : i64, scratch_operands = 0 : i64, tpu.core_type = #tpu.core_type<tc>, window_params = [{transform_indices = @transform_0, window_bounds = array<i64: 200, 128>}, {transform_indices = @transform_1, window_bounds = array<i64: 128, 256>}]} {
    %get3A = arith.constant 0 : index
    %get3A_0 = arith.constant 0 : index
    %get3A_1 = vector.load %arg1[%get3A, %get3A_0] : memref<200x128xi32, #tpu.memory_space<vmem>>, vector<200x128xi32>
    %transpose3A = tpu.transpose %get3A_1, [1, 0] : vector<200x128xi32> -> vector<128x200xi32>
    %jit3A = arith.constant 0 : i32
    %pad3A = vector.broadcast %jit3A : i32 to vector<128x56xi32>
    %pad3A_2 = tpu.concatenate %transpose3A, %pad3A in 1 : vector<128x200xi32>, vector<128x56xi32> -> vector<128x256xi32>
    %swap3A = arith.constant 0 : index
    %swap3A_3 = arith.constant 0 : index
    %swap3A_4 = vector.load %arg2[%swap3A, %swap3A_3] : memref<128x256xi32, #tpu.memory_space<vmem>>, vector<128x256xi32>
    tpu.vector_store %arg2[%swap3A, %swap3A_3], %pad3A_2 {strides = array<i32>} : memref<128x256xi32, #tpu.memory_space<vmem>>, vector<128x256xi32>,
    return
  }
  func.func @transform_0(%arg0: i32) -> (i32, i32) {
    %c0_i32 = arith.constant 0 : i32
    %c0_i32_0 = arith.constant 0 : i32
    return %c0_i32, %arg0 : i32, i32
  }
  func.func @transform_1(%arg0: i32) -> (i32, i32) {
    %c0_i32 = arith.constant 0 : i32
    %c0_i32_0 = arith.constant 0 : i32
    return %arg0, %c0_i32 : i32, i32
  }
}

</mosaic_0001>

<sc_bundles>
// kernel: kernel.4.cloned.1.call-start
scs
__scs_entry_jumppad:
0x0: {  	(pc) =	sbr.rel $0x88, $3  }
0x1: {  	(tag) =	ssettag $0x0;
	lr =	simm.s32 $0x1  }
0x2: {  	[smem:$0x3F9E] =	sst lr;
	_ =	strace $0xD0000000  }
0x3: {  	_ = 	snop  }
0x4: {  	_ = 	snop  }
0x5: {  	_ = 	snop  }
0x6: {  	_ = 	snop  }
0x7: {  	_ = 	snop  }
__scs_overlays_trampoline_lowered:
0x8: {  	[smem:$0x3FAD] =	sst s0  }
0x9: {  	[smem:$0x3FAE] =	sst s1  }
0xa: {  	[smem:$0x3FAF] =	sst s2  }
0xb: {  	[smem:$0x3FB0] =	sst s3  }
0xc: {  	[smem:$0x3FB1] =	sst s4  }
0xd: {  	[smem:$0x3FB2] =	sst s5  }
0xe: {  	[smem:$0x3FB3] =	sst s6  }
0xf: {  	[smem:$0x3FB4] =	sst s7  }
0x10: {  	[smem:$0x3FB5] =	sst s8  }
0x11: {  	[smem:$0x3FB6] =	sst s9;
	s0 =	simm.s32 @!p0 $0x0  }
0x12: {  	s1 =	sld [smem:$0x3F9C];
	s0 =	simm.s32 @p0 $0x1  }
0x13: {  	[smem:$0x3FB7] =	sst s0;
	s0 =	simm.s32 @!p1 $0x0  }
0x14: {  	s2 =	sld [smem:$0x3F9B];
	s0 =	simm.s32 @p1 $0x1  }
0x15: {  	[smem:$0x3FB8] =	sst s0;
	s0 =	simm.s32 @!p2 $0x0  }
0x16: {  	s3 =	sld [smem:$0x3FDB];
	s0 =	simm.s32 @p2 $0x1  }
0x17: {  	s4 =	simm.s32 $0x1BF5;
	[smem:$0x3FBA] =	sst s0  }
0x18: {  	s0 =	sld [smem:$0x3F9D];
	_ =	swait.ge [sflag:s4], $0x0  }
0x19: {  	s7 =	sld [smem:$0x3F9E]  }
0x1a: {  	s8 =	sadd.s32 $0xFFFFE003, lr  }
0x1b: {  	s9 =	sadd.s32 $0xFFFFFEF7, lr;
	s5 =	simm.s32 $0xFFFFFFFF;
	p2 =	slt.u32 s8, $0xFFFFF086  }
0x1c: {  	p1 =	slt.u32 s9, $0xF7A;
	s5 =	simm.s32 @!p2 $0x0  }
0x1d: {  	s5 =	simm.s32 @p1 $0x1;
	p0 =	seq.s32 s7, s2  }
0x1e: {  	s7 =	smul.u32 @!p0 $0xF7A, s2;
	p2 =	seq.s32 @!p0 s5, $0x0  }
0x1f: {  	s9 =	smul.u32 $0xF7A, s1;
	s8 =	simm.s32 @!p0 $0x1BF5;
	p2 =	por !p2, p0  }
0x20: {  	[sflag:s8] =	ssyncset.s32 @!p0 $0xFFFFF086;
	s6 =	sadd.s32 @!p0 s3, s7;
	s7 =	simm.s32 @!p0 $0x108  }
0x21: {  	s3 =	sadd.s32 s3, s9;
	s6 =	sadd.s32 @!p0 $0x88, s6;
	s7 =	simm.s32 @p2 $0x1082  }
0x22: {  	[simem:s7], [sflag:s8] =	dma.local @!p0 [hbm:s6], $0xF7A  }
0x23: {  	s9 =	sor.u32 $0xD0000000, s2;
	s6 =	simm.s32 $0x108;
	_ =	swait.ge @!p0 [sflag:s8], $0x0  }
0x24: {  	s3 =	sadd.s32 $0x88, s3;
	s6 =	simm.s32 @!p1 $0x1082;
	[sflag:s4] =	ssyncset.s32 $0xFFFFF086  }
0x25: {  	[simem:s6], [sflag:s4] =	dma.local [hbm:s3], $0xF7A  }
0x26: {  	[smem:$0x3F9E] =	sst s1;
	(tag) =	ssettag s2;
	_ =	strace s9  }
0x27: {  	s1 =	sld [smem:$0x3FAE]  }
0x28: {  	s2 =	sld [smem:$0x3FAF]  }
0x29: {  	s4 =	sld [smem:$0x3FB1]  }
0x2a: {  	p0 =	seq.s32 s5, $0x0;
	s5 =	sld [smem:$0x3FB2]  }
0x2b: {  	s6 =	sld [smem:$0x3FB3]  }
0x2c: {  	s7 =	sld [smem:$0x3FB4]  }
0x2d: {  	s3 =	simm.s32 $0x108;
	s8 =	sld [smem:$0x3FB5]  }
0x2e: {  	s3 =	simm.s32 @!p0 $0x1082;
	s9 =	sld [smem:$0x3FB6]  }
0x2f: {  	lr =	sadd.s32 s0, s3;
	s0 =	sld [smem:$0x3FAD]  }
0x30: {  	s3 =	sld [smem:$0x3FB0]  }
0x31: {  	[smem:$0x3FB9] =	sst s10  }
0x32: {  	s10 =	sld [smem:$0x3FB7];
	_ =	sdelay $0x3  }
0x33: {  	p0 =	seq.s32 s10, $0x1;
	s10 =	sld [smem:$0x3FB9];
	_ =	sdelay $0x3  }
0x34: {  	[smem:$0x3FB9] =	sst s10  }
0x35: {  	s10 =	sld [smem:$0x3FB8];
	_ =	sdelay $0x3  }
0x36: {  	p1 =	seq.s32 s10, $0x1;
	s10 =	sld [smem:$0x3FB9];
	_ =	sdelay $0x3  }
0x37: {  	[smem:$0x3FB9] =	sst s10  }
0x38: {  	s10 =	sld [smem:$0x3FBA]  }
0x39: {  	_ = 	snop;
	(pc) =	sbr.ind lr, $3  }
0x3a: {  	_ = 	snop  }
0x3b: {  	_ = 	snop  }
0x3c: {  	p2 =	seq.s32 s10, $0x1;
	s10 =	sld [smem:$0x3FB9]  }
0x3d: {  	_ =	shalt  }
0x3e: {  	_ =	shalt  }
0x3f: {  	_ =	shalt  }
0x40: {  	_ =	shalt  }
0x41: {  	_ =	shalt  }
0x42: {  	_ =	shalt  }
0x43: {  	_ =	shalt  }
0x44: {  	_ =	shalt  }
0x45: {  	_ =	shalt  }
0x46: {  	_ =	shalt  }
0x47: {  	_ =	shalt  }
0x48: {  	_ =	shalt  }
0x49: {  	_ =	shalt  }
0x4a: {  	_ =	shalt  }
0x4b: {  	_ =	shalt  }
0x4c: {  	_ =	shalt  }
0x4d: {  	_ =	shalt  }
0x4e: {  	_ =	shalt  }
0x4f: {  	_ =	shalt  }
0x50: {  	_ =	shalt  }
0x51: {  	_ =	shalt  }
0x52: {  	_ =	shalt  }
0x53: {  	_ =	shalt  }
0x54: {  	_ =	shalt  }
0x55: {  	_ =	shalt  }
0x56: {  	_ =	shalt  }
0x57: {  	_ =	shalt  }
0x58: {  	_ =	shalt  }
0x59: {  	_ =	shalt  }
0x5a: {  	_ =	shalt  }
0x5b: {  	_ =	shalt  }
0x5c: {  	_ =	shalt  }
0x5d: {  	_ =	shalt  }
0x5e: {  	_ =	shalt  }
0x5f: {  	_ =	shalt  }
0x60: {  	_ =	shalt  }
0x61: {  	_ =	shalt  }
0x62: {  	_ =	shalt  }
0x63: {  	_ =	shalt  }
0x64: {  	_ =	shalt  }
0x65: {  	_ =	shalt  }
0x66: {  	_ =	shalt  }
0x67: {  	_ =	shalt  }
0x68: {  	_ =	shalt  }
0x69: {  	_ =	shalt  }
0x6a: {  	_ =	shalt  }
0x6b: {  	_ =	shalt  }
0x6c: {  	_ =	shalt  }
0x6d: {  	_ =	shalt  }
0x6e: {  	_ =	shalt  }
0x6f: {  	_ =	shalt  }
0x70: {  	_ =	shalt  }
0x71: {  	_ =	shalt  }
0x72: {  	_ =	shalt  }
0x73: {  	_ =	shalt  }
0x74: {  	_ =	shalt  }
0x75: {  	_ =	shalt  }
0x76: {  	_ =	shalt  }
0x77: {  	_ =	shalt  }
0x78: {  	_ =	shalt  }
0x79: {  	_ =	shalt  }
0x7a: {  	_ =	shalt  }
0x7b: {  	_ =	shalt  }
0x7c: {  	_ =	shalt  }
0x7d: {  	_ =	shalt  }
0x7e: {  	_ =	shalt  }
0x7f: {  	_ =	shalt  }
0x80: {  	_ =	shalt  }
0x81: {  	_ =	shalt  }
0x82: {  	_ =	shalt  }
0x83: {  	_ =	shalt  }
0x84: {  	_ =	shalt  }
0x85: {  	_ =	shalt  }
0x86: {  	_ =	shalt  }
0x87: {  	_ =	shalt  }
.Lfunc_end0:
.L_simem_size_0:
called_computation.1_lowered:
.L_overlay_start_0:
0x88: {  	s2 =	sld [smem:$0x3FD9]  }
0x89: {  	s3 =	sld [smem:$0x3FFE];
	_ =	sdelay $0x1  }
0x8a: {  	s1 =	srdreg.scid  }
0x8b: {  	s0 =	sand.u32 $0x1, s1  }
0x8c: {  	s17 =	sshll.u32 s0, $0xA;
	s2 =	sadd.s32 s3, s2  }
0x8d: {  	s2 =	sadd.s32 s2, s17  }
0x8e: {  	[smem:$0x3FC5] =	sst s2  }
0x8f: {  	_ = 	snop  }
0x90: {  	s2 =	sld [smem:$0x3FD0];
	(tm) =	ssettm $0x1  }
0x91: {  	s18 =	sld [smem:$0x3FFB];
	_ =	sdelay $0x3  }
0x92: {  	_ =	strace s18  }
0x93: {  	s3 =	sld [smem:$0x3FFC];
	_ =	sdelay $0x3  }
0x94: {  	_ =	strace s3  }
0x95: {  	s3 =	sld [smem:$0x3FFD];
	_ =	sdelay $0x3  }
0x96: {  	_ =	strace s3  }
0x97: {  	_ =	strace $0x8FFFFFFF  }
0x98: {  	s19 =	sld [smem:$0x3FDB];
	_ =	sdelay $0x1  }
0x99: {  	s4 =	simm.s32 $_scs_section_size  }
0x9a: {  	s5 =	simm.s32 $_size__tile_overlayer_lowered;
	s6 =	simm.s32 $_tile_overlayer_lowered  }
0x9b: {  	s22 =	simm.s32 $0x1BFF;
	s21 =	sshll.u32 s6, $0x1;
	s3 =	sadd.s32 s4, s19  }
0x9c: {  	s7 =	simm.s32 $0x0;
	s20 =	sshll.u32 s5, $0x1;
	s5 =	sadd.s32 s21, s3  }
0x9d: {  	[timem:s7], [sflag:s22] =	dma.local [hbm:s5], s20  }
0x9e: {  	_ =	swait.ge [sflag:s22], s20  }
0x9f: {  	s4 =	ssub.s32 $0x0, s20;
	[sflag:s22] =	ssyncset.done $0x0  }
0xa0: {  	[sflag:s22] =	ssyncadd.s32 s4;
	_ =	sdelay $0x1  }
0xa1: {  	s23 =	simm.s32 $0x1B8B  }
0xa2: {  	_ =	swait.ge [sflag:s23], $0x1  }
0xa3: {  	[sflag:s23] =	ssyncset.done $0x0  }
0xa4: {  	s25 =	simm.s32 $0x1B8E;
	s24 =	sld [smem:$0x3FFE];
	[sflag:s23] =	ssyncadd.s32 $0xFFFFFFFF  }
0xa5: {  	s26 =	simm.s32 $execute0_lowered;
	[smem:$0x3FD2] =	sst s25  }
0xa6: {  	s5 =	sshll.u32 s26, $0x1;
	_ =	strace $0x80000046;
	[dreg:$0x1] =	wrdreg $0xFFFFFFFF  }
0xa7: {  	s28 =	simm.s32 $_size_execute0_lowered;
	s3 =	sadd.s32 s3, s5;
	[dreg:$0x0] =	wrdreg $0x0  }
0xa8: {  	s5 =	sshll.u32 s28, $0x1;
	[dreg:$0x2] =	wrdreg s3  }
0xa9: {  	[dreg:$0x3] =	wrdreg s5  }
0xaa: {  	[dreg:$0x4] =	wrdreg $0xC0  }
0xab: {  	_ =	task [dreg:s7], $0x5FFFF  }
0xac: {  	[dreg:$0x1] =	wrdreg $0xFFFFFFFF  }
0xad: {  	[dreg:$0x0] =	wrdreg $0x60  }
0xae: {  	[dreg:$0x2] =	wrdreg s24  }
0xaf: {  	[dreg:$0x3] =	wrdreg s2  }
0xb0: {  	[dreg:$0x4] =	wrdreg $0x9  }
0xb1: {  	_ =	task.clear_ibuf [dreg:s7], $0x5FFFF;
	_ =	strace $0x90000046  }
0xb2: {  	s29 =	simm.s32 $0x9;
	_ =	strace $0x80000048  }
0xb3: {  	_ =	swait.ge [sflag:s29], $0x1  }
0xb4: {  	[sflag:s29] =	ssyncadd.s32 $0xFFFFFFFF  }
0xb5: {  	_ =	strace $0x90000048  }
0xb6: {  	_ =	sfence  }
0xb7: {  	s30 =	sld [smem:$0x0];
	_ =	sdelay $0x2  }
0xb8: {  	s31 =	sshll.u32 s1, $0xD;
	s1 =	sshrl.u32 s1, $0x2  }
0xb9: {  	s3 =	sand.u32 $0x4000, s31;
	s1 =	sadd.s32 s1, s30  }
0xba: {  	s0 =	sor.u32 s3, s0;
	s1 =	sshll.u32 s1, $0x11  }
0xbb: {  	s0 =	sor.u32 s1, s0  }
0xbc: {  	s0 =	sadd.s32 $0x8F2B, s0  }
0xbd: {  	[sflag:s0] =	ssyncadd.remote.s32 $0x1  }
0xbe: {  	_ =	sfence.sel $0xFFFF  }
0xbf: {  	[dreg:$0x0] =	wrdreg $0xFFFFFFFF;
	(pc) =	sbr.abs _section_cstart, $3  }
0xc0: {  	[dreg:$0x1] =	wrdreg $0xFFFFFFFF  }
0xc1: {  	_ =	task.clear_ibuf [dreg:s7], $0x2FFFF;
	_ =	strace $0x9FFFFFFF  }
0xc2: {  	(tm) =	ssettm $0x7FFFFFFF  }
0xc3: {  	_ =	shalt  }
tec
execute0_lowered:
.L_overlay_start_1:
0x0: {  	(tag) =	ssettag $0x1  }
0x1: {  	s0 =	srdreg.scid;
	s1 =	rddreg [dreg:$0x0]  }
0x2: {  	s3 =	stileid.u32;
	s2 =	rddreg [dreg:$0x1];
	s13 =	simm.s32 $0x2000  }
0x3: {  	s14 =	simm.s32 $0x5;
	s15 =	simm.s32 $0xC8;
	s16 =	simm.s32 $0x5200  }
0x4: {  	s17 =	simm.s32 $0x1;
	s18 =	simm.s32 $0x100;
	s19 =	simm.s32 $0x8400  }
0x5: {  	s20 =	simm.s32 $0x2;
	s21 =	simm.s32 $0x3;
	s22 =	simm.s32 $0x200  }
0x6: {  	s23 =	simm.s32 $0x4;
	s24 =	simm.s32 $0x1F00;
	s25 =	simm.s32 $0x0  }
0x7: {  	s0 =	sand.u32 $0x1, s0;
	s4 =	sshll.u32 s3, $0x6;
	s3 =	simm.s32 $0x0  }
0x8: {  	s6 =	sadd.s32 $0x8C00, s1;
	s5 =	sshll.u32 s0, $0x5;
	[smem:$0x7FF] =	sst s3  }
0x9: {  	s0 =	ssub.s32 $0x2, s0;
	s4 =	sor.u32 s5, s4;
	_ =	strace $0x80000047  }
0xa: {  	s30 =	sshrl.u32 s0, $0x1;
	s5 =	sshll.u32 s4, $0x5;
	s7 =	smul.u32 $0x3200, s4  }
0xb: {  	s9 =	smul.u32 $0x640, s4;
	s0 =	ssub.s32 s0, s30;
	s8 =	sadd.s32 s5, s1  }
0xc: {  	s5 =	sadd.s32 $0xF43000, s1;
	s12 =	smax.u32 s0, $0x1;
	s10 =	sshrl.u32 s7, $0x3  }
0xd: {  	s7 =	sadd.s32 s2, s9;
	s8 =	sadd.s32 $0xC00, s8;
	s31 =	sadd.s32 s2, s10  }
0xe: {  	s9 =	sadd.s32 $0x640, s7;
	s10 =	sadd.s32 $0xBB80, s31;
	s11 =	sadd.s32 $0xC1C0, s31  }
.LBB2_1:
0xf: {  	[tilespmem:s13], [sflag:$0x5] =	stream.linear.gather [hbm4b:s6+s3], $0x3200, $0x38;
	[tilespmem:$0xB600] =	vst v63  }
0x10: {  	_ =	swait.ge [sflag:s14], $0x3200  }
0x11: {  	[sflag:s14] =	ssyncset.done $0x0  }
0x12: {  	[sflag:s14] =	ssyncadd.s32 $0xFFFFCE00  }
0x13: {  	[tilespmem:s3], [sflag:$0x5] =	stream.linear.gather [hbm4b:s8+s3], $0x2000, $0x38;
	[tilespmem:$0xB600] =	vst v63  }
0x14: {  	_ =	swait.ge [sflag:s14], $0x2000  }
0x15: {  	[sflag:s14] =	ssyncset.done $0x0  }
0x16: {  	[sflag:s14] =	ssyncadd.s32 $0xFFFFE000  }
0x17: {  	[tilespmem:s16], [sflag:$0x1] =	stream.indirect.gather [hbm4b:s5+s15], $0x40, s3, s15, $0xb8;
	[tilespmem:$0xB600] =	vst v63  }
0x18: {  	_ =	swait.ge [sflag:s17], $0x3200  }
0x19: {  	[sflag:s17] =	ssyncset.done $0x0  }
0x1a: {  	s26 =	simm.s32 $0x5280;
	[sflag:s17] =	ssyncadd.s32 $0xFFFFCE00  }
0x1b: {  	[tilespmem:s19], [sflag:$0x2] =	stream.indirect.gather [hbm4b:s5+s15], $0x40, s18, s15, $0xb8;
	[tilespmem:$0xB600] =	vst v63  }
0x1c: {  	s28 =	simm.s32 $0x2080;
	v0 =	vld [tilespmem:s26+$0xFFFFFF80]  }
0x1d: {  	v1 =	vld [tilespmem:s28+$0xFFFFFF80];
	_ =	sdelay $0x4  }
0x1e: {  	v0 =	vadd.f32 v1, v0;
	_ =	sdelay $0x1  }
0x1f: {  	[tilespmem:s26+$0xFFFFFF80] =	vst v0;
	v0 =	vld [tilespmem:s26+$0xFFFFFF90]  }
0x20: {  	v1 =	vld [tilespmem:s28+$0xFFFFFF90];
	_ =	sdelay $0x4  }
0x21: {  	v0 =	vadd.f32 v1, v0;
	_ =	sdelay $0x1  }
0x22: {  	[tilespmem:s26+$0xFFFFFF90] =	vst v0;
	v0 =	vld [tilespmem:s26+$0xFFFFFFA0]  }
0x23: {  	v1 =	vld [tilespmem:s28+$0xFFFFFFA0];
	_ =	sdelay $0x4  }
0x24: {  	v0 =	vadd.f32 v1, v0;
	_ =	sdelay $0x1  }
0x25: {  	[tilespmem:s26+$0xFFFFFFA0] =	vst v0;
	v0 =	vld [tilespmem:s26+$0xFFFFFFB0]  }
0x26: {  	v1 =	vld [tilespmem:s28+$0xFFFFFFB0];
	_ =	sdelay $0x4  }
0x27: {  	v0 =	vadd.f32 v1, v0;
	_ =	sdelay $0x1  }
0x28: {  	[tilespmem:s26+$0xFFFFFFB0] =	vst v0;
	v0 =	vld [tilespmem:s26+$0xFFFFFFC0]  }
0x29: {  	v1 =	vld [tilespmem:s28+$0xFFFFFFC0];
	_ =	sdelay $0x4  }
0x2a: {  	v0 =	vadd.f32 v1, v0;
	_ =	sdelay $0x1  }
0x2b: {  	[tilespmem:s26+$0xFFFFFFC0] =	vst v0;
	v0 =	vld [tilespmem:s26+$0xFFFFFFD0]  }
0x2c: {  	v1 =	vld [tilespmem:s28+$0xFFFFFFD0];
	_ =	sdelay $0x4  }
0x2d: {  	v0 =	vadd.f32 v1, v0;
	_ =	sdelay $0x1  }
0x2e: {  	[tilespmem:s26+$0xFFFFFFD0] =	vst v0;
	v0 =	vld [tilespmem:s26+$0xFFFFFFE0]  }
0x2f: {  	v1 =	vld [tilespmem:s28+$0xFFFFFFE0];
	_ =	sdelay $0x4  }
0x30: {  	v0 =	vadd.f32 v1, v0;
	_ =	sdelay $0x1  }
0x31: {  	[tilespmem:s26+$0xFFFFFFE0] =	vst v0;
	v0 =	vld [tilespmem:s26+$0xFFFFFFF0]  }
0x32: {  	v1 =	vld [tilespmem:s28+$0xFFFFFFF0];
	_ =	sdelay $0x4  }
0x33: {  	v0 =	vadd.f32 v1, v0;
	_ =	sdelay $0x1  }
0x34: {  	[tilespmem:s26+$0xFFFFFFF0] =	vst v0;
	v0 =	vld [tilespmem:s26+$0x0]  }
0x35: {  	v1 =	vld [tilespmem:s28+$0x0];
	_ =	sdelay $0x4  }
0x36: {  	v0 =	vadd.f32 v1, v0;
	_ =	sdelay $0x1  }
0x37: {  	[tilespmem:s26+$0x0] =	vst v0;
	v0 =	vld [tilespmem:s26+$0x10]  }
0x38: {  	v1 =	vld [tilespmem:s28+$0x10];
	_ =	sdelay $0x4  }
0x39: {  	v0 =	vadd.f32 v1, v0;
	_ =	sdelay $0x1  }
0x3a: {  	[tilespmem:s26+$0x10] =	vst v0;
	v0 =	vld [tilespmem:s26+$0x20]  }
0x3b: {  	v1 =	vld [tilespmem:s28+$0x20];
	_ =	sdelay $0x4  }
0x3c: {  	v0 =	vadd.f32 v1, v0;
	_ =	sdelay $0x1  }
0x3d: {  	[tilespmem:s26+$0x20] =	vst v0;
	v0 =	vld [tilespmem:s26+$0x30]  }
0x3e: {  	v1 =	vld [tilespmem:s28+$0x30];
	_ =	sdelay $0x4  }
0x3f: {  	v0 =	vadd.f32 v1, v0;
	_ =	sdelay $0x1  }
0x40: {  	[tilespmem:s26+$0x30] =	vst v0;
	v0 =	vld [tilespmem:s26+$0x40]  }
0x41: {  	v1 =	vld [tilespmem:s28+$0x40];
	_ =	sdelay $0x4  }
0x42: {  	v0 =	vadd.f32 v1, v0;
	_ =	sdelay $0x1  }
0x43: {  	[tilespmem:s26+$0x40] =	vst v0;
	v0 =	vld [tilespmem:s26+$0x50]  }
0x44: {  	v1 =	vld [tilespmem:s28+$0x50];
	_ =	sdelay $0x4  }
0x45: {  	v0 =	vadd.f32 v1, v0;
	_ =	sdelay $0x1  }
0x46: {  	[tilespmem:s26+$0x50] =	vst v0;
	v0 =	vld [tilespmem:s26+$0x60]  }
0x47: {  	v1 =	vld [tilespmem:s28+$0x60];
	_ =	sdelay $0x4  }
0x48: {  	v0 =	vadd.f32 v1, v0;
	_ =	sdelay $0x1  }
0x49: {  	[tilespmem:s26+$0x60] =	vst v0;
	v0 =	vld [tilespmem:s26+$0x70]  }
0x4a: {  	v1 =	vld [tilespmem:s28+$0x70];
	_ =	sdelay $0x4  }
0x4b: {  	v0 =	vadd.f32 v1, v0  }
0x4c: {  	s29 =	simm.s32 $0x0;
	s1 =	simm.s32 $0x5380  }
.LBB2_2:
0x4d: {  	v1 =	vld [tilespmem:s1+$0xFFFFFF80];
	[tilespmem:s26+$0x70] =	vst v0;
	s28 =	sadd.s32 $0x100, s28;
	s26 =	smov.u32 s1  }
0x4e: {  	s29 =	sadd.s32 $0x4, s29;
	v0 =	vld [tilespmem:s28+$0xFFFFFF80]  }
0x4f: {  	p0 =	slt.u32 s29, $0xC4;
	_ =	sdelay $0x3  }
0x50: {  	v0 =	vadd.f32 v0, v1;
	_ =	sdelay $0x1  }
0x51: {  	[tilespmem:s1+$0xFFFFFF80] =	vst v0;
	v0 =	vld [tilespmem:s1+$0xFFFFFF90]  }
0x52: {  	v1 =	vld [tilespmem:s28+$0xFFFFFF90];
	_ =	sdelay $0x4  }
0x53: {  	v0 =	vadd.f32 v1, v0;
	_ =	sdelay $0x1  }
0x54: {  	[tilespmem:s1+$0xFFFFFF90] =	vst v0;
	v0 =	vld [tilespmem:s1+$0xFFFFFFA0]  }
0x55: {  	v1 =	vld [tilespmem:s28+$0xFFFFFFA0];
	_ =	sdelay $0x4  }
0x56: {  	v0 =	vadd.f32 v1, v0;
	_ =	sdelay $0x1  }
0x57: {  	[tilespmem:s1+$0xFFFFFFA0] =	vst v0;
	v0 =	vld [tilespmem:s1+$0xFFFFFFB0]  }
0x58: {  	v1 =	vld [tilespmem:s28+$0xFFFFFFB0];
	_ =	sdelay $0x4  }
0x59: {  	v0 =	vadd.f32 v1, v0;
	_ =	sdelay $0x1  }
0x5a: {  	[tilespmem:s1+$0xFFFFFFB0] =	vst v0;
	v0 =	vld [tilespmem:s1+$0xFFFFFFC0]  }
0x5b: {  	v1 =	vld [tilespmem:s28+$0xFFFFFFC0];
	_ =	sdelay $0x4  }
0x5c: {  	v0 =	vadd.f32 v1, v0;
	_ =	sdelay $0x1  }
0x5d: {  	[tilespmem:s1+$0xFFFFFFC0] =	vst v0;
	v0 =	vld [tilespmem:s1+$0xFFFFFFD0]  }
0x5e: {  	v1 =	vld [tilespmem:s28+$0xFFFFFFD0];
	_ =	sdelay $0x4  }
0x5f: {  	v0 =	vadd.f32 v1, v0;
	_ =	sdelay $0x1  }
0x60: {  	[tilespmem:s1+$0xFFFFFFD0] =	vst v0;
	v0 =	vld [tilespmem:s1+$0xFFFFFFE0]  }
0x61: {  	v1 =	vld [tilespmem:s28+$0xFFFFFFE0];
	_ =	sdelay $0x4  }
0x62: {  	v0 =	vadd.f32 v1, v0;
	_ =	sdelay $0x1  }
0x63: {  	[tilespmem:s1+$0xFFFFFFE0] =	vst v0;
	v0 =	vld [tilespmem:s1+$0xFFFFFFF0]  }
0x64: {  	v1 =	vld [tilespmem:s28+$0xFFFFFFF0];
	_ =	sdelay $0x4  }
0x65: {  	v0 =	vadd.f32 v1, v0;
	_ =	sdelay $0x1  }
0x66: {  	[tilespmem:s1+$0xFFFFFFF0] =	vst v0;
	v0 =	vld [tilespmem:s1+$0x0]  }
0x67: {  	v1 =	vld [tilespmem:s28+$0x0];
	_ =	sdelay $0x4  }
0x68: {  	v0 =	vadd.f32 v1, v0;
	_ =	sdelay $0x1  }
0x69: {  	[tilespmem:s1+$0x0] =	vst v0;
	v0 =	vld [tilespmem:s1+$0x10]  }
0x6a: {  	v1 =	vld [tilespmem:s28+$0x10];
	_ =	sdelay $0x4  }
0x6b: {  	v0 =	vadd.f32 v1, v0;
	_ =	sdelay $0x1  }
0x6c: {  	[tilespmem:s1+$0x10] =	vst v0;
	v0 =	vld [tilespmem:s1+$0x20]  }
0x6d: {  	v1 =	vld [tilespmem:s28+$0x20];
	_ =	sdelay $0x4  }
0x6e: {  	v0 =	vadd.f32 v1, v0;
	_ =	sdelay $0x1  }
0x6f: {  	[tilespmem:s1+$0x20] =	vst v0;
	v0 =	vld [tilespmem:s1+$0x30]  }
0x70: {  	v1 =	vld [tilespmem:s28+$0x30];
	_ =	sdelay $0x4  }
0x71: {  	v0 =	vadd.f32 v1, v0;
	_ =	sdelay $0x1  }
0x72: {  	[tilespmem:s1+$0x30] =	vst v0;
	v0 =	vld [tilespmem:s1+$0x40]  }
0x73: {  	v1 =	vld [tilespmem:s28+$0x40];
	_ =	sdelay $0x4  }
0x74: {  	v0 =	vadd.f32 v1, v0;
	_ =	sdelay $0x1  }
0x75: {  	[tilespmem:s1+$0x40] =	vst v0;
	v0 =	vld [tilespmem:s1+$0x50]  }
0x76: {  	v1 =	vld [tilespmem:s28+$0x50];
	_ =	sdelay $0x4  }
0x77: {  	v0 =	vadd.f32 v1, v0;
	_ =	sdelay $0x1  }
0x78: {  	[tilespmem:s1+$0x50] =	vst v0;
	v0 =	vld [tilespmem:s1+$0x60]  }
0x79: {  	v1 =	vld [tilespmem:s28+$0x60];
	_ =	sdelay $0x4  }
0x7a: {  	v0 =	vadd.f32 v1, v0;
	_ =	sdelay $0x1  }
0x7b: {  	[tilespmem:s1+$0x60] =	vst v0;
	v0 =	vld [tilespmem:s1+$0x70]  }
0x7c: {  	v1 =	vld [tilespmem:s28+$0x70];
	_ =	sdelay $0x1  }
.Ltmp0:
0x7d: {  	(pc) =	sbr.rel @p0 .LBB2_2-.Ltmp0, $3  }
0x7e: {  	_ =	sdelay $0x1  }
0x7f: {  	v0 =	vadd.f32 v1, v0  }
0x80: {  	s1 =	sadd.s32 $0x100, s1  }
0x81: {  	[tilespmem:s26+$0x70] =	vst v0  }
0x82: {  	[hbm4b:s7+s3] =	stream.linear.scatter [tilespmem:s16], [sflag:$0x3], $0x3200, $0x38;
	[tilespmem:$0xB600] =	vst v63  }
0x83: {  	_ =	swait.ge [sflag:s20], $0x3200  }
0x84: {  	[sflag:s20] =	ssyncset.done $0x0  }
0x85: {  	[sflag:s20] =	ssyncadd.s32 $0xFFFFCE00  }
0x86: {  	_ =	swait.ge [sflag:s21], $0x3200  }
0x87: {  	[sflag:s21] =	ssyncset.done $0x0  }
0x88: {  	s26 =	simm.s32 $0x8480;
	[sflag:s21] =	ssyncadd.s32 $0xFFFFCE00  }
0x89: {  	[tilespmem:s16], [sflag:$0x1] =	stream.indirect.gather [hbm4b:s5+s15], $0x40, s22, s15, $0xb8;
	[tilespmem:$0xB600] =	vst v63  }
0x8a: {  	s28 =	simm.s32 $0x2080;
	v0 =	vld [tilespmem:s26+$0xFFFFFF80]  }
0x8b: {  	v1 =	vld [tilespmem:s28+$0xFFFFFF80];
	_ =	sdelay $0x4  }
0x8c: {  	v0 =	vadd.f32 v1, v0;
	_ =	sdelay $0x1  }
0x8d: {  	[tilespmem:s26+$0xFFFFFF80] =	vst v0;
	v0 =	vld [tilespmem:s26+$0xFFFFFF90]  }
0x8e: {  	v1 =	vld [tilespmem:s28+$0xFFFFFF90];
	_ =	sdelay $0x4  }
0x8f: {  	v0 =	vadd.f32 v1, v0;
	_ =	sdelay $0x1  }
0x90: {  	[tilespmem:s26+$0xFFFFFF90] =	vst v0;
	v0 =	vld [tilespmem:s26+$0xFFFFFFA0]  }
0x91: {  	v1 =	vld [tilespmem:s28+$0xFFFFFFA0];
	_ =	sdelay $0x4  }
0x92: {  	v0 =	vadd.f32 v1, v0;
	_ =	sdelay $0x1  }
0x93: {  	[tilespmem:s26+$0xFFFFFFA0] =	vst v0;
	v0 =	vld [tilespmem:s26+$0xFFFFFFB0]  }
0x94: {  	v1 =	vld [tilespmem:s28+$0xFFFFFFB0];
	_ =	sdelay $0x4  }
0x95: {  	v0 =	vadd.f32 v1, v0;
	_ =	sdelay $0x1  }
0x96: {  	[tilespmem:s26+$0xFFFFFFB0] =	vst v0;
	v0 =	vld [tilespmem:s26+$0xFFFFFFC0]  }
0x97: {  	v1 =	vld [tilespmem:s28+$0xFFFFFFC0];
	_ =	sdelay $0x4  }
0x98: {  	v0 =	vadd.f32 v1, v0;
	_ =	sdelay $0x1  }
0x99: {  	[tilespmem:s26+$0xFFFFFFC0] =	vst v0;
	v0 =	vld [tilespmem:s26+$0xFFFFFFD0]  }
0x9a: {  	v1 =	vld [tilespmem:s28+$0xFFFFFFD0];
	_ =	sdelay $0x4  }
0x9b: {  	v0 =	vadd.f32 v1, v0;
	_ =	sdelay $0x1  }
0x9c: {  	[tilespmem:s26+$0xFFFFFFD0] =	vst v0;
	v0 =	vld [tilespmem:s26+$0xFFFFFFE0]  }
0x9d: {  	v1 =	vld [tilespmem:s28+$0xFFFFFFE0];
	_ =	sdelay $0x4  }
0x9e: {  	v0 =	vadd.f32 v1, v0;
	_ =	sdelay $0x1  }
0x9f: {  	[tilespmem:s26+$0xFFFFFFE0] =	vst v0;
	v0 =	vld [tilespmem:s26+$0xFFFFFFF0]  }
0xa0: {  	v1 =	vld [tilespmem:s28+$0xFFFFFFF0];
	_ =	sdelay $0x4  }
0xa1: {  	v0 =	vadd.f32 v1, v0;
	_ =	sdelay $0x1  }
0xa2: {  	[tilespmem:s26+$0xFFFFFFF0] =	vst v0;
	v0 =	vld [tilespmem:s26+$0x0]  }
0xa3: {  	v1 =	vld [tilespmem:s28+$0x0];
	_ =	sdelay $0x4  }
0xa4: {  	v0 =	vadd.f32 v1, v0;
	_ =	sdelay $0x1  }
0xa5: {  	[tilespmem:s26+$0x0] =	vst v0;
	v0 =	vld [tilespmem:s26+$0x10]  }
0xa6: {  	v1 =	vld [tilespmem:s28+$0x10];
	_ =	sdelay $0x4  }
0xa7: {  	v0 =	vadd.f32 v1, v0;
	_ =	sdelay $0x1  }
0xa8: {  	[tilespmem:s26+$0x10] =	vst v0;
	v0 =	vld [tilespmem:s26+$0x20]  }
0xa9: {  	v1 =	vld [tilespmem:s28+$0x20];
	_ =	sdelay $0x4  }
0xaa: {  	v0 =	vadd.f32 v1, v0;
	_ =	sdelay $0x1  }
0xab: {  	[tilespmem:s26+$0x20] =	vst v0;
	v0 =	vld [tilespmem:s26+$0x30]  }
0xac: {  	v1 =	vld [tilespmem:s28+$0x30];
	_ =	sdelay $0x4  }
0xad: {  	v0 =	vadd.f32 v1, v0;
	_ =	sdelay $0x1  }
0xae: {  	[tilespmem:s26+$0x30] =	vst v0;
	v0 =	vld [tilespmem:s26+$0x40]  }
0xaf: {  	v1 =	vld [tilespmem:s28+$0x40];
	_ =	sdelay $0x4  }
0xb0: {  	v0 =	vadd.f32 v1, v0;
	_ =	sdelay $0x1  }
0xb1: {  	[tilespmem:s26+$0x40] =	vst v0;
	v0 =	vld [tilespmem:s26+$0x50]  }
0xb2: {  	v1 =	vld [tilespmem:s28+$0x50];
	_ =	sdelay $0x4  }
0xb3: {  	v0 =	vadd.f32 v1, v0;
	_ =	sdelay $0x1  }
0xb4: {  	[tilespmem:s26+$0x50] =	vst v0;
	v0 =	vld [tilespmem:s26+$0x60]  }
0xb5: {  	v1 =	vld [tilespmem:s28+$0x60];
	_ =	sdelay $0x4  }
0xb6: {  	v0 =	vadd.f32 v1, v0;
	_ =	sdelay $0x1  }
0xb7: {  	[tilespmem:s26+$0x60] =	vst v0;
	v0 =	vld [tilespmem:s26+$0x70]  }
0xb8: {  	v1 =	vld [tilespmem:s28+$0x70];
	_ =	sdelay $0x4  }
0xb9: {  	v0 =	vadd.f32 v1, v0  }
0xba: {  	s29 =	simm.s32 $0x0;
	s1 =	simm.s32 $0x8580  }
.LBB2_4:
0xbb: {  	v1 =	vld [tilespmem:s1+$0xFFFFFF80];
	[tilespmem:s26+$0x70] =	vst v0;
	s28 =	sadd.s32 $0x100, s28;
	s26 =	smov.u32 s1  }
0xbc: {  	s29 =	sadd.s32 $0x4, s29;
	v0 =	vld [tilespmem:s28+$0xFFFFFF80]  }
0xbd: {  	p0 =	slt.u32 s29, $0xC4;
	_ =	sdelay $0x3  }
0xbe: {  	v0 =	vadd.f32 v0, v1;
	_ =	sdelay $0x1  }
0xbf: {  	[tilespmem:s1+$0xFFFFFF80] =	vst v0;
	v0 =	vld [tilespmem:s1+$0xFFFFFF90]  }
0xc0: {  	v1 =	vld [tilespmem:s28+$0xFFFFFF90];
	_ =	sdelay $0x4  }
0xc1: {  	v0 =	vadd.f32 v1, v0;
	_ =	sdelay $0x1  }
0xc2: {  	[tilespmem:s1+$0xFFFFFF90] =	vst v0;
	v0 =	vld [tilespmem:s1+$0xFFFFFFA0]  }
0xc3: {  	v1 =	vld [tilespmem:s28+$0xFFFFFFA0];
	_ =	sdelay $0x4  }
0xc4: {  	v0 =	vadd.f32 v1, v0;
	_ =	sdelay $0x1  }
0xc5: {  	[tilespmem:s1+$0xFFFFFFA0] =	vst v0;
	v0 =	vld [tilespmem:s1+$0xFFFFFFB0]  }
0xc6: {  	v1 =	vld [tilespmem:s28+$0xFFFFFFB0];
	_ =	sdelay $0x4  }
0xc7: {  	v0 =	vadd.f32 v1, v0;
	_ =	sdelay $0x1  }
0xc8: {  	[tilespmem:s1+$0xFFFFFFB0] =	vst v0;
	v0 =	vld [tilespmem:s1+$0xFFFFFFC0]  }
0xc9: {  	v1 =	vld [tilespmem:s28+$0xFFFFFFC0];
	_ =	sdelay $0x4  }
0xca: {  	v0 =	vadd.f32 v1, v0;
	_ =	sdelay $0x1  }
0xcb: {  	[tilespmem:s1+$0xFFFFFFC0] =	vst v0;
	v0 =	vld [tilespmem:s1+$0xFFFFFFD0]  }
0xcc: {  	v1 =	vld [tilespmem:s28+$0xFFFFFFD0];
	_ =	sdelay $0x4  }
0xcd: {  	v0 =	vadd.f32 v1, v0;
	_ =	sdelay $0x1  }
0xce: {  	[tilespmem:s1+$0xFFFFFFD0] =	vst v0;
	v0 =	vld [tilespmem:s1+$0xFFFFFFE0]  }
0xcf: {  	v1 =	vld [tilespmem:s28+$0xFFFFFFE0];
	_ =	sdelay $0x4  }
0xd0: {  	v0 =	vadd.f32 v1, v0;
	_ =	sdelay $0x1  }
0xd1: {  	[tilespmem:s1+$0xFFFFFFE0] =	vst v0;
	v0 =	vld [tilespmem:s1+$0xFFFFFFF0]  }
0xd2: {  	v1 =	vld [tilespmem:s28+$0xFFFFFFF0];
	_ =	sdelay $0x4  }
0xd3: {  	v0 =	vadd.f32 v1, v0;
	_ =	sdelay $0x1  }
0xd4: {  	[tilespmem:s1+$0xFFFFFFF0] =	vst v0;
	v0 =	vld [tilespmem:s1+$0x0]  }
0xd5: {  	v1 =	vld [tilespmem:s28+$0x0];
	_ =	sdelay $0x4  }
0xd6: {  	v0 =	vadd.f32 v1, v0;
	_ =	sdelay $0x1  }
0xd7: {  	[tilespmem:s1+$0x0] =	vst v0;
	v0 =	vld [tilespmem:s1+$0x10]  }
0xd8: {  	v1 =	vld [tilespmem:s28+$0x10];
	_ =	sdelay $0x4  }
0xd9: {  	v0 =	vadd.f32 v1, v0;
	_ =	sdelay $0x1  }
0xda: {  	[tilespmem:s1+$0x10] =	vst v0;
	v0 =	vld [tilespmem:s1+$0x20]  }
0xdb: {  	v1 =	vld [tilespmem:s28+$0x20];
	_ =	sdelay $0x4  }
0xdc: {  	v0 =	vadd.f32 v1, v0;
	_ =	sdelay $0x1  }
0xdd: {  	[tilespmem:s1+$0x20] =	vst v0;
	v0 =	vld [tilespmem:s1+$0x30]  }
0xde: {  	v1 =	vld [tilespmem:s28+$0x30];
	_ =	sdelay $0x4  }
0xdf: {  	v0 =	vadd.f32 v1, v0;
	_ =	sdelay $0x1  }
0xe0: {  	[tilespmem:s1+$0x30] =	vst v0;
	v0 =	vld [tilespmem:s1+$0x40]  }
0xe1: {  	v1 =	vld [tilespmem:s28+$0x40];
	_ =	sdelay $0x4  }
0xe2: {  	v0 =	vadd.f32 v1, v0;
	_ =	sdelay $0x1  }
0xe3: {  	[tilespmem:s1+$0x40] =	vst v0;
	v0 =	vld [tilespmem:s1+$0x50]  }
0xe4: {  	v1 =	vld [tilespmem:s28+$0x50];
	_ =	sdelay $0x4  }
0xe5: {  	v0 =	vadd.f32 v1, v0;
	_ =	sdelay $0x1  }
0xe6: {  	[tilespmem:s1+$0x50] =	vst v0;
	v0 =	vld [tilespmem:s1+$0x60]  }
0xe7: {  	v1 =	vld [tilespmem:s28+$0x60];
	_ =	sdelay $0x4  }
0xe8: {  	v0 =	vadd.f32 v1, v0;
	_ =	sdelay $0x1  }
0xe9: {  	[tilespmem:s1+$0x60] =	vst v0;
	v0 =	vld [tilespmem:s1+$0x70]  }
0xea: {  	v1 =	vld [tilespmem:s28+$0x70];
	_ =	sdelay $0x1  }
.Ltmp1:
0xeb: {  	(pc) =	sbr.rel @p0 .LBB2_4-.Ltmp1, $3  }
0xec: {  	_ =	sdelay $0x1  }
0xed: {  	v0 =	vadd.f32 v1, v0  }
0xee: {  	s1 =	sadd.s32 $0x100, s1  }
0xef: {  	[tilespmem:s26+$0x70] =	vst v0;
	s26 =	simm.s32 $0x1  }
0xf0: {  	[hbm4b:s9+s3] =	stream.linear.scatter [tilespmem:s19], [sflag:$0x4], $0x3200, $0x38;
	[tilespmem:$0xB600] =	vst v63  }
.LBB2_6:
0xf1: {  	_ =	swait.ge [sflag:s17], $0x3200  }
0xf2: {  	[sflag:s17] =	ssyncset.done $0x0  }
0xf3: {  	[sflag:s17] =	ssyncadd.s32 $0xFFFFCE00  }
0xf4: {  	s28 =	sshllo.u32 s26, $0x1;
	_ =	swait.ge [sflag:s23], $0x3200  }
0xf5: {  	s0 =	sshll.u32 s28, $0x8;
	[sflag:s23] =	ssyncset.done $0x0  }
0xf6: {  	s29 =	simm.s32 $0x5280;
	s0 =	sand.u32 $0x3FFFFF00, s0;
	[sflag:s23] =	ssyncadd.s32 $0xFFFFCE00  }
0xf7: {  	[tilespmem:s19], [sflag:$0x2] =	stream.indirect.gather [hbm4b:s5+s15], $0x40, s0, s15, $0xb8;
	[tilespmem:$0xB600] =	vst v63  }
0xf8: {  	s30 =	simm.s32 $0x2080;
	v0 =	vld [tilespmem:s29+$0xFFFFFF80]  }
0xf9: {  	v1 =	vld [tilespmem:s30+$0xFFFFFF80];
	_ =	sdelay $0x4  }
0xfa: {  	v0 =	vadd.f32 v1, v0;
	_ =	sdelay $0x1  }
0xfb: {  	[tilespmem:s29+$0xFFFFFF80] =	vst v0;
	v0 =	vld [tilespmem:s29+$0xFFFFFF90]  }
0xfc: {  	v1 =	vld [tilespmem:s30+$0xFFFFFF90];
	_ =	sdelay $0x4  }
0xfd: {  	v0 =	vadd.f32 v1, v0;
	_ =	sdelay $0x1  }
0xfe: {  	[tilespmem:s29+$0xFFFFFF90] =	vst v0;
	v0 =	vld [tilespmem:s29+$0xFFFFFFA0]  }
0xff: {  	v1 =	vld [tilespmem:s30+$0xFFFFFFA0];
	_ =	sdelay $0x4  }
0x100: {  	v0 =	vadd.f32 v1, v0;
	_ =	sdelay $0x1  }
0x101: {  	[tilespmem:s29+$0xFFFFFFA0] =	vst v0;
	v0 =	vld [tilespmem:s29+$0xFFFFFFB0]  }
0x102: {  	v1 =	vld [tilespmem:s30+$0xFFFFFFB0];
	_ =	sdelay $0x4  }
0x103: {  	v0 =	vadd.f32 v1, v0;
	_ =	sdelay $0x1  }
0x104: {  	[tilespmem:s29+$0xFFFFFFB0] =	vst v0;
	v0 =	vld [tilespmem:s29+$0xFFFFFFC0]  }
0x105: {  	v1 =	vld [tilespmem:s30+$0xFFFFFFC0];
	_ =	sdelay $0x4  }
0x106: {  	v0 =	vadd.f32 v1, v0;
	_ =	sdelay $0x1  }
0x107: {  	[tilespmem:s29+$0xFFFFFFC0] =	vst v0;
	v0 =	vld [tilespmem:s29+$0xFFFFFFD0]  }
0x108: {  	v1 =	vld [tilespmem:s30+$0xFFFFFFD0];
	_ =	sdelay $0x4  }
0x109: {  	v0 =	vadd.f32 v1, v0;
	_ =	sdelay $0x1  }
0x10a: {  	[tilespmem:s29+$0xFFFFFFD0] =	vst v0;
	v0 =	vld [tilespmem:s29+$0xFFFFFFE0]  }
0x10b: {  	v1 =	vld [tilespmem:s30+$0xFFFFFFE0];
	_ =	sdelay $0x4  }
0x10c: {  	v0 =	vadd.f32 v1, v0;
	_ =	sdelay $0x1  }
0x10d: {  	[tilespmem:s29+$0xFFFFFFE0] =	vst v0;
	v0 =	vld [tilespmem:s29+$0xFFFFFFF0]  }
0x10e: {  	v1 =	vld [tilespmem:s30+$0xFFFFFFF0];
	_ =	sdelay $0x4  }
0x10f: {  	v0 =	vadd.f32 v1, v0;
	_ =	sdelay $0x1  }
0x110: {  	[tilespmem:s29+$0xFFFFFFF0] =	vst v0;
	v0 =	vld [tilespmem:s29+$0x0]  }
0x111: {  	v1 =	vld [tilespmem:s30+$0x0];
	_ =	sdelay $0x4  }
0x112: {  	v0 =	vadd.f32 v1, v0;
	_ =	sdelay $0x1  }
0x113: {  	[tilespmem:s29+$0x0] =	vst v0;
	v0 =	vld [tilespmem:s29+$0x10]  }
0x114: {  	v1 =	vld [tilespmem:s30+$0x10];
	_ =	sdelay $0x4  }
0x115: {  	v0 =	vadd.f32 v1, v0;
	_ =	sdelay $0x1  }
0x116: {  	[tilespmem:s29+$0x10] =	vst v0;
	v0 =	vld [tilespmem:s29+$0x20]  }
0x117: {  	v1 =	vld [tilespmem:s30+$0x20];
	_ =	sdelay $0x4  }
0x118: {  	v0 =	vadd.f32 v1, v0;
	_ =	sdelay $0x1  }
0x119: {  	[tilespmem:s29+$0x20] =	vst v0;
	v0 =	vld [tilespmem:s29+$0x30]  }
0x11a: {  	v1 =	vld [tilespmem:s30+$0x30];
	_ =	sdelay $0x4  }
0x11b: {  	v0 =	vadd.f32 v1, v0;
	_ =	sdelay $0x1  }
0x11c: {  	[tilespmem:s29+$0x30] =	vst v0;
	v0 =	vld [tilespmem:s29+$0x40]  }
0x11d: {  	v1 =	vld [tilespmem:s30+$0x40];
	_ =	sdelay $0x4  }
0x11e: {  	v0 =	vadd.f32 v1, v0;
	_ =	sdelay $0x1  }
0x11f: {  	[tilespmem:s29+$0x40] =	vst v0;
	v0 =	vld [tilespmem:s29+$0x50]  }
0x120: {  	v1 =	vld [tilespmem:s30+$0x50];
	_ =	sdelay $0x4  }
0x121: {  	v0 =	vadd.f32 v1, v0;
	_ =	sdelay $0x1  }
0x122: {  	[tilespmem:s29+$0x50] =	vst v0;
	v0 =	vld [tilespmem:s29+$0x60]  }
0x123: {  	v1 =	vld [tilespmem:s30+$0x60];
	_ =	sdelay $0x4  }
0x124: {  	v0 =	vadd.f32 v1, v0;
	_ =	sdelay $0x1  }
0x125: {  	[tilespmem:s29+$0x60] =	vst v0;
	v0 =	vld [tilespmem:s29+$0x70]  }
0x126: {  	v1 =	vld [tilespmem:s30+$0x70];
	_ =	sdelay $0x4  }
0x127: {  	v0 =	vadd.f32 v1, v0  }
0x128: {  	s31 =	sshll.u32 s26, $0x1;
	s1 =	simm.s32 $0x0;
	s0 =	simm.s32 $0x5380  }
.LBB2_7:
0x129: {  	v1 =	vld [tilespmem:s0+$0xFFFFFF80];
	[tilespmem:s29+$0x70] =	vst v0;
	s30 =	sadd.s32 $0x100, s30;
	s29 =	smov.u32 s0  }
0x12a: {  	s1 =	sadd.s32 $0x4, s1;
	v0 =	vld [tilespmem:s30+$0xFFFFFF80]  }
0x12b: {  	p0 =	slt.u32 s1, $0xC4;
	_ =	sdelay $0x3  }
0x12c: {  	v0 =	vadd.f32 v0, v1;
	_ =	sdelay $0x1  }
0x12d: {  	[tilespmem:s0+$0xFFFFFF80] =	vst v0;
	v0 =	vld [tilespmem:s0+$0xFFFFFF90]  }
0x12e: {  	v1 =	vld [tilespmem:s30+$0xFFFFFF90];
	_ =	sdelay $0x4  }
0x12f: {  	v0 =	vadd.f32 v1, v0;
	_ =	sdelay $0x1  }
0x130: {  	[tilespmem:s0+$0xFFFFFF90] =	vst v0;
	v0 =	vld [tilespmem:s0+$0xFFFFFFA0]  }
0x131: {  	v1 =	vld [tilespmem:s30+$0xFFFFFFA0];
	_ =	sdelay $0x4  }
0x132: {  	v0 =	vadd.f32 v1, v0;
	_ =	sdelay $0x1  }
0x133: {  	[tilespmem:s0+$0xFFFFFFA0] =	vst v0;
	v0 =	vld [tilespmem:s0+$0xFFFFFFB0]  }
0x134: {  	v1 =	vld [tilespmem:s30+$0xFFFFFFB0];
	_ =	sdelay $0x4  }
0x135: {  	v0 =	vadd.f32 v1, v0;
	_ =	sdelay $0x1  }
0x136: {  	[tilespmem:s0+$0xFFFFFFB0] =	vst v0;
	v0 =	vld [tilespmem:s0+$0xFFFFFFC0]  }
0x137: {  	v1 =	vld [tilespmem:s30+$0xFFFFFFC0];
	_ =	sdelay $0x4  }
0x138: {  	v0 =	vadd.f32 v1, v0;
	_ =	sdelay $0x1  }
0x139: {  	[tilespmem:s0+$0xFFFFFFC0] =	vst v0;
	v0 =	vld [tilespmem:s0+$0xFFFFFFD0]  }
0x13a: {  	v1 =	vld [tilespmem:s30+$0xFFFFFFD0];
	_ =	sdelay $0x4  }
0x13b: {  	v0 =	vadd.f32 v1, v0;
	_ =	sdelay $0x1  }
0x13c: {  	[tilespmem:s0+$0xFFFFFFD0] =	vst v0;
	v0 =	vld [tilespmem:s0+$0xFFFFFFE0]  }
0x13d: {  	v1 =	vld [tilespmem:s30+$0xFFFFFFE0];
	_ =	sdelay $0x4  }
0x13e: {  	v0 =	vadd.f32 v1, v0;
	_ =	sdelay $0x1  }
0x13f: {  	[tilespmem:s0+$0xFFFFFFE0] =	vst v0;
	v0 =	vld [tilespmem:s0+$0xFFFFFFF0]  }
0x140: {  	v1 =	vld [tilespmem:s30+$0xFFFFFFF0];
	_ =	sdelay $0x4  }
0x141: {  	v0 =	vadd.f32 v1, v0;
	_ =	sdelay $0x1  }
0x142: {  	[tilespmem:s0+$0xFFFFFFF0] =	vst v0;
	v0 =	vld [tilespmem:s0+$0x0]  }
0x143: {  	v1 =	vld [tilespmem:s30+$0x0];
	_ =	sdelay $0x4  }
0x144: {  	v0 =	vadd.f32 v1, v0;
	_ =	sdelay $0x1  }
0x145: {  	[tilespmem:s0+$0x0] =	vst v0;
	v0 =	vld [tilespmem:s0+$0x10]  }
0x146: {  	v1 =	vld [tilespmem:s30+$0x10];
	_ =	sdelay $0x4  }
0x147: {  	v0 =	vadd.f32 v1, v0;
	_ =	sdelay $0x1  }
0x148: {  	[tilespmem:s0+$0x10] =	vst v0;
	v0 =	vld [tilespmem:s0+$0x20]  }
0x149: {  	v1 =	vld [tilespmem:s30+$0x20];
	_ =	sdelay $0x4  }
0x14a: {  	v0 =	vadd.f32 v1, v0;
	_ =	sdelay $0x1  }
0x14b: {  	[tilespmem:s0+$0x20] =	vst v0;
	v0 =	vld [tilespmem:s0+$0x30]  }
0x14c: {  	v1 =	vld [tilespmem:s30+$0x30];
	_ =	sdelay $0x4  }
0x14d: {  	v0 =	vadd.f32 v1, v0;
	_ =	sdelay $0x1  }
0x14e: {  	[tilespmem:s0+$0x30] =	vst v0;
	v0 =	vld [tilespmem:s0+$0x40]  }
0x14f: {  	v1 =	vld [tilespmem:s30+$0x40];
	_ =	sdelay $0x4  }
0x150: {  	v0 =	vadd.f32 v1, v0;
	_ =	sdelay $0x1  }
0x151: {  	[tilespmem:s0+$0x40] =	vst v0;
	v0 =	vld [tilespmem:s0+$0x50]  }
0x152: {  	v1 =	vld [tilespmem:s30+$0x50];
	_ =	sdelay $0x4  }
0x153: {  	v0 =	vadd.f32 v1, v0;
	_ =	sdelay $0x1  }
0x154: {  	[tilespmem:s0+$0x50] =	vst v0;
	v0 =	vld [tilespmem:s0+$0x60]  }
0x155: {  	v1 =	vld [tilespmem:s30+$0x60];
	_ =	sdelay $0x4  }
0x156: {  	v0 =	vadd.f32 v1, v0;
	_ =	sdelay $0x1  }
0x157: {  	[tilespmem:s0+$0x60] =	vst v0;
	v0 =	vld [tilespmem:s0+$0x70]  }
0x158: {  	v1 =	vld [tilespmem:s30+$0x70];
	_ =	sdelay $0x1  }
.Ltmp2:
0x159: {  	(pc) =	sbr.rel @p0 .LBB2_7-.Ltmp2, $3  }
0x15a: {  	_ =	sdelay $0x1  }
0x15b: {  	v0 =	vadd.f32 v1, v0  }
0x15c: {  	s0 =	sadd.s32 $0x100, s0  }
0x15d: {  	s0 =	sadd.s32 s4, s31  }
0x15e: {  	s0 =	smul.u32 $0x640, s0;
	_ =	sdelay $0x1  }
0x15f: {  	[tilespmem:s29+$0x70] =	vst v0;
	s0 =	sadd.s32 s2, s0  }
0x160: {  	[hbm4b:s0+s3] =	stream.linear.scatter [tilespmem:s16], [sflag:$0x3], $0x3200, $0x38;
	[tilespmem:$0xB600] =	vst v63  }
0x161: {  	_ =	swait.ge [sflag:s20], $0x3200  }
0x162: {  	[sflag:s20] =	ssyncset.done $0x0  }
0x163: {  	[sflag:s20] =	ssyncadd.s32 $0xFFFFCE00  }
0x164: {  	s31 =	sshll.u32 s26, $0x9;
	_ =	swait.ge [sflag:s21], $0x3200  }
0x165: {  	s0 =	sand.u32 $0x3FFFFE00, s31;
	[sflag:s21] =	ssyncset.done $0x0  }
0x166: {  	s29 =	simm.s32 $0x8480;
	s0 =	sadd.s32 $0x200, s0;
	[sflag:s21] =	ssyncadd.s32 $0xFFFFCE00  }
0x167: {  	[tilespmem:s16], [sflag:$0x1] =	stream.indirect.gather [hbm4b:s5+s15], $0x40, s0, s15, $0xb8;
	[tilespmem:$0xB600] =	vst v63  }
0x168: {  	s30 =	simm.s32 $0x2080;
	v0 =	vld [tilespmem:s29+$0xFFFFFF80]  }
0x169: {  	v1 =	vld [tilespmem:s30+$0xFFFFFF80];
	_ =	sdelay $0x4  }
0x16a: {  	v0 =	vadd.f32 v1, v0;
	_ =	sdelay $0x1  }
0x16b: {  	[tilespmem:s29+$0xFFFFFF80] =	vst v0;
	v0 =	vld [tilespmem:s29+$0xFFFFFF90]  }
0x16c: {  	v1 =	vld [tilespmem:s30+$0xFFFFFF90];
	_ =	sdelay $0x4  }
0x16d: {  	v0 =	vadd.f32 v1, v0;
	_ =	sdelay $0x1  }
0x16e: {  	[tilespmem:s29+$0xFFFFFF90] =	vst v0;
	v0 =	vld [tilespmem:s29+$0xFFFFFFA0]  }
0x16f: {  	v1 =	vld [tilespmem:s30+$0xFFFFFFA0];
	_ =	sdelay $0x4  }
0x170: {  	v0 =	vadd.f32 v1, v0;
	_ =	sdelay $0x1  }
0x171: {  	[tilespmem:s29+$0xFFFFFFA0] =	vst v0;
	v0 =	vld [tilespmem:s29+$0xFFFFFFB0]  }
0x172: {  	v1 =	vld [tilespmem:s30+$0xFFFFFFB0];
	_ =	sdelay $0x4  }
0x173: {  	v0 =	vadd.f32 v1, v0;
	_ =	sdelay $0x1  }
0x174: {  	[tilespmem:s29+$0xFFFFFFB0] =	vst v0;
	v0 =	vld [tilespmem:s29+$0xFFFFFFC0]  }
0x175: {  	v1 =	vld [tilespmem:s30+$0xFFFFFFC0];
	_ =	sdelay $0x4  }
0x176: {  	v0 =	vadd.f32 v1, v0;
	_ =	sdelay $0x1  }
0x177: {  	[tilespmem:s29+$0xFFFFFFC0] =	vst v0;
	v0 =	vld [tilespmem:s29+$0xFFFFFFD0]  }
0x178: {  	v1 =	vld [tilespmem:s30+$0xFFFFFFD0];
	_ =	sdelay $0x4  }
0x179: {  	v0 =	vadd.f32 v1, v0;
	_ =	sdelay $0x1  }
0x17a: {  	[tilespmem:s29+$0xFFFFFFD0] =	vst v0;
	v0 =	vld [tilespmem:s29+$0xFFFFFFE0]  }
0x17b: {  	v1 =	vld [tilespmem:s30+$0xFFFFFFE0];
	_ =	sdelay $0x4  }
0x17c: {  	v0 =	vadd.f32 v1, v0;
	_ =	sdelay $0x1  }
0x17d: {  	[tilespmem:s29+$0xFFFFFFE0] =	vst v0;
	v0 =	vld [tilespmem:s29+$0xFFFFFFF0]  }
0x17e: {  	v1 =	vld [tilespmem:s30+$0xFFFFFFF0];
	_ =	sdelay $0x4  }
0x17f: {  	v0 =	vadd.f32 v1, v0;
	_ =	sdelay $0x1  }
0x180: {  	[tilespmem:s29+$0xFFFFFFF0] =	vst v0;
	v0 =	vld [tilespmem:s29+$0x0]  }
0x181: {  	v1 =	vld [tilespmem:s30+$0x0];
	_ =	sdelay $0x4  }
0x182: {  	v0 =	vadd.f32 v1, v0;
	_ =	sdelay $0x1  }
0x183: {  	[tilespmem:s29+$0x0] =	vst v0;
	v0 =	vld [tilespmem:s29+$0x10]  }
0x184: {  	v1 =	vld [tilespmem:s30+$0x10];
	_ =	sdelay $0x4  }
0x185: {  	v0 =	vadd.f32 v1, v0;
	_ =	sdelay $0x1  }
0x186: {  	[tilespmem:s29+$0x10] =	vst v0;
	v0 =	vld [tilespmem:s29+$0x20]  }
0x187: {  	v1 =	vld [tilespmem:s30+$0x20];
	_ =	sdelay $0x4  }
0x188: {  	v0 =	vadd.f32 v1, v0;
	_ =	sdelay $0x1  }
0x189: {  	[tilespmem:s29+$0x20] =	vst v0;
	v0 =	vld [tilespmem:s29+$0x30]  }
0x18a: {  	v1 =	vld [tilespmem:s30+$0x30];
	_ =	sdelay $0x4  }
0x18b: {  	v0 =	vadd.f32 v1, v0;
	_ =	sdelay $0x1  }
0x18c: {  	[tilespmem:s29+$0x30] =	vst v0;
	v0 =	vld [tilespmem:s29+$0x40]  }
0x18d: {  	v1 =	vld [tilespmem:s30+$0x40];
	_ =	sdelay $0x4  }
0x18e: {  	v0 =	vadd.f32 v1, v0;
	_ =	sdelay $0x1  }
0x18f: {  	[tilespmem:s29+$0x40] =	vst v0;
	v0 =	vld [tilespmem:s29+$0x50]  }
0x190: {  	v1 =	vld [tilespmem:s30+$0x50];
	_ =	sdelay $0x4  }
0x191: {  	v0 =	vadd.f32 v1, v0;
	_ =	sdelay $0x1  }
0x192: {  	[tilespmem:s29+$0x50] =	vst v0;
	v0 =	vld [tilespmem:s29+$0x60]  }
0x193: {  	v1 =	vld [tilespmem:s30+$0x60];
	_ =	sdelay $0x4  }
0x194: {  	v0 =	vadd.f32 v1, v0;
	_ =	sdelay $0x1  }
0x195: {  	[tilespmem:s29+$0x60] =	vst v0;
	v0 =	vld [tilespmem:s29+$0x70]  }
0x196: {  	v1 =	vld [tilespmem:s30+$0x70];
	_ =	sdelay $0x4  }
0x197: {  	v0 =	vadd.f32 v1, v0  }
0x198: {  	s1 =	simm.s32 $0x0;
	s0 =	simm.s32 $0x8580  }
.LBB2_9:
0x199: {  	v1 =	vld [tilespmem:s0+$0xFFFFFF80];
	[tilespmem:s29+$0x70] =	vst v0;
	s30 =	sadd.s32 $0x100, s30;
	s29 =	smov.u32 s0  }
0x19a: {  	s1 =	sadd.s32 $0x4, s1;
	v0 =	vld [tilespmem:s30+$0xFFFFFF80]  }
0x19b: {  	p0 =	slt.u32 s1, $0xC4;
	_ =	sdelay $0x3  }
0x19c: {  	v0 =	vadd.f32 v0, v1;
	_ =	sdelay $0x1  }
0x19d: {  	[tilespmem:s0+$0xFFFFFF80] =	vst v0;
	v0 =	vld [tilespmem:s0+$0xFFFFFF90]  }
0x19e: {  	v1 =	vld [tilespmem:s30+$0xFFFFFF90];
	_ =	sdelay $0x4  }
0x19f: {  	v0 =	vadd.f32 v1, v0;
	_ =	sdelay $0x1  }
0x1a0: {  	[tilespmem:s0+$0xFFFFFF90] =	vst v0;
	v0 =	vld [tilespmem:s0+$0xFFFFFFA0]  }
0x1a1: {  	v1 =	vld [tilespmem:s30+$0xFFFFFFA0];
	_ =	sdelay $0x4  }
0x1a2: {  	v0 =	vadd.f32 v1, v0;
	_ =	sdelay $0x1  }
0x1a3: {  	[tilespmem:s0+$0xFFFFFFA0] =	vst v0;
	v0 =	vld [tilespmem:s0+$0xFFFFFFB0]  }
0x1a4: {  	v1 =	vld [tilespmem:s30+$0xFFFFFFB0];
	_ =	sdelay $0x4  }
0x1a5: {  	v0 =	vadd.f32 v1, v0;
	_ =	sdelay $0x1  }
0x1a6: {  	[tilespmem:s0+$0xFFFFFFB0] =	vst v0;
	v0 =	vld [tilespmem:s0+$0xFFFFFFC0]  }
0x1a7: {  	v1 =	vld [tilespmem:s30+$0xFFFFFFC0];
	_ =	sdelay $0x4  }
0x1a8: {  	v0 =	vadd.f32 v1, v0;
	_ =	sdelay $0x1  }
0x1a9: {  	[tilespmem:s0+$0xFFFFFFC0] =	vst v0;
	v0 =	vld [tilespmem:s0+$0xFFFFFFD0]  }
0x1aa: {  	v1 =	vld [tilespmem:s30+$0xFFFFFFD0];
	_ =	sdelay $0x4  }
0x1ab: {  	v0 =	vadd.f32 v1, v0;
	_ =	sdelay $0x1  }
0x1ac: {  	[tilespmem:s0+$0xFFFFFFD0] =	vst v0;
	v0 =	vld [tilespmem:s0+$0xFFFFFFE0]  }
0x1ad: {  	v1 =	vld [tilespmem:s30+$0xFFFFFFE0];
	_ =	sdelay $0x4  }
0x1ae: {  	v0 =	vadd.f32 v1, v0;
	_ =	sdelay $0x1  }
0x1af: {  	[tilespmem:s0+$0xFFFFFFE0] =	vst v0;
	v0 =	vld [tilespmem:s0+$0xFFFFFFF0]  }
0x1b0: {  	v1 =	vld [tilespmem:s30+$0xFFFFFFF0];
	_ =	sdelay $0x4  }
0x1b1: {  	v0 =	vadd.f32 v1, v0;
	_ =	sdelay $0x1  }
0x1b2: {  	[tilespmem:s0+$0xFFFFFFF0] =	vst v0;
	v0 =	vld [tilespmem:s0+$0x0]  }
0x1b3: {  	v1 =	vld [tilespmem:s30+$0x0];
	_ =	sdelay $0x4  }
0x1b4: {  	v0 =	vadd.f32 v1, v0;
	_ =	sdelay $0x1  }
0x1b5: {  	[tilespmem:s0+$0x0] =	vst v0;
	v0 =	vld [tilespmem:s0+$0x10]  }
0x1b6: {  	v1 =	vld [tilespmem:s30+$0x10];
	_ =	sdelay $0x4  }
0x1b7: {  	v0 =	vadd.f32 v1, v0;
	_ =	sdelay $0x1  }
0x1b8: {  	[tilespmem:s0+$0x10] =	vst v0;
	v0 =	vld [tilespmem:s0+$0x20]  }
0x1b9: {  	v1 =	vld [tilespmem:s30+$0x20];
	_ =	sdelay $0x4  }
0x1ba: {  	v0 =	vadd.f32 v1, v0;
	_ =	sdelay $0x1  }
0x1bb: {  	[tilespmem:s0+$0x20] =	vst v0;
	v0 =	vld [tilespmem:s0+$0x30]  }
0x1bc: {  	v1 =	vld [tilespmem:s30+$0x30];
	_ =	sdelay $0x4  }
0x1bd: {  	v0 =	vadd.f32 v1, v0;
	_ =	sdelay $0x1  }
0x1be: {  	[tilespmem:s0+$0x30] =	vst v0;
	v0 =	vld [tilespmem:s0+$0x40]  }
0x1bf: {  	v1 =	vld [tilespmem:s30+$0x40];
	_ =	sdelay $0x4  }
0x1c0: {  	v0 =	vadd.f32 v1, v0;
	_ =	sdelay $0x1  }
0x1c1: {  	[tilespmem:s0+$0x40] =	vst v0;
	v0 =	vld [tilespmem:s0+$0x50]  }
0x1c2: {  	v1 =	vld [tilespmem:s30+$0x50];
	_ =	sdelay $0x4  }
0x1c3: {  	v0 =	vadd.f32 v1, v0;
	_ =	sdelay $0x1  }
0x1c4: {  	[tilespmem:s0+$0x50] =	vst v0;
	v0 =	vld [tilespmem:s0+$0x60]  }
0x1c5: {  	v1 =	vld [tilespmem:s30+$0x60];
	_ =	sdelay $0x4  }
0x1c6: {  	v0 =	vadd.f32 v1, v0;
	_ =	sdelay $0x1  }
0x1c7: {  	[tilespmem:s0+$0x60] =	vst v0;
	v0 =	vld [tilespmem:s0+$0x70]  }
0x1c8: {  	v1 =	vld [tilespmem:s30+$0x70];
	_ =	sdelay $0x1  }
.Ltmp3:
0x1c9: {  	(pc) =	sbr.rel @p0 .LBB2_9-.Ltmp3, $3  }
0x1ca: {  	_ =	sdelay $0x1  }
0x1cb: {  	v0 =	vadd.f32 v1, v0  }
0x1cc: {  	s0 =	sadd.s32 $0x100, s0  }
0x1cd: {  	s26 =	sadd.s32 $0x1, s26  }
0x1ce: {  	p0 =	sne.s32 s26, $0xF  }
.Ltmp4:
0x1cf: {  	s0 =	sadd.s32 s4, s28;
	(pc) =	sbr.rel @p0 .LBB2_6-.Ltmp4, $3  }
0x1d0: {  	s0 =	smul.u32 $0x640, s0;
	_ =	sdelay $0x1  }
0x1d1: {  	[tilespmem:s29+$0x70] =	vst v0;
	s0 =	sadd.s32 s2, s0  }
0x1d2: {  	[hbm4b:s0+s3] =	stream.linear.scatter [tilespmem:s19], [sflag:$0x4], $0x3200, $0x38;
	[tilespmem:$0xB600] =	vst v63  }
0x1d3: {  	_ =	swait.ge [sflag:s17], $0x3200  }
0x1d4: {  	[sflag:s17] =	ssyncset.done $0x0  }
0x1d5: {  	[sflag:s17] =	ssyncadd.s32 $0xFFFFCE00  }
0x1d6: {  	_ =	swait.ge [sflag:s23], $0x3200  }
0x1d7: {  	[sflag:s23] =	ssyncset.done $0x0  }
0x1d8: {  	s26 =	simm.s32 $0x5280;
	[sflag:s23] =	ssyncadd.s32 $0xFFFFCE00  }
0x1d9: {  	[tilespmem:s19], [sflag:$0x2] =	stream.indirect.gather [hbm4b:s5+s15], $0x40, s24, s15, $0xb8;
	[tilespmem:$0xB600] =	vst v63  }
0x1da: {  	s28 =	simm.s32 $0x2080;
	v0 =	vld [tilespmem:s26+$0xFFFFFF80]  }
0x1db: {  	v1 =	vld [tilespmem:s28+$0xFFFFFF80];
	_ =	sdelay $0x4  }
0x1dc: {  	v0 =	vadd.f32 v1, v0;
	_ =	sdelay $0x1  }
0x1dd: {  	[tilespmem:s26+$0xFFFFFF80] =	vst v0;
	v0 =	vld [tilespmem:s26+$0xFFFFFF90]  }
0x1de: {  	v1 =	vld [tilespmem:s28+$0xFFFFFF90];
	_ =	sdelay $0x4  }
0x1df: {  	v0 =	vadd.f32 v1, v0;
	_ =	sdelay $0x1  }
0x1e0: {  	[tilespmem:s26+$0xFFFFFF90] =	vst v0;
	v0 =	vld [tilespmem:s26+$0xFFFFFFA0]  }
0x1e1: {  	v1 =	vld [tilespmem:s28+$0xFFFFFFA0];
	_ =	sdelay $0x4  }
0x1e2: {  	v0 =	vadd.f32 v1, v0;
	_ =	sdelay $0x1  }
0x1e3: {  	[tilespmem:s26+$0xFFFFFFA0] =	vst v0;
	v0 =	vld [tilespmem:s26+$0xFFFFFFB0]  }
0x1e4: {  	v1 =	vld [tilespmem:s28+$0xFFFFFFB0];
	_ =	sdelay $0x4  }
0x1e5: {  	v0 =	vadd.f32 v1, v0;
	_ =	sdelay $0x1  }
0x1e6: {  	[tilespmem:s26+$0xFFFFFFB0] =	vst v0;
	v0 =	vld [tilespmem:s26+$0xFFFFFFC0]  }
0x1e7: {  	v1 =	vld [tilespmem:s28+$0xFFFFFFC0];
	_ =	sdelay $0x4  }
0x1e8: {  	v0 =	vadd.f32 v1, v0;
	_ =	sdelay $0x1  }
0x1e9: {  	[tilespmem:s26+$0xFFFFFFC0] =	vst v0;
	v0 =	vld [tilespmem:s26+$0xFFFFFFD0]  }
0x1ea: {  	v1 =	vld [tilespmem:s28+$0xFFFFFFD0];
	_ =	sdelay $0x4  }
0x1eb: {  	v0 =	vadd.f32 v1, v0;
	_ =	sdelay $0x1  }
0x1ec: {  	[tilespmem:s26+$0xFFFFFFD0] =	vst v0;
	v0 =	vld [tilespmem:s26+$0xFFFFFFE0]  }
0x1ed: {  	v1 =	vld [tilespmem:s28+$0xFFFFFFE0];
	_ =	sdelay $0x4  }
0x1ee: {  	v0 =	vadd.f32 v1, v0;
	_ =	sdelay $0x1  }
0x1ef: {  	[tilespmem:s26+$0xFFFFFFE0] =	vst v0;
	v0 =	vld [tilespmem:s26+$0xFFFFFFF0]  }
0x1f0: {  	v1 =	vld [tilespmem:s28+$0xFFFFFFF0];
	_ =	sdelay $0x4  }
0x1f1: {  	v0 =	vadd.f32 v1, v0;
	_ =	sdelay $0x1  }
0x1f2: {  	[tilespmem:s26+$0xFFFFFFF0] =	vst v0;
	v0 =	vld [tilespmem:s26+$0x0]  }
0x1f3: {  	v1 =	vld [tilespmem:s28+$0x0];
	_ =	sdelay $0x4  }
0x1f4: {  	v0 =	vadd.f32 v1, v0;
	_ =	sdelay $0x1  }
0x1f5: {  	[tilespmem:s26+$0x0] =	vst v0;
	v0 =	vld [tilespmem:s26+$0x10]  }
0x1f6: {  	v1 =	vld [tilespmem:s28+$0x10];
	_ =	sdelay $0x4  }
0x1f7: {  	v0 =	vadd.f32 v1, v0;
	_ =	sdelay $0x1  }
0x1f8: {  	[tilespmem:s26+$0x10] =	vst v0;
	v0 =	vld [tilespmem:s26+$0x20]  }
0x1f9: {  	v1 =	vld [tilespmem:s28+$0x20];
	_ =	sdelay $0x4  }
0x1fa: {  	v0 =	vadd.f32 v1, v0;
	_ =	sdelay $0x1  }
0x1fb: {  	[tilespmem:s26+$0x20] =	vst v0;
	v0 =	vld [tilespmem:s26+$0x30]  }
0x1fc: {  	v1 =	vld [tilespmem:s28+$0x30];
	_ =	sdelay $0x4  }
0x1fd: {  	v0 =	vadd.f32 v1, v0;
	_ =	sdelay $0x1  }
0x1fe: {  	[tilespmem:s26+$0x30] =	vst v0;
	v0 =	vld [tilespmem:s26+$0x40]  }
0x1ff: {  	v1 =	vld [tilespmem:s28+$0x40];
	_ =	sdelay $0x4  }
0x200: {  	v0 =	vadd.f32 v1, v0;
	_ =	sdelay $0x1  }
0x201: {  	[tilespmem:s26+$0x40] =	vst v0;
	v0 =	vld [tilespmem:s26+$0x50]  }
0x202: {  	v1 =	vld [tilespmem:s28+$0x50];
	_ =	sdelay $0x4  }
0x203: {  	v0 =	vadd.f32 v1, v0;
	_ =	sdelay $0x1  }
0x204: {  	[tilespmem:s26+$0x50] =	vst v0;
	v0 =	vld [tilespmem:s26+$0x60]  }
0x205: {  	v1 =	vld [tilespmem:s28+$0x60];
	_ =	sdelay $0x4  }
0x206: {  	v0 =	vadd.f32 v1, v0;
	_ =	sdelay $0x1  }
0x207: {  	[tilespmem:s26+$0x60] =	vst v0;
	v0 =	vld [tilespmem:s26+$0x70]  }
0x208: {  	v1 =	vld [tilespmem:s28+$0x70];
	_ =	sdelay $0x4  }
0x209: {  	v0 =	vadd.f32 v1, v0  }
0x20a: {  	s1 =	simm.s32 $0x0;
	s0 =	simm.s32 $0x5380  }
.LBB2_12:
0x20b: {  	v1 =	vld [tilespmem:s0+$0xFFFFFF80];
	[tilespmem:s26+$0x70] =	vst v0;
	s28 =	sadd.s32 $0x100, s28;
	s26 =	smov.u32 s0  }
0x20c: {  	s1 =	sadd.s32 $0x4, s1;
	v0 =	vld [tilespmem:s28+$0xFFFFFF80]  }
0x20d: {  	p0 =	slt.u32 s1, $0xC4;
	_ =	sdelay $0x3  }
0x20e: {  	v0 =	vadd.f32 v0, v1;
	_ =	sdelay $0x1  }
0x20f: {  	[tilespmem:s0+$0xFFFFFF80] =	vst v0;
	v0 =	vld [tilespmem:s0+$0xFFFFFF90]  }
0x210: {  	v1 =	vld [tilespmem:s28+$0xFFFFFF90];
	_ =	sdelay $0x4  }
0x211: {  	v0 =	vadd.f32 v1, v0;
	_ =	sdelay $0x1  }
0x212: {  	[tilespmem:s0+$0xFFFFFF90] =	vst v0;
	v0 =	vld [tilespmem:s0+$0xFFFFFFA0]  }
0x213: {  	v1 =	vld [tilespmem:s28+$0xFFFFFFA0];
	_ =	sdelay $0x4  }
0x214: {  	v0 =	vadd.f32 v1, v0;
	_ =	sdelay $0x1  }
0x215: {  	[tilespmem:s0+$0xFFFFFFA0] =	vst v0;
	v0 =	vld [tilespmem:s0+$0xFFFFFFB0]  }
0x216: {  	v1 =	vld [tilespmem:s28+$0xFFFFFFB0];
	_ =	sdelay $0x4  }
0x217: {  	v0 =	vadd.f32 v1, v0;
	_ =	sdelay $0x1  }
0x218: {  	[tilespmem:s0+$0xFFFFFFB0] =	vst v0;
	v0 =	vld [tilespmem:s0+$0xFFFFFFC0]  }
0x219: {  	v1 =	vld [tilespmem:s28+$0xFFFFFFC0];
	_ =	sdelay $0x4  }
0x21a: {  	v0 =	vadd.f32 v1, v0;
	_ =	sdelay $0x1  }
0x21b: {  	[tilespmem:s0+$0xFFFFFFC0] =	vst v0;
	v0 =	vld [tilespmem:s0+$0xFFFFFFD0]  }
0x21c: {  	v1 =	vld [tilespmem:s28+$0xFFFFFFD0];
	_ =	sdelay $0x4  }
0x21d: {  	v0 =	vadd.f32 v1, v0;
	_ =	sdelay $0x1  }
0x21e: {  	[tilespmem:s0+$0xFFFFFFD0] =	vst v0;
	v0 =	vld [tilespmem:s0+$0xFFFFFFE0]  }
0x21f: {  	v1 =	vld [tilespmem:s28+$0xFFFFFFE0];
	_ =	sdelay $0x4  }
0x220: {  	v0 =	vadd.f32 v1, v0;
	_ =	sdelay $0x1  }
0x221: {  	[tilespmem:s0+$0xFFFFFFE0] =	vst v0;
	v0 =	vld [tilespmem:s0+$0xFFFFFFF0]  }
0x222: {  	v1 =	vld [tilespmem:s28+$0xFFFFFFF0];
	_ =	sdelay $0x4  }
0x223: {  	v0 =	vadd.f32 v1, v0;
	_ =	sdelay $0x1  }
0x224: {  	[tilespmem:s0+$0xFFFFFFF0] =	vst v0;
	v0 =	vld [tilespmem:s0+$0x0]  }
0x225: {  	v1 =	vld [tilespmem:s28+$0x0];
	_ =	sdelay $0x4  }
0x226: {  	v0 =	vadd.f32 v1, v0;
	_ =	sdelay $0x1  }
0x227: {  	[tilespmem:s0+$0x0] =	vst v0;
	v0 =	vld [tilespmem:s0+$0x10]  }
0x228: {  	v1 =	vld [tilespmem:s28+$0x10];
	_ =	sdelay $0x4  }
0x229: {  	v0 =	vadd.f32 v1, v0;
	_ =	sdelay $0x1  }
0x22a: {  	[tilespmem:s0+$0x10] =	vst v0;
	v0 =	vld [tilespmem:s0+$0x20]  }
0x22b: {  	v1 =	vld [tilespmem:s28+$0x20];
	_ =	sdelay $0x4  }
0x22c: {  	v0 =	vadd.f32 v1, v0;
	_ =	sdelay $0x1  }
0x22d: {  	[tilespmem:s0+$0x20] =	vst v0;
	v0 =	vld [tilespmem:s0+$0x30]  }
0x22e: {  	v1 =	vld [tilespmem:s28+$0x30];
	_ =	sdelay $0x4  }
0x22f: {  	v0 =	vadd.f32 v1, v0;
	_ =	sdelay $0x1  }
0x230: {  	[tilespmem:s0+$0x30] =	vst v0;
	v0 =	vld [tilespmem:s0+$0x40]  }
0x231: {  	v1 =	vld [tilespmem:s28+$0x40];
	_ =	sdelay $0x4  }
0x232: {  	v0 =	vadd.f32 v1, v0;
	_ =	sdelay $0x1  }
0x233: {  	[tilespmem:s0+$0x40] =	vst v0;
	v0 =	vld [tilespmem:s0+$0x50]  }
0x234: {  	v1 =	vld [tilespmem:s28+$0x50];
	_ =	sdelay $0x4  }
0x235: {  	v0 =	vadd.f32 v1, v0;
	_ =	sdelay $0x1  }
0x236: {  	[tilespmem:s0+$0x50] =	vst v0;
	v0 =	vld [tilespmem:s0+$0x60]  }
0x237: {  	v1 =	vld [tilespmem:s28+$0x60];
	_ =	sdelay $0x4  }
0x238: {  	v0 =	vadd.f32 v1, v0;
	_ =	sdelay $0x1  }
0x239: {  	[tilespmem:s0+$0x60] =	vst v0;
	v0 =	vld [tilespmem:s0+$0x70]  }
0x23a: {  	v1 =	vld [tilespmem:s28+$0x70];
	_ =	sdelay $0x1  }
.Ltmp5:
0x23b: {  	(pc) =	sbr.rel @p0 .LBB2_12-.Ltmp5, $3  }
0x23c: {  	_ =	sdelay $0x1  }
0x23d: {  	v0 =	vadd.f32 v1, v0  }
0x23e: {  	s0 =	sadd.s32 $0x100, s0  }
0x23f: {  	[tilespmem:s26+$0x70] =	vst v0  }
0x240: {  	[hbm4b:s10+s3] =	stream.linear.scatter [tilespmem:s16], [sflag:$0x3], $0x3200, $0x38;
	[tilespmem:$0xB600] =	vst v63  }
0x241: {  	_ =	swait.ge [sflag:s20], $0x3200  }
0x242: {  	[sflag:s20] =	ssyncset.done $0x0  }
0x243: {  	[sflag:s20] =	ssyncadd.s32 $0xFFFFCE00  }
0x244: {  	_ =	swait.ge [sflag:s21], $0x3200  }
0x245: {  	[sflag:s21] =	ssyncset.done $0x0  }
0x246: {  	s26 =	simm.s32 $0x8480;
	[sflag:s21] =	ssyncadd.s32 $0xFFFFCE00  }
0x247: {  	s28 =	simm.s32 $0x2080;
	v0 =	vld [tilespmem:s26+$0xFFFFFF80]  }
0x248: {  	v1 =	vld [tilespmem:s28+$0xFFFFFF80];
	_ =	sdelay $0x4  }
0x249: {  	v0 =	vadd.f32 v1, v0;
	_ =	sdelay $0x1  }
0x24a: {  	[tilespmem:s26+$0xFFFFFF80] =	vst v0;
	v0 =	vld [tilespmem:s26+$0xFFFFFF90]  }
0x24b: {  	v1 =	vld [tilespmem:s28+$0xFFFFFF90];
	_ =	sdelay $0x4  }
0x24c: {  	v0 =	vadd.f32 v1, v0;
	_ =	sdelay $0x1  }
0x24d: {  	[tilespmem:s26+$0xFFFFFF90] =	vst v0;
	v0 =	vld [tilespmem:s26+$0xFFFFFFA0]  }
0x24e: {  	v1 =	vld [tilespmem:s28+$0xFFFFFFA0];
	_ =	sdelay $0x4  }
0x24f: {  	v0 =	vadd.f32 v1, v0;
	_ =	sdelay $0x1  }
0x250: {  	[tilespmem:s26+$0xFFFFFFA0] =	vst v0;
	v0 =	vld [tilespmem:s26+$0xFFFFFFB0]  }
0x251: {  	v1 =	vld [tilespmem:s28+$0xFFFFFFB0];
	_ =	sdelay $0x4  }
0x252: {  	v0 =	vadd.f32 v1, v0;
	_ =	sdelay $0x1  }
0x253: {  	[tilespmem:s26+$0xFFFFFFB0] =	vst v0;
	v0 =	vld [tilespmem:s26+$0xFFFFFFC0]  }
0x254: {  	v1 =	vld [tilespmem:s28+$0xFFFFFFC0];
	_ =	sdelay $0x4  }
0x255: {  	v0 =	vadd.f32 v1, v0;
	_ =	sdelay $0x1  }
0x256: {  	[tilespmem:s26+$0xFFFFFFC0] =	vst v0;
	v0 =	vld [tilespmem:s26+$0xFFFFFFD0]  }
0x257: {  	v1 =	vld [tilespmem:s28+$0xFFFFFFD0];
	_ =	sdelay $0x4  }
0x258: {  	v0 =	vadd.f32 v1, v0;
	_ =	sdelay $0x1  }
0x259: {  	[tilespmem:s26+$0xFFFFFFD0] =	vst v0;
	v0 =	vld [tilespmem:s26+$0xFFFFFFE0]  }
0x25a: {  	v1 =	vld [tilespmem:s28+$0xFFFFFFE0];
	_ =	sdelay $0x4  }
0x25b: {  	v0 =	vadd.f32 v1, v0;
	_ =	sdelay $0x1  }
0x25c: {  	[tilespmem:s26+$0xFFFFFFE0] =	vst v0;
	v0 =	vld [tilespmem:s26+$0xFFFFFFF0]  }
0x25d: {  	v1 =	vld [tilespmem:s28+$0xFFFFFFF0];
	_ =	sdelay $0x4  }
0x25e: {  	v0 =	vadd.f32 v1, v0;
	_ =	sdelay $0x1  }
0x25f: {  	[tilespmem:s26+$0xFFFFFFF0] =	vst v0;
	v0 =	vld [tilespmem:s26+$0x0]  }
0x260: {  	v1 =	vld [tilespmem:s28+$0x0];
	_ =	sdelay $0x4  }
0x261: {  	v0 =	vadd.f32 v1, v0;
	_ =	sdelay $0x1  }
0x262: {  	[tilespmem:s26+$0x0] =	vst v0;
	v0 =	vld [tilespmem:s26+$0x10]  }
0x263: {  	v1 =	vld [tilespmem:s28+$0x10];
	_ =	sdelay $0x4  }
0x264: {  	v0 =	vadd.f32 v1, v0;
	_ =	sdelay $0x1  }
0x265: {  	[tilespmem:s26+$0x10] =	vst v0;
	v0 =	vld [tilespmem:s26+$0x20]  }
0x266: {  	v1 =	vld [tilespmem:s28+$0x20];
	_ =	sdelay $0x4  }
0x267: {  	v0 =	vadd.f32 v1, v0;
	_ =	sdelay $0x1  }
0x268: {  	[tilespmem:s26+$0x20] =	vst v0;
	v0 =	vld [tilespmem:s26+$0x30]  }
0x269: {  	v1 =	vld [tilespmem:s28+$0x30];
	_ =	sdelay $0x4  }
0x26a: {  	v0 =	vadd.f32 v1, v0;
	_ =	sdelay $0x1  }
0x26b: {  	[tilespmem:s26+$0x30] =	vst v0;
	v0 =	vld [tilespmem:s26+$0x40]  }
0x26c: {  	v1 =	vld [tilespmem:s28+$0x40];
	_ =	sdelay $0x4  }
0x26d: {  	v0 =	vadd.f32 v1, v0;
	_ =	sdelay $0x1  }
0x26e: {  	[tilespmem:s26+$0x40] =	vst v0;
	v0 =	vld [tilespmem:s26+$0x50]  }
0x26f: {  	v1 =	vld [tilespmem:s28+$0x50];
	_ =	sdelay $0x4  }
0x270: {  	v0 =	vadd.f32 v1, v0;
	_ =	sdelay $0x1  }
0x271: {  	[tilespmem:s26+$0x50] =	vst v0;
	v0 =	vld [tilespmem:s26+$0x60]  }
0x272: {  	v1 =	vld [tilespmem:s28+$0x60];
	_ =	sdelay $0x4  }
0x273: {  	v0 =	vadd.f32 v1, v0;
	_ =	sdelay $0x1  }
0x274: {  	[tilespmem:s26+$0x60] =	vst v0;
	v0 =	vld [tilespmem:s26+$0x70]  }
0x275: {  	v1 =	vld [tilespmem:s28+$0x70];
	_ =	sdelay $0x4  }
0x276: {  	v0 =	vadd.f32 v1, v0  }
0x277: {  	s1 =	simm.s32 $0x0;
	s0 =	simm.s32 $0x8580  }
.LBB2_14:
0x278: {  	v1 =	vld [tilespmem:s0+$0xFFFFFF80];
	[tilespmem:s26+$0x70] =	vst v0;
	s28 =	sadd.s32 $0x100, s28;
	s26 =	smov.u32 s0  }
0x279: {  	s1 =	sadd.s32 $0x4, s1;
	v0 =	vld [tilespmem:s28+$0xFFFFFF80]  }
0x27a: {  	p0 =	slt.u32 s1, $0xC4;
	_ =	sdelay $0x3  }
0x27b: {  	v0 =	vadd.f32 v0, v1;
	_ =	sdelay $0x1  }
0x27c: {  	[tilespmem:s0+$0xFFFFFF80] =	vst v0;
	v0 =	vld [tilespmem:s0+$0xFFFFFF90]  }
0x27d: {  	v1 =	vld [tilespmem:s28+$0xFFFFFF90];
	_ =	sdelay $0x4  }
0x27e: {  	v0 =	vadd.f32 v1, v0;
	_ =	sdelay $0x1  }
0x27f: {  	[tilespmem:s0+$0xFFFFFF90] =	vst v0;
	v0 =	vld [tilespmem:s0+$0xFFFFFFA0]  }
0x280: {  	v1 =	vld [tilespmem:s28+$0xFFFFFFA0];
	_ =	sdelay $0x4  }
0x281: {  	v0 =	vadd.f32 v1, v0;
	_ =	sdelay $0x1  }
0x282: {  	[tilespmem:s0+$0xFFFFFFA0] =	vst v0;
	v0 =	vld [tilespmem:s0+$0xFFFFFFB0]  }
0x283: {  	v1 =	vld [tilespmem:s28+$0xFFFFFFB0];
	_ =	sdelay $0x4  }
0x284: {  	v0 =	vadd.f32 v1, v0;
	_ =	sdelay $0x1  }
0x285: {  	[tilespmem:s0+$0xFFFFFFB0] =	vst v0;
	v0 =	vld [tilespmem:s0+$0xFFFFFFC0]  }
0x286: {  	v1 =	vld [tilespmem:s28+$0xFFFFFFC0];
	_ =	sdelay $0x4  }
0x287: {  	v0 =	vadd.f32 v1, v0;
	_ =	sdelay $0x1  }
0x288: {  	[tilespmem:s0+$0xFFFFFFC0] =	vst v0;
	v0 =	vld [tilespmem:s0+$0xFFFFFFD0]  }
0x289: {  	v1 =	vld [tilespmem:s28+$0xFFFFFFD0];
	_ =	sdelay $0x4  }
0x28a: {  	v0 =	vadd.f32 v1, v0;
	_ =	sdelay $0x1  }
0x28b: {  	[tilespmem:s0+$0xFFFFFFD0] =	vst v0;
	v0 =	vld [tilespmem:s0+$0xFFFFFFE0]  }
0x28c: {  	v1 =	vld [tilespmem:s28+$0xFFFFFFE0];
	_ =	sdelay $0x4  }
0x28d: {  	v0 =	vadd.f32 v1, v0;
	_ =	sdelay $0x1  }
0x28e: {  	[tilespmem:s0+$0xFFFFFFE0] =	vst v0;
	v0 =	vld [tilespmem:s0+$0xFFFFFFF0]  }
0x28f: {  	v1 =	vld [tilespmem:s28+$0xFFFFFFF0];
	_ =	sdelay $0x4  }
0x290: {  	v0 =	vadd.f32 v1, v0;
	_ =	sdelay $0x1  }
0x291: {  	[tilespmem:s0+$0xFFFFFFF0] =	vst v0;
	v0 =	vld [tilespmem:s0+$0x0]  }
0x292: {  	v1 =	vld [tilespmem:s28+$0x0];
	_ =	sdelay $0x4  }
0x293: {  	v0 =	vadd.f32 v1, v0;
	_ =	sdelay $0x1  }
0x294: {  	[tilespmem:s0+$0x0] =	vst v0;
	v0 =	vld [tilespmem:s0+$0x10]  }
0x295: {  	v1 =	vld [tilespmem:s28+$0x10];
	_ =	sdelay $0x4  }
0x296: {  	v0 =	vadd.f32 v1, v0;
	_ =	sdelay $0x1  }
0x297: {  	[tilespmem:s0+$0x10] =	vst v0;
	v0 =	vld [tilespmem:s0+$0x20]  }
0x298: {  	v1 =	vld [tilespmem:s28+$0x20];
	_ =	sdelay $0x4  }
0x299: {  	v0 =	vadd.f32 v1, v0;
	_ =	sdelay $0x1  }
0x29a: {  	[tilespmem:s0+$0x20] =	vst v0;
	v0 =	vld [tilespmem:s0+$0x30]  }
0x29b: {  	v1 =	vld [tilespmem:s28+$0x30];
	_ =	sdelay $0x4  }
0x29c: {  	v0 =	vadd.f32 v1, v0;
	_ =	sdelay $0x1  }
0x29d: {  	[tilespmem:s0+$0x30] =	vst v0;
	v0 =	vld [tilespmem:s0+$0x40]  }
0x29e: {  	v1 =	vld [tilespmem:s28+$0x40];
	_ =	sdelay $0x4  }
0x29f: {  	v0 =	vadd.f32 v1, v0;
	_ =	sdelay $0x1  }
0x2a0: {  	[tilespmem:s0+$0x40] =	vst v0;
	v0 =	vld [tilespmem:s0+$0x50]  }
0x2a1: {  	v1 =	vld [tilespmem:s28+$0x50];
	_ =	sdelay $0x4  }
0x2a2: {  	v0 =	vadd.f32 v1, v0;
	_ =	sdelay $0x1  }
0x2a3: {  	[tilespmem:s0+$0x50] =	vst v0;
	v0 =	vld [tilespmem:s0+$0x60]  }
0x2a4: {  	v1 =	vld [tilespmem:s28+$0x60];
	_ =	sdelay $0x4  }
0x2a5: {  	v0 =	vadd.f32 v1, v0;
	_ =	sdelay $0x1  }
0x2a6: {  	[tilespmem:s0+$0x60] =	vst v0;
	v0 =	vld [tilespmem:s0+$0x70]  }
0x2a7: {  	v1 =	vld [tilespmem:s28+$0x70];
	_ =	sdelay $0x1  }
.Ltmp6:
0x2a8: {  	(pc) =	sbr.rel @p0 .LBB2_14-.Ltmp6, $3  }
0x2a9: {  	_ =	sdelay $0x1  }
0x2aa: {  	v0 =	vadd.f32 v1, v0  }
0x2ab: {  	s0 =	sadd.s32 $0x100, s0  }
0x2ac: {  	s25 =	sadd.s32 $0x1, s25  }
0x2ad: {  	p0 =	sne.s32 s25, s12  }
.Ltmp7:
0x2ae: {  	[tilespmem:s26+$0x70] =	vst v0;
	(pc) =	sbr.rel @p0 .LBB2_1-.Ltmp7, $4  }
0x2af: {  	[hbm4b:s11+s3] =	stream.linear.scatter [tilespmem:s19], [sflag:$0x4], $0x3200, $0x38;
	[tilespmem:$0xB600] =	vst v63  }
0x2b0: {  	_ =	swait.ge [sflag:s23], $0x3200  }
0x2b1: {  	[sflag:s23] =	ssyncset.done $0x0  }
0x2b2: {  	[sflag:s23] =	ssyncadd.s32 $0xFFFFCE00  }
0x2b3: {  	_ =	sfence.sel $0x180000  }
0x2b4: {  	[bflag:$0x0] =	sbarrier.arrive $0xFFFF  }
0x2b5: {  	_ =	strace $0x90000047  }
0x2b6: {  	s0 =	stileid.u32;
	[bflag:$0x2] =	sbarrier.arrive $0xFFFF  }
0x2b7: {  	p0 =	sne.s32 s0, $0x0;
	s0 =	rddreg [dreg:$0x2]  }
0x2b8: {  	s0 =	sadd.s32 @!p0 $0x100000, s0  }
0x2b9: {  	[sflag:s0] =	ssyncadd.tile.s32 @!p0 $0x1;
	_ =	shalt  }
.Lfunc_end2:
_tile_overlayer_lowered:
.L_overlay_start_2:
0x2ba: {  	(tag) =	ssettag $0x2  }
0x2bb: {  	s0 =	rddreg [dreg:$0x0];
	s2 =	stileid.u32  }
0x2bc: {  	s1 =	rddreg [dreg:$0x1];
	p0 =	sne.s32 s2, $0x0  }
0x2bd: {  	s3 =	rddreg [dreg:$0x2];
	[bflag:$0x3] =	sbarrier.arrive $0xFFFF;
	s2 =	simm.s32 @!p0 $0x1C05  }
0x2be: {  	[timem:s3], [sflag:s2] =	dma.local @!p0 [hbm:s0], s1  }
0x2bf: {  	s0 =	simm.s32 @!p0 $0x5  }
0x2c0: {  	_ =	swait.ge @!p0 [sflag:s0], s1  }
0x2c1: {  	s1 =	ssub.s32 @!p0 $0x0, s1;
	[sflag:s0] =	ssyncset.done @!p0 $0x0  }
0x2c2: {  	[sflag:s0] =	ssyncadd.s32 @!p0 s1  }
0x2c3: {  	[bflag:$0x3] =	sbarrier.arrive $0xFFFF  }
0x2c4: {  	_ =	shalt  }

// kernel: sparse-core-data-format-call.cloned.1.call-start
scs
called_computation_lowered:
.L_overlay_start_0:
0x0: {  	s2 =	sld [smem:$0x3FD9]  }
0x1: {  	s3 =	sld [smem:$0x3FFE];
	_ =	sdelay $0x1  }
0x2: {  	s1 =	srdreg.scid  }
0x3: {  	s0 =	sand.u32 $0x1, s1  }
0x4: {  	s18 =	sshll.u32 s0, $0xA;
	s2 =	sadd.s32 s3, s2  }
0x5: {  	s2 =	sadd.s32 s2, s18  }
0x6: {  	[smem:$0x3FC5] =	sst s2  }
0x7: {  	_ = 	snop  }
0x8: {  	s2 =	sld [smem:$0x3FD0];
	(tm) =	ssettm $0x1  }
0x9: {  	s19 =	sld [smem:$0x3FFB];
	_ =	sdelay $0x3  }
0xa: {  	_ =	strace s19  }
0xb: {  	s3 =	sld [smem:$0x3FFC];
	_ =	sdelay $0x3  }
0xc: {  	_ =	strace s3  }
0xd: {  	s3 =	sld [smem:$0x3FFD];
	_ =	sdelay $0x3  }
0xe: {  	_ =	strace s3  }
0xf: {  	_ =	strace $0x8FFFFFFF  }
0x10: {  	s20 =	sld [smem:$0x3FDB];
	_ =	sdelay $0x1  }
0x11: {  	s4 =	simm.s32 $_scs_section_size  }
0x12: {  	s5 =	simm.s32 $_size__tile_overlayer_lowered;
	s6 =	simm.s32 $_tile_overlayer_lowered  }
0x13: {  	s23 =	simm.s32 $0x1BFF;
	s22 =	sshll.u32 s6, $0x1;
	s3 =	sadd.s32 s4, s20  }
0x14: {  	s7 =	simm.s32 $0x0;
	s21 =	sshll.u32 s5, $0x1;
	s5 =	sadd.s32 s22, s3  }
0x15: {  	[timem:s7], [sflag:s23] =	dma.local [hbm:s5], s21  }
0x16: {  	_ =	swait.ge [sflag:s23], s21  }
0x17: {  	s4 =	ssub.s32 $0x0, s21;
	[sflag:s23] =	ssyncset.done $0x0  }
0x18: {  	[sflag:s23] =	ssyncadd.s32 s4;
	_ =	sdelay $0x1  }
0x19: {  	s24 =	simm.s32 $0x1B8B  }
0x1a: {  	_ =	swait.ge [sflag:s24], $0x1  }
0x1b: {  	[sflag:s24] =	ssyncset.done $0x0  }
0x1c: {  	s26 =	simm.s32 $0x1B8E;
	s25 =	sld [smem:$0x3FFE];
	[sflag:s24] =	ssyncadd.s32 $0xFFFFFFFF  }
0x1d: {  	s27 =	simm.s32 $execute0_lowered;
	[smem:$0x3FD2] =	sst s26  }
0x1e: {  	s5 =	sshll.u32 s27, $0x1;
	_ =	strace $0x80000049;
	[dreg:$0x1] =	wrdreg $0xFFFFFFFF  }
0x1f: {  	s28 =	simm.s32 $_size_execute0_lowered;
	s3 =	sadd.s32 s3, s5;
	[dreg:$0x0] =	wrdreg $0x0  }
0x20: {  	s5 =	sshll.u32 s28, $0x1;
	[dreg:$0x2] =	wrdreg s3  }
0x21: {  	[dreg:$0x3] =	wrdreg s5  }
0x22: {  	[dreg:$0x4] =	wrdreg $0xC0  }
0x23: {  	_ =	task [dreg:s7], $0x5FFFF  }
0x24: {  	[dreg:$0x1] =	wrdreg $0xFFFFFFFF  }
0x25: {  	[dreg:$0x0] =	wrdreg $0x60  }
0x26: {  	[dreg:$0x2] =	wrdreg s25  }
0x27: {  	[dreg:$0x3] =	wrdreg s2  }
0x28: {  	[dreg:$0x4] =	wrdreg $0x9  }
0x29: {  	_ =	task.clear_ibuf [dreg:s7], $0x5FFFF;
	_ =	strace $0x90000049  }
0x2a: {  	s29 =	simm.s32 $0x9;
	_ =	strace $0x8000004B  }
0x2b: {  	_ =	swait.ge [sflag:s29], $0x1  }
0x2c: {  	[sflag:s29] =	ssyncadd.s32 $0xFFFFFFFF  }
0x2d: {  	_ =	strace $0x9000004B  }
0x2e: {  	_ =	sfence  }
0x2f: {  	s30 =	sld [smem:$0x0];
	_ =	sdelay $0x2  }
0x30: {  	s31 =	sshll.u32 s1, $0xD;
	s1 =	sshrl.u32 s1, $0x2  }
0x31: {  	s3 =	sand.u32 $0x4000, s31;
	s1 =	sadd.s32 s1, s30  }
0x32: {  	s0 =	sor.u32 s3, s0;
	s1 =	sshll.u32 s1, $0x11  }
0x33: {  	s0 =	sor.u32 s1, s0  }
0x34: {  	s0 =	sadd.s32 $0x8F2B, s0  }
0x35: {  	[sflag:s0] =	ssyncadd.remote.s32 $0x1  }
0x36: {  	_ =	sfence.sel $0xFFFF  }
0x37: {  	[dreg:$0x0] =	wrdreg $0xFFFFFFFF;
	(pc) =	sbr.abs _section_cstart, $3  }
0x38: {  	[dreg:$0x1] =	wrdreg $0xFFFFFFFF  }
0x39: {  	_ =	task.clear_ibuf [dreg:s7], $0x2FFFF;
	_ =	strace $0x9FFFFFFF  }
0x3a: {  	(tm) =	ssettm $0x7FFFFFFF  }
0x3b: {  	_ =	shalt  }
tec
execute0_lowered:
.L_overlay_start_1:
0x0: {  	(tag) =	ssettag $0x1  }
0x1: {  	s0 =	stileid.u32;
	s6 =	rddreg [dreg:$0x0]  }
0x2: {  	s2 =	rddreg [dreg:$0x1];
	s5 =	srdreg.scid  }
0x3: {  	s31 =	simm.s32 $0x2;
	s13 =	simm.s32 $0x0;
	s1 =	sshll.u32 s0, $0x7  }
0x4: {  	s14 =	simm.s32 $0x0;
	s12 =	simm.s32 $0x0;
	s3 =	sand.u32 $0x380, s1  }
0x5: {  	s5 =	sshll.u32 s5, $0x4;
	s6 =	sadd.s32 $0xC00, s6;
	s4 =	ssub.s32 $0x400, s3  }
0x6: {  	s1 =	rddreg [dreg:$0x2];
	_ =	strace $0x8000004A;
	s7 =	sand.u32 $0x380, s4  }
0x7: {  	s5 =	sand.u32 $0x10, s5;
	p0 =	sne.s32 s7, $0x0;
	s7 =	simm.s32 $0x1  }
.Ltmp0:
0x8: {  	s8 =	sshrl.u32 s4, $0xA;
	s7 =	simm.s32 @!p0 $0x0;
	(pc) =	sbr.rel .LBB1_1-.Ltmp0, $4  }
0x9: {  	s9 =	sor.u32 s0, s5;
	s4 =	simm.s32 $0x1;
	s30 =	sadd.s32 s7, s8  }
0xa: {  	s11 =	smov.u32 s3;
	[sflag:s4] =	ssyncpa.u1 $0x0;
	s5 =	smul.u32 $0x32, s30  }
0xb: {  	[sflag:s31] =	ssyncpa.u1 $0x0;
	p0 =	por $0x0, $0x0;
	s7 =	sshrl.u32 s9, $0x3  }
0xc: {  	s9 =	simm.s32 $0x2000;
	s10 =	smov.u32 s7;
	s8 =	sor.u32 $0x1, s5  }
.LBB1_4:
0xd: {  	s17 =	sand.u32 $0x1F80, s14;
	s13 =	sshll.u32 s13, $0xD  }
0xe: {  	[tilespmem:s16+$0x810 ss:$0x81] =	vst.msk $0xffff, v2;
	s18 =	sshrl.u32 s14, $0x3;
	s31 =	sand.u32 $0x7, s14;
	s17 =	sadd.s32 s2, s17  }
0xf: {  	[tilespmem:s16+$0x1020 ss:$0x81] =	vst.msk $0xffff, v0;
	s18 =	sand.u32 $0xF, s18;
	s14 =	sshll.u32 s31, $0x12;
	s13 =	sadd.s32 s13, s17  }
0x10: {  	[tilespmem:s16+$0x0 ss:$0x81] =	vst.msk $0xffff, v1;
	s14 =	sor.u32 $0x400, s14;
	s13 =	sadd.s32 s18, s13  }
0x11: {  	[hbm4b:s13+s14] =	stream.strided.scatter [tilespmem:s15], [sflag:$0x2], $0x2000, s9, s14, $0x20;
	[tilespmem:$0x8080] =	vst v63  }
.LBB1_5:
0x12: {  	s15 =	sadd.s32 $0x4, s10  }
0x13: {  	s13 =	sadd.s32 $0x400, s11;
	s17 =	smov.u32 s11;
	p2 =	sgt.s32 s15, $0xC7  }
0x14: {  	s17 =	smov.u32 @p2 s13  }
0x15: {  	s15 =	smov.u32 @p2 s7;
	p2 =	sgt.s32 s17, $0x3FF  }
0x16: {  	s17 =	smov.u32 @p2 s3;
	p2 =	sne.s32 s12, s8  }
.Ltmp1:
0x17: {  	p1 =	slt.u32 s12, $0x2;
	(pc) =	sbr.rel @!p2 .LBB1_6-.Ltmp1, $4  }
0x18: {  	s16 =	simm.s32 @!p1 $0x2  }
0x19: {  	s14 =	smov.u32 s11;
	p0 =	por !p0, !p0;
	_ =	swait.ge @!p1 [sflag:s16], $0x2000  }
0x1a: {  	s13 =	smov.u32 s10;
	[sflag:s16] =	ssyncset.done @!p1 $0x0;
	s10 =	smov.u32 s15  }
0x1b: {  	s12 =	sadd.s32 $0x1, s12;
	[sflag:s16] =	ssyncadd.s32 @!p1 $0xFFFFE000;
	s11 =	smov.u32 s17  }
.LBB1_1:
0x1c: {  	p1 =	sge.u32 s12, s5  }
0x1d: {  	s15 =	sand.u32 @!p1 $0x1FFFFFF, s10  }
0x1e: {  	s16 =	smulhi.u32 @!p1 $0x147AE15, s15;
	_ =	sdelay $0x1  }
0x1f: {  	s16 =	smul.u32 @!p1 $0xC8, s16  }
0x20: {  	s17 =	sxor.u32 @!p1 $0xFFFFFFFF, s12;
	s18 =	smul.u32 @!p1 $0xC80, s11  }
0x21: {  	s31 =	sadd.s32 $0xFFFFFFFF, s12;
	s17 =	sshll.u32 @!p1 s17, $0xD;
	s15 =	ssub.s32 @!p1 s15, s16  }
0x22: {  	s16 =	sand.u32 @!p1 $0x2000, s17;
	s17 =	sadd.s32 @!p1 s6, s18;
	s15 =	sshll.u32 @!p1 s15, $0x4  }
0x23: {  	s18 =	simm.s32 @!p1 $0x6400;
	s15 =	sadd.s32 @!p1 s15, s17;
	s17 =	simm.s32 @!p1 $0x40  }
0x24: {  	[tilespmem:s16], [sflag:$0x1] =	stream.strided.gather @!p1 [hbm4b:s15+s17], $0x2000, s18, s17, $0x38;
	[tilespmem:$0x8080] =	vst v63  }
0x25: {  	p1 =	sge.u32 s31, s5  }
.Ltmp2:
0x26: {  	_ = 	snop;
	(pc) =	sbr.rel @p1 .LBB1_5-.Ltmp2, $1  }
0x27: {  	_ =	sdelay $0x3  }
0x28: {  	s15 =	simm.s32 $0x1  }
0x29: {  	_ =	swait.ge [sflag:s4], $0x2000;
	s15 =	simm.s32 @!p0 $0x0  }
0x2a: {  	[sflag:s4] =	ssyncset.done $0x0;
	s16 =	sshll.u32 s15, $0xD  }
0x2b: {  	[sflag:s4] =	ssyncadd.s32 $0xFFFFE000;
	s19 =	sor.u32 $0x20, s16  }
0x2c: {  	s15 =	smul.u32 $0x8100, s15;
	v3 =	vld [tilespmem:s19+$0x10]  }
0x2d: {  	s30 =	sand.u32 $0x1, s12;
	v2 =	vld [tilespmem:s19+$0xFFFFFFF0]  }
0x2e: {  	s16 =	smul.u32 $0x8100, s30;
	s15 =	sshrl.u32 s15, $0x2;
	v0 =	vld [tilespmem:s19+$0x0]  }
0x2f: {  	v1 =	vld [tilespmem:s19+$0xFFFFFFE0];
	s17 =	sor.u32 $0x4000, s15  }
0x30: {  	s31 =	sshrl.u32 s16, $0x2;
	s16 =	sadd.s32 $0x0, s17  }
0x31: {  	s18 =	simm.s32 $0x4;
	s19 =	sadd.s32 $0x40, s19;
	s15 =	sor.u32 $0x4000, s31;
	[tilespmem:s16+$0x1830 ss:$0x81] =	vst.msk $0xffff, v3  }
.LBB1_3:
0x32: {  	v3 =	vld [tilespmem:s19+$0x10];
	p1 =	sne.s32 s18, $0x1FC;
	[tilespmem:s16+$0x810 ss:$0x81] =	vst.msk $0xffff, v2;
	s20 =	smov.u32 s18;
	s18 =	sadd.s32 $0x4, s18  }
.Ltmp3:
0x33: {  	v2 =	vld [tilespmem:s19+$0xFFFFFFF0];
	[tilespmem:s16+$0x1020 ss:$0x81] =	vst.msk $0xffff, v0;
	(pc) =	sbr.rel @p1 .LBB1_3-.Ltmp3, $4  }
0x34: {  	v0 =	vld [tilespmem:s19+$0x0];
	[tilespmem:s16+$0x0 ss:$0x81] =	vst.msk $0xffff, v1  }
0x35: {  	s16 =	sshra.s32 s20, $0x2;
	v1 =	vld [tilespmem:s19+$0xFFFFFFE0]  }
0x36: {  	s16 =	sadd.s32 s16, s17  }
0x37: {  	s19 =	sadd.s32 $0x40, s19;
	[tilespmem:s16+$0x1830 ss:$0x81] =	vst.msk $0xffff, v3  }
.Ltmp4:
0x38: {  	_ = 	snop;
	(pc) =	sbr.rel .LBB1_4-.Ltmp4, $1  }
0x39: {  	_ =	sdelay $0x3  }
.LBB1_6:
0x3a: {  	_ =	sfence.sel $0x180000  }
0x3b: {  	s2 =	simm.s32 $0x1;
	[bflag:$0x0] =	sbarrier.arrive $0xFFFF  }
0x3c: {  	s31 =	simm.s32 $0x2;
	[sflag:s2] =	ssyncpa.u1 $0x1  }
0x3d: {  	[sflag:s31] =	ssyncpa.u1 $0x1  }
0x3e: {  	p0 =	sne.s32 s0, $0x0;
	_ =	strace $0x9000004A  }
0x3f: {  	s0 =	sadd.s32 @!p0 $0x100000, s1;
	[bflag:$0x2] =	sbarrier.arrive $0xFFFF  }
0x40: {  	[sflag:s0] =	ssyncadd.tile.s32 @!p0 $0x1;
	_ =	shalt  }
.Lfunc_end1:
_tile_overlayer_lowered:
.L_overlay_start_2:
0x41: {  	(tag) =	ssettag $0x2  }
0x42: {  	s0 =	rddreg [dreg:$0x0];
	s2 =	stileid.u32  }
0x43: {  	s1 =	rddreg [dreg:$0x1];
	p0 =	sne.s32 s2, $0x0  }
0x44: {  	s3 =	rddreg [dreg:$0x2];
	[bflag:$0x3] =	sbarrier.arrive $0xFFFF;
	s2 =	simm.s32 @!p0 $0x1C01  }
0x45: {  	[timem:s3], [sflag:s2] =	dma.local @!p0 [hbm:s0], s1  }
0x46: {  	s0 =	simm.s32 @!p0 $0x1  }
0x47: {  	_ =	swait.ge @!p0 [sflag:s0], s1  }
0x48: {  	s1 =	ssub.s32 @!p0 $0x0, s1;
	[sflag:s0] =	ssyncset.done @!p0 $0x0  }
0x49: {  	[sflag:s0] =	ssyncadd.s32 @!p0 s1  }
0x4a: {  	[bflag:$0x3] =	sbarrier.arrive $0xFFFF  }
0x4b: {  	_ =	shalt  }

</sc_bundles>
